<compile_context>
chip_gen: v7x
topology: tpu7x:2x2x1
jax: 0.10.2.dev20260603
libtpu: 0.0.44.dev20260713+nightly
codegen_flags: <defaults>
</compile_context>

<pallas_src>
import functools

import jax
import jax.numpy as jnp
from jax import lax
from jax.experimental import pallas as pl
from jax.experimental.pallas import tpu as pltpu
from jax.experimental.pallas import tpu_sc as plsc

N_NODES = 10000
N_EDGES = 160000
D_IN = 256
D_HID = 128
D_OUT = 64

NC = 2
NS = 16
NW = NC * NS

N_PAD = 10240
E_PAD = 163840
CHUNK = 128
ROWS_PER_TILE = N_PAD // NS
CNT_W = 8
D_HALF = 64


def _make_sc_agg(n_chunks, feature_split, with_cnt, NBUF):
  D = D_HALF
  mesh = plsc.VectorSubcoreMesh(core_axis_name="c", subcore_axis_name="s")
  out_type = [jax.ShapeDtypeStruct((N_PAD, 2 * D), jnp.float32)]
  if with_cnt:
    out_type.append(jax.ShapeDtypeStruct((N_PAD, 2 * D), jnp.float32))
  scratch = [
      pltpu.VMEM((n_chunks, CHUNK), jnp.int32),
      pltpu.VMEM((n_chunks, CHUNK), jnp.int32),
      [pltpu.VMEM((CHUNK, D), jnp.float32) for _ in range(NBUF)],
      pltpu.VMEM_SHARED((N_PAD, D), jnp.float32),
      [pltpu.SemaphoreType.DMA for _ in range(NBUF)],
      [pltpu.SemaphoreType.DMA for _ in range(NBUF)],
  ]
  if with_cnt:
    scratch += [
        pltpu.VMEM((CHUNK, CNT_W), jnp.float32),
        pltpu.VMEM_SHARED((N_PAD, CNT_W), jnp.float32),
        [pltpu.SemaphoreType.DMA for _ in range(NBUF)],
    ]

  def body(p_hbm, edges_hbm, *rest):
    if with_cnt:
      (out_hbm, cnt_hbm, src_v, dst_v, rows, acc_sh, sem_g, sem_s, ones_v,
       cnt_sh, sem_c) = rest
    else:
      out_hbm, src_v, dst_v, rows, acc_sh, sem_g, sem_s = rest
    cid = lax.axis_index("c")
    sid = lax.axis_index("s")
    row0 = sid * ROWS_PER_TILE
    if feature_split:
      chunk0 = sid * n_chunks
    else:
      chunk0 = (sid * NC + cid) * n_chunks

    pltpu.sync_copy(edges_hbm.at[0, pl.ds(chunk0, n_chunks)], src_v)
    pltpu.sync_copy(edges_hbm.at[1, pl.ds(chunk0, n_chunks)], dst_v)
    half = cid if feature_split else 0

    def adjust(i, carry):
      for j in range(CHUNK // 16):
        sl = src_v[i, pl.ds(j * 16, 16)]
        src_v[i, pl.ds(j * 16, 16)] = sl + sl + half
      return carry
    lax.fori_loop(0, n_chunks, adjust, 0)

    def zero_row(i, carry):
      for j in range(D // 16):
        rows[0][i, pl.ds(j * 16, 16)] = jnp.zeros((16,), jnp.float32)
      return carry
    lax.fori_loop(0, CHUNK, zero_row, 0)
    for r in range(ROWS_PER_TILE // CHUNK):
      pltpu.sync_copy(rows[0], acc_sh.at[pl.ds(row0 + r * CHUNK, CHUNK)])
    if with_cnt:
      def zero_ones(i, carry):
        ones_v[i, :] = jnp.zeros((CNT_W,), jnp.float32)
        return carry
      lax.fori_loop(0, CHUNK, zero_ones, 0)
      for r in range(ROWS_PER_TILE // CHUNK):
        pltpu.sync_copy(ones_v, cnt_sh.at[pl.ds(row0 + r * CHUNK, CHUNK)])
      def fill_ones(i, carry):
        ones_v[i, :] = jnp.ones((CNT_W,), jnp.float32)
        return carry
      lax.fori_loop(0, CHUNK, fill_ones, 0)
    plsc.subcore_barrier()

    def gather(k, b):
      pltpu.async_copy(p_hbm.at[src_v.at[k]], rows[b], sem_g[b])

    def scatter(k, b):
      pltpu.async_copy(rows[b], acc_sh.at[dst_v.at[k]], sem_s[b], add=True)

    for b in range(NBUF - 1):
      gather(b, b)

    def step(j, carry):
      for b in range(NBUF):
        k = j * NBUF + b
        pltpu.make_async_copy(p_hbm.at[src_v.at[k]], rows[b],
                              sem_g[b]).wait()
        scatter(k, b)
        if with_cnt:
          @pl.when(k >= NBUF)
          def _wait_cnt(b=b, k=k):
            pltpu.make_async_copy(ones_v, cnt_sh.at[dst_v.at[k - NBUF]],
                                  sem_c[b]).wait()
          pltpu.async_copy(ones_v, cnt_sh.at[dst_v.at[k]], sem_c[b], add=True)
        bn = (b + NBUF - 1) % NBUF
        kn = k + NBUF - 1

        @pl.when(k >= 1)
        def _wait_prev(bn=bn, kn=kn):
          pltpu.make_async_copy(rows[bn], acc_sh.at[dst_v.at[kn - NBUF]],
                                sem_s[bn]).wait()

        @pl.when(kn < n_chunks)
        def _prefetch(bn=bn, kn=kn):
          gather(kn, bn)
      return carry
    lax.fori_loop(0, n_chunks // NBUF, step, 0)
    bl = (n_chunks - 1) % NBUF
    pltpu.make_async_copy(rows[bl], acc_sh.at[dst_v.at[n_chunks - 1]],
                          sem_s[bl]).wait()
    if with_cnt:
      for b in range(NBUF):
        kf = n_chunks - NBUF + b
        pltpu.make_async_copy(ones_v, cnt_sh.at[dst_v.at[kf]],
                              sem_c[b]).wait()

    plsc.subcore_barrier()
    col0 = cid * D
    pltpu.sync_copy(acc_sh.at[pl.ds(row0, ROWS_PER_TILE)],
                    out_hbm.at[pl.ds(row0, ROWS_PER_TILE), pl.ds(col0, D)])
    if with_cnt:
      @pl.when(cid == 0)
      def _cnt_out():
        pltpu.sync_copy(cnt_sh.at[pl.ds(row0, ROWS_PER_TILE)],
                        cnt_hbm.at[pl.ds(row0, ROWS_PER_TILE),
                                   pl.ds(0, CNT_W)])

  return pl.kernel(body, out_type=out_type, mesh=mesh, scratch_types=scratch,
                   compiler_params=pltpu.CompilerParams(
                       use_tc_tiling_on_sc=False))


_make_sc_agg = functools.lru_cache(maxsize=None)(_make_sc_agg)


def _agg_l1(p_tab, edges):
  return _make_sc_agg(E_PAD // CHUNK // NS, True, True, 5)(p_tab, edges)


def _agg_l2(p_tab, edges):
  out = _make_sc_agg(E_PAD // CHUNK // NW, False, False, 8)(p_tab, edges)
  if isinstance(out, (list, tuple)):
    out = out[0]
  return out


_BR = 2048


def _proj1_body(x_ref, w_ref, p_ref, xr_ref):
  w = w_ref[...].astype(jnp.bfloat16)
  x = x_ref[...].astype(jnp.bfloat16)
  p_ref[...] = jnp.dot(x, w[:, :D_HID], preferred_element_type=jnp.float32)
  xr_ref[...] = jnp.dot(x, w[:, D_HID:], preferred_element_type=jnp.float32)


def _proj1(x, w):
  k = x.shape[1]
  n = w.shape[1]
  return pl.pallas_call(
      _proj1_body,
      grid=(N_PAD // _BR,),
      in_specs=[
          pl.BlockSpec((_BR, k), lambda i: (i, 0)),
          pl.BlockSpec((k, n), lambda i: (0, 0)),
      ],
      out_specs=[
          pl.BlockSpec((_BR, D_HID), lambda i: (i, 0)),
          pl.BlockSpec((_BR, D_HID), lambda i: (i, 0)),
      ],
      out_shape=[
          jax.ShapeDtypeStruct((N_PAD, D_HID), jnp.float32),
          jax.ShapeDtypeStruct((N_PAD, D_HID), jnp.float32),
      ],
  )(x, w)


def _mid_body(s_ref, c_ref, xr_ref, b_ref, w_ref, o_ref):
  rcnt = 1.0 / jnp.maximum(c_ref[:, 0:1], 1.0)
  h = s_ref[...] * rcnt + xr_ref[...] + b_ref[...]
  h = jnp.maximum(h, 0.0).astype(jnp.bfloat16)
  o_ref[...] = jnp.dot(h, w_ref[...].astype(jnp.bfloat16),
                       preferred_element_type=jnp.float32)


def _layer_mid(s, c, xr, b, w):
  m, d = s.shape
  n = w.shape[1]
  return pl.pallas_call(
      _mid_body,
      grid=(m // _BR,),
      in_specs=[
          pl.BlockSpec((_BR, d), lambda i: (i, 0)),
          pl.BlockSpec((_BR, d), lambda i: (i, 0)),
          pl.BlockSpec((_BR, d), lambda i: (i, 0)),
          pl.BlockSpec((1, d), lambda i: (0, 0)),
          pl.BlockSpec((d, n), lambda i: (0, 0)),
      ],
      out_specs=pl.BlockSpec((_BR, n), lambda i: (i, 0)),
      out_shape=jax.ShapeDtypeStruct((m, n), jnp.float32),
  )(s, c, xr, b, w)


def _out_body(a_ref, c_ref, h2_ref, b_ref, o_ref):
  rcnt = 1.0 / jnp.maximum(c_ref[:, 0:1], 1.0)
  s2 = a_ref[:, :D_OUT] + a_ref[:, D_OUT:]
  o = s2 * rcnt + h2_ref[:, D_OUT:] + b_ref[...]
  m = jnp.max(o, axis=-1, keepdims=True)
  e = jnp.exp(o - m)
  lse = m + jnp.log(jnp.sum(e, axis=-1, keepdims=True))
  o_ref[...] = o - lse


def _layer_out(a, c, h2, b):
  m, d = a.shape
  return pl.pallas_call(
      _out_body,
      grid=(m // _BR,),
      in_specs=[
          pl.BlockSpec((_BR, d), lambda i: (i, 0)),
          pl.BlockSpec((_BR, d), lambda i: (i, 0)),
          pl.BlockSpec((_BR, d), lambda i: (i, 0)),
          pl.BlockSpec((1, D_OUT), lambda i: (0, 0)),
      ],
      out_specs=pl.BlockSpec((_BR, D_OUT), lambda i: (i, 0)),
      out_shape=jax.ShapeDtypeStruct((N_NODES, D_OUT), jnp.float32),
  )(a, c, h2, b)


def kernel(x, edge_index, W1l, W1r, b1, W2l, W2r, b2):
  ei = edge_index.astype(jnp.int32)
  npad = E_PAD - N_EDGES
  pad_i = jnp.arange(npad, dtype=jnp.int32)
  pad_src = pad_i % N_NODES
  pad_dst = N_NODES + pad_i % (N_PAD - N_NODES)
  edges = jnp.concatenate(
      [ei, jnp.stack([pad_src, pad_dst])], axis=1
  ).reshape(2, E_PAD // CHUNK, CHUNK)

  wcat1 = jnp.concatenate([W1l.T, W1r.T], axis=1)
  p1, xr = _proj1(x, wcat1)

  agg1, cnt = _agg_l1(p1.reshape(2 * N_PAD, D_HALF), edges)

  wcat2 = jnp.concatenate([W2l.T, W2r.T], axis=1)
  out2 = _layer_mid(agg1, cnt, xr, b1.reshape(1, -1), wcat2)

  agg2 = _agg_l2(out2.reshape(2 * N_PAD, D_HALF), edges)

  return _layer_out(agg2, cnt, out2, b2.reshape(1, -1))

# --- scband reference (transcript-rebuilt; emitter-appended) ---
"""Pipeline reference for scband-net-8615704396601 (READ-ONLY COPY).

The authoritative reference and input builder live on the scoring server;
editing this copy changes nothing except your own understanding.
"""

import jax, jax.numpy as jnp
import numpy as np

N_NODES = 10000
N_EDGES = 160000
D_IN = 256
D_HID = 128
D_OUT = 64


def _glorot(key, shape):
    fan_in = shape[-1]
    fan_out = shape[0]
    limit = jnp.sqrt(6.0 / (fan_in + fan_out))
    return jax.random.uniform(key, shape, minval=-limit, maxval=limit, dtype=jnp.float32)


def setup_inputs(seed: int = 0) -> dict:
    key = jax.random.key(seed)
    ks = jax.random.split(key, 9)
    x = jax.random.normal(ks[0], (N_NODES, D_IN), dtype=jnp.float32)
    edge_index = jax.random.randint(ks[1], (2, N_EDGES), 0, N_NODES, dtype=jnp.int64)
    W1l = _glorot(ks[2], (D_HID, D_IN))
    W1r = _glorot(ks[3], (D_HID, D_IN))
    b1 = jnp.zeros((D_HID,), dtype=jnp.float32)
    W2l = _glorot(ks[4], (D_OUT, D_HID))
    W2r = _glorot(ks[5], (D_OUT, D_HID))
    b2 = jnp.zeros((D_OUT,), dtype=jnp.float32)
    return {"x": x, "edge_index": edge_index, "W1l": W1l, "W1r": W1r, "b1": b1, "W2l": W2l, "W2r": W2r, "b2": b2}


def sage_conv(x, edge_index, Wl, Wr, b):
    # PyG SAGEConv (aggr='mean'): out = lin_l(mean_j x_j) + lin_r(x_i)
    src = edge_index[0]
    dst = edge_index[1]
    n = x.shape[0]
    msg = jnp.take(x, src, axis=0)
    summed = jax.ops.segment_sum(msg, dst, num_segments=n)
    cnt = jax.ops.segment_sum(jnp.ones((msg.shape[0], 1), dtype=x.dtype), dst, num_segments=n)
    mean = summed / jnp.maximum(cnt, 1.0)
    return mean @ Wl.T + b + x @ Wr.T


def reference(x, edge_index, W1l, W1r, b1, W2l, W2r, b2):
    h = sage_conv(x, edge_index, W1l, W1r, b1)
    h = jax.nn.relu(h)
    # dropout p=0.5 is identity in eval mode (module not training)
    h = sage_conv(h, edge_index, W2l, W2r, b2)
    out = jax.nn.log_softmax(h, axis=-1)
    return out

if __name__ == "__main__":
    import jax
    _d = setup_inputs()
    print(jax.jit(kernel)(*tuple(_d.values())))

</pallas_src>

<mosaic_0001>
#map = affine_map<(d0, d1) -> (0, 0)>
#map1 = affine_map<(d0, d1) -> (0, 0, 0)>
module attributes {stable_mosaic.version = 14 : i64} {
  func.func @body(%arg0: i32, %arg1: i32, %arg2: memref<20480x64xf32, #tpu.memory_space<hbm>>, %arg3: memref<2x1280x128xi32, #tpu.memory_space<hbm>>, %arg4: memref<10240x128xf32, #tpu.memory_space<hbm>>, %arg5: memref<40x128xi32, #tpu.memory_space<vmem>>, %arg6: memref<40x128xi32, #tpu.memory_space<vmem>>, %arg7: memref<128x64xf32, #tpu.memory_space<vmem>>, %arg8: memref<128x64xf32, #tpu.memory_space<vmem>>, %arg9: memref<128x64xf32, #tpu.memory_space<vmem>>, %arg10: memref<128x64xf32, #tpu.memory_space<vmem>>, %arg11: memref<128x64xf32, #tpu.memory_space<vmem>>, %arg12: memref<128x64xf32, #tpu.memory_space<vmem>>, %arg13: memref<128x64xf32, #tpu.memory_space<vmem>>, %arg14: memref<128x64xf32, #tpu.memory_space<vmem>>, %arg15: memref<10240x64xf32, #tpu.memory_space<vmem_shared>>, %arg16: memref<!tpu.dma_semaphore, #tpu.memory_space<semaphore_mem>>, %arg17: memref<!tpu.dma_semaphore, #tpu.memory_space<semaphore_mem>>, %arg18: memref<!tpu.dma_semaphore, #tpu.memory_space<semaphore_mem>>, %arg19: memref<!tpu.dma_semaphore, #tpu.memory_space<semaphore_mem>>, %arg20: memref<!tpu.dma_semaphore, #tpu.memory_space<semaphore_mem>>, %arg21: memref<!tpu.dma_semaphore, #tpu.memory_space<semaphore_mem>>, %arg22: memref<!tpu.dma_semaphore, #tpu.memory_space<semaphore_mem>>, %arg23: memref<!tpu.dma_semaphore, #tpu.memory_space<semaphore_mem>>, %arg24: memref<!tpu.dma_semaphore, #tpu.memory_space<semaphore_mem>>, %arg25: memref<!tpu.dma_semaphore, #tpu.memory_space<semaphore_mem>>, %arg26: memref<!tpu.dma_semaphore, #tpu.memory_space<semaphore_mem>>, %arg27: memref<!tpu.dma_semaphore, #tpu.memory_space<semaphore_mem>>, %arg28: memref<!tpu.dma_semaphore, #tpu.memory_space<semaphore_mem>>, %arg29: memref<!tpu.dma_semaphore, #tpu.memory_space<semaphore_mem>>, %arg30: memref<!tpu.dma_semaphore, #tpu.memory_space<semaphore_mem>>, %arg31: memref<!tpu.dma_semaphore, #tpu.memory_space<semaphore_mem>>) attributes {dimension_semantics = [#tpu.dimension_semantics<core_parallel>, #tpu.dimension_semantics<subcore_parallel>], iteration_bounds = array<i64: 2, 16>, scalar_prefetch = 0 : i64, scratch_operands = 27 : i64, tpu.core_type = #tpu.core_type<sc_vector_subcore>, window_params = [{transform_indices = #map}, {transform_indices = #map1}, {transform_indices = #map}]} {
    %mul3A = arith.constant 640 : i32
    %mul3A_0 = arith.muli %arg1, %mul3A : i32
    %mul3A_1 = arith.constant 2 : i32
    %mul3A_2 = arith.muli %arg1, %mul3A_1 : i32
    %add3A = arith.addi %mul3A_2, %arg0 : i32
    %mul3A_3 = arith.constant 40 : i32
    %mul3A_4 = arith.muli %add3A, %mul3A_3 : i32
    %run_scoped3A = arith.constant 0 : i32
    "tpu.region"() ({
      %run_scoped3A_90 = tpu.sem_alloc : memref<!tpu.dma_semaphore, #tpu.memory_space<semaphore_mem>>
      %dma_start3A_91 = arith.constant 0 : i32
      %dma_start3A_92 = tpu.memref_slice %arg3[%run_scoped3A, %mul3A_4, %dma_start3A_91] : memref<2x1280x128xi32, #tpu.memory_space<hbm>> -> memref<1x40x128xi32, #tpu.memory_space<hbm>>
      %dma_start3A_93 = tpu.memref_squeeze %dma_start3A_92 : memref<1x40x128xi32, #tpu.memory_space<hbm>> -> memref<40x128xi32, #tpu.memory_space<hbm>>
      %dma_start3A_94 = arith.constant 0 : i32
      %dma_start3A_95 = tpu.memref_slice %arg3[%run_scoped3A, %mul3A_4, %dma_start3A_94] : memref<2x1280x128xi32, #tpu.memory_space<hbm>> -> memref<1x40x128xi32, #tpu.memory_space<hbm>>
      %dma_start3A_96 = tpu.memref_squeeze %dma_start3A_95 : memref<1x40x128xi32, #tpu.memory_space<hbm>> -> memref<40x128xi32, #tpu.memory_space<hbm>>
      tpu.enqueue_dma source(%dma_start3A_96 : memref<40x128xi32, #tpu.memory_space<hbm>>) target(%arg5 : memref<40x128xi32, #tpu.memory_space<vmem>>) target_semaphore(%run_scoped3A_90 : memref<!tpu.dma_semaphore, #tpu.memory_space<semaphore_mem>>)
      %dma_wait3A_97 = arith.constant 0 : i32
      %dma_wait3A_98 = tpu.memref_slice %arg3[%run_scoped3A, %mul3A_4, %dma_wait3A_97] : memref<2x1280x128xi32, #tpu.memory_space<hbm>> -> memref<1x40x128xi32, #tpu.memory_space<hbm>>
      %dma_wait3A_99 = tpu.memref_squeeze %dma_wait3A_98 : memref<1x40x128xi32, #tpu.memory_space<hbm>> -> memref<40x128xi32, #tpu.memory_space<hbm>>
      %dma_wait3A_100 = arith.constant 0 : i32
      %dma_wait3A_101 = tpu.memref_slice %arg3[%run_scoped3A, %mul3A_4, %dma_wait3A_100] : memref<2x1280x128xi32, #tpu.memory_space<hbm>> -> memref<1x40x128xi32, #tpu.memory_space<hbm>>
      %dma_wait3A_102 = tpu.memref_squeeze %dma_wait3A_101 : memref<1x40x128xi32, #tpu.memory_space<hbm>> -> memref<40x128xi32, #tpu.memory_space<hbm>>
      tpu.wait_dma2 semaphore(%run_scoped3A_90 : memref<!tpu.dma_semaphore, #tpu.memory_space<semaphore_mem>>) src(%dma_wait3A_102 : memref<40x128xi32, #tpu.memory_space<hbm>>) dst(%arg5 : memref<40x128xi32, #tpu.memory_space<vmem>>)
      tpu.yield
    }) : () -> ()
    %run_scoped3A_5 = arith.constant 1 : i32
    "tpu.region"() ({
      %run_scoped3A_90 = tpu.sem_alloc : memref<!tpu.dma_semaphore, #tpu.memory_space<semaphore_mem>>
      %dma_start3A_91 = arith.constant 0 : i32
      %dma_start3A_92 = tpu.memref_slice %arg3[%run_scoped3A_5, %mul3A_4, %dma_start3A_91] : memref<2x1280x128xi32, #tpu.memory_space<hbm>> -> memref<1x40x128xi32, #tpu.memory_space<hbm>>
      %dma_start3A_93 = tpu.memref_squeeze %dma_start3A_92 : memref<1x40x128xi32, #tpu.memory_space<hbm>> -> memref<40x128xi32, #tpu.memory_space<hbm>>
      %dma_start3A_94 = arith.constant 0 : i32
      %dma_start3A_95 = tpu.memref_slice %arg3[%run_scoped3A_5, %mul3A_4, %dma_start3A_94] : memref<2x1280x128xi32, #tpu.memory_space<hbm>> -> memref<1x40x128xi32, #tpu.memory_space<hbm>>
      %dma_start3A_96 = tpu.memref_squeeze %dma_start3A_95 : memref<1x40x128xi32, #tpu.memory_space<hbm>> -> memref<40x128xi32, #tpu.memory_space<hbm>>
      tpu.enqueue_dma source(%dma_start3A_96 : memref<40x128xi32, #tpu.memory_space<hbm>>) target(%arg6 : memref<40x128xi32, #tpu.memory_space<vmem>>) target_semaphore(%run_scoped3A_90 : memref<!tpu.dma_semaphore, #tpu.memory_space<semaphore_mem>>)
      %dma_wait3A_97 = arith.constant 0 : i32
      %dma_wait3A_98 = tpu.memref_slice %arg3[%run_scoped3A_5, %mul3A_4, %dma_wait3A_97] : memref<2x1280x128xi32, #tpu.memory_space<hbm>> -> memref<1x40x128xi32, #tpu.memory_space<hbm>>
      %dma_wait3A_99 = tpu.memref_squeeze %dma_wait3A_98 : memref<1x40x128xi32, #tpu.memory_space<hbm>> -> memref<40x128xi32, #tpu.memory_space<hbm>>
      %dma_wait3A_100 = arith.constant 0 : i32
      %dma_wait3A_101 = tpu.memref_slice %arg3[%run_scoped3A_5, %mul3A_4, %dma_wait3A_100] : memref<2x1280x128xi32, #tpu.memory_space<hbm>> -> memref<1x40x128xi32, #tpu.memory_space<hbm>>
      %dma_wait3A_102 = tpu.memref_squeeze %dma_wait3A_101 : memref<1x40x128xi32, #tpu.memory_space<hbm>> -> memref<40x128xi32, #tpu.memory_space<hbm>>
      tpu.wait_dma2 semaphore(%run_scoped3A_90 : memref<!tpu.dma_semaphore, #tpu.memory_space<semaphore_mem>>) src(%dma_wait3A_102 : memref<40x128xi32, #tpu.memory_space<hbm>>) dst(%arg6 : memref<40x128xi32, #tpu.memory_space<vmem>>)
      tpu.yield
    }) : () -> ()
    %scan3A = arith.constant 0 : i32
    %scan3A_6 = arith.constant 0 : i32
    %scan3A_7 = arith.constant 40 : i32
    %scan3A_8 = arith.addi %scan3A_6, %scan3A_7 : i32
    %scan3A_9 = arith.constant 1 : i32
    scf.for %scan3A_90 = %scan3A_6 to %scan3A_8 step %scan3A_9  : i32 {
      %get3A = arith.index_cast %scan3A_90 : i32 to index
      %get3A_91 = arith.constant 0 : index
      %get3A_92 = tpu.vector_load %arg5[%get3A, %get3A_91] {strides = array<i32>} : memref<40x128xi32, #tpu.memory_space<vmem>>, vector<1x16xi32>,
      %get3A_93 = vector.shape_cast %get3A_92 : vector<1x16xi32> to vector<16xi32>
      %add3A_94 = arith.addi %get3A_93, %get3A_93 : vector<16xi32>
      %add3A_95 = arith.constant 0 : i32
      %add3A_96 = vector.broadcast %add3A_95 : i32 to vector<16xi32>
      %add3A_97 = arith.addi %add3A_94, %add3A_96 : vector<16xi32>
      %swap3A = arith.index_cast %scan3A_90 : i32 to index
      %swap3A_98 = arith.constant 0 : index
      %swap3A_99 = tpu.vector_load %arg5[%swap3A, %swap3A_98] {strides = array<i32>} : memref<40x128xi32, #tpu.memory_space<vmem>>, vector<1x16xi32>,
      %swap3A_100 = vector.shape_cast %swap3A_99 : vector<1x16xi32> to vector<16xi32>
      %swap3A_101 = vector.shape_cast %add3A_97 : vector<16xi32> to vector<1x16xi32>
      tpu.vector_store %arg5[%swap3A, %swap3A_98], %swap3A_101 {strides = array<i32>} : memref<40x128xi32, #tpu.memory_space<vmem>>, vector<1x16xi32>,
      %get3A_102 = arith.index_cast %scan3A_90 : i32 to index
      %get3A_103 = arith.constant 16 : index
      %get3A_104 = tpu.vector_load %arg5[%get3A_102, %get3A_103] {strides = array<i32>} : memref<40x128xi32, #tpu.memory_space<vmem>>, vector<1x16xi32>,
      %get3A_105 = vector.shape_cast %get3A_104 : vector<1x16xi32> to vector<16xi32>
      %add3A_106 = arith.addi %get3A_105, %get3A_105 : vector<16xi32>
      %add3A_107 = arith.constant 0 : i32
      %add3A_108 = vector.broadcast %add3A_107 : i32 to vector<16xi32>
      %add3A_109 = arith.addi %add3A_106, %add3A_108 : vector<16xi32>
      %swap3A_110 = arith.index_cast %scan3A_90 : i32 to index
      %swap3A_111 = arith.constant 16 : index
      %swap3A_112 = tpu.vector_load %arg5[%swap3A_110, %swap3A_111] {strides = array<i32>} : memref<40x128xi32, #tpu.memory_space<vmem>>, vector<1x16xi32>,
      %swap3A_113 = vector.shape_cast %swap3A_112 : vector<1x16xi32> to vector<16xi32>
      %swap3A_114 = vector.shape_cast %add3A_109 : vector<16xi32> to vector<1x16xi32>
      tpu.vector_store %arg5[%swap3A_110, %swap3A_111], %swap3A_114 {strides = array<i32>} : memref<40x128xi32, #tpu.memory_space<vmem>>, vector<1x16xi32>,
      %get3A_115 = arith.index_cast %scan3A_90 : i32 to index
      %get3A_116 = arith.constant 32 : index
      %get3A_117 = tpu.vector_load %arg5[%get3A_115, %get3A_116] {strides = array<i32>} : memref<40x128xi32, #tpu.memory_space<vmem>>, vector<1x16xi32>,
      %get3A_118 = vector.shape_cast %get3A_117 : vector<1x16xi32> to vector<16xi32>
      %add3A_119 = arith.addi %get3A_118, %get3A_118 : vector<16xi32>
      %add3A_120 = arith.constant 0 : i32
      %add3A_121 = vector.broadcast %add3A_120 : i32 to vector<16xi32>
      %add3A_122 = arith.addi %add3A_119, %add3A_121 : vector<16xi32>
      %swap3A_123 = arith.index_cast %scan3A_90 : i32 to index
      %swap3A_124 = arith.constant 32 : index
      %swap3A_125 = tpu.vector_load %arg5[%swap3A_123, %swap3A_124] {strides = array<i32>} : memref<40x128xi32, #tpu.memory_space<vmem>>, vector<1x16xi32>,
      %swap3A_126 = vector.shape_cast %swap3A_125 : vector<1x16xi32> to vector<16xi32>
      %swap3A_127 = vector.shape_cast %add3A_122 : vector<16xi32> to vector<1x16xi32>
      tpu.vector_store %arg5[%swap3A_123, %swap3A_124], %swap3A_127 {strides = array<i32>} : memref<40x128xi32, #tpu.memory_space<vmem>>, vector<1x16xi32>,
      %get3A_128 = arith.index_cast %scan3A_90 : i32 to index
      %get3A_129 = arith.constant 48 : index
      %get3A_130 = tpu.vector_load %arg5[%get3A_128, %get3A_129] {strides = array<i32>} : memref<40x128xi32, #tpu.memory_space<vmem>>, vector<1x16xi32>,
      %get3A_131 = vector.shape_cast %get3A_130 : vector<1x16xi32> to vector<16xi32>
      %add3A_132 = arith.addi %get3A_131, %get3A_131 : vector<16xi32>
      %add3A_133 = arith.constant 0 : i32
      %add3A_134 = vector.broadcast %add3A_133 : i32 to vector<16xi32>
      %add3A_135 = arith.addi %add3A_132, %add3A_134 : vector<16xi32>
      %swap3A_136 = arith.index_cast %scan3A_90 : i32 to index
      %swap3A_137 = arith.constant 48 : index
      %swap3A_138 = tpu.vector_load %arg5[%swap3A_136, %swap3A_137] {strides = array<i32>} : memref<40x128xi32, #tpu.memory_space<vmem>>, vector<1x16xi32>,
      %swap3A_139 = vector.shape_cast %swap3A_138 : vector<1x16xi32> to vector<16xi32>
      %swap3A_140 = vector.shape_cast %add3A_135 : vector<16xi32> to vector<1x16xi32>
      tpu.vector_store %arg5[%swap3A_136, %swap3A_137], %swap3A_140 {strides = array<i32>} : memref<40x128xi32, #tpu.memory_space<vmem>>, vector<1x16xi32>,
      %get3A_141 = arith.index_cast %scan3A_90 : i32 to index
      %get3A_142 = arith.constant 64 : index
      %get3A_143 = tpu.vector_load %arg5[%get3A_141, %get3A_142] {strides = array<i32>} : memref<40x128xi32, #tpu.memory_space<vmem>>, vector<1x16xi32>,
      %get3A_144 = vector.shape_cast %get3A_143 : vector<1x16xi32> to vector<16xi32>
      %add3A_145 = arith.addi %get3A_144, %get3A_144 : vector<16xi32>
      %add3A_146 = arith.constant 0 : i32
      %add3A_147 = vector.broadcast %add3A_146 : i32 to vector<16xi32>
      %add3A_148 = arith.addi %add3A_145, %add3A_147 : vector<16xi32>
      %swap3A_149 = arith.index_cast %scan3A_90 : i32 to index
      %swap3A_150 = arith.constant 64 : index
      %swap3A_151 = tpu.vector_load %arg5[%swap3A_149, %swap3A_150] {strides = array<i32>} : memref<40x128xi32, #tpu.memory_space<vmem>>, vector<1x16xi32>,
      %swap3A_152 = vector.shape_cast %swap3A_151 : vector<1x16xi32> to vector<16xi32>
      %swap3A_153 = vector.shape_cast %add3A_148 : vector<16xi32> to vector<1x16xi32>
      tpu.vector_store %arg5[%swap3A_149, %swap3A_150], %swap3A_153 {strides = array<i32>} : memref<40x128xi32, #tpu.memory_space<vmem>>, vector<1x16xi32>,
      %get3A_154 = arith.index_cast %scan3A_90 : i32 to index
      %get3A_155 = arith.constant 80 : index
      %get3A_156 = tpu.vector_load %arg5[%get3A_154, %get3A_155] {strides = array<i32>} : memref<40x128xi32, #tpu.memory_space<vmem>>, vector<1x16xi32>,
      %get3A_157 = vector.shape_cast %get3A_156 : vector<1x16xi32> to vector<16xi32>
      %add3A_158 = arith.addi %get3A_157, %get3A_157 : vector<16xi32>
      %add3A_159 = arith.constant 0 : i32
      %add3A_160 = vector.broadcast %add3A_159 : i32 to vector<16xi32>
      %add3A_161 = arith.addi %add3A_158, %add3A_160 : vector<16xi32>
      %swap3A_162 = arith.index_cast %scan3A_90 : i32 to index
      %swap3A_163 = arith.constant 80 : index
      %swap3A_164 = tpu.vector_load %arg5[%swap3A_162, %swap3A_163] {strides = array<i32>} : memref<40x128xi32, #tpu.memory_space<vmem>>, vector<1x16xi32>,
      %swap3A_165 = vector.shape_cast %swap3A_164 : vector<1x16xi32> to vector<16xi32>
      %swap3A_166 = vector.shape_cast %add3A_161 : vector<16xi32> to vector<1x16xi32>
      tpu.vector_store %arg5[%swap3A_162, %swap3A_163], %swap3A_166 {strides = array<i32>} : memref<40x128xi32, #tpu.memory_space<vmem>>, vector<1x16xi32>,
      %get3A_167 = arith.index_cast %scan3A_90 : i32 to index
      %get3A_168 = arith.constant 96 : index
      %get3A_169 = tpu.vector_load %arg5[%get3A_167, %get3A_168] {strides = array<i32>} : memref<40x128xi32, #tpu.memory_space<vmem>>, vector<1x16xi32>,
      %get3A_170 = vector.shape_cast %get3A_169 : vector<1x16xi32> to vector<16xi32>
      %add3A_171 = arith.addi %get3A_170, %get3A_170 : vector<16xi32>
      %add3A_172 = arith.constant 0 : i32
      %add3A_173 = vector.broadcast %add3A_172 : i32 to vector<16xi32>
      %add3A_174 = arith.addi %add3A_171, %add3A_173 : vector<16xi32>
      %swap3A_175 = arith.index_cast %scan3A_90 : i32 to index
      %swap3A_176 = arith.constant 96 : index
      %swap3A_177 = tpu.vector_load %arg5[%swap3A_175, %swap3A_176] {strides = array<i32>} : memref<40x128xi32, #tpu.memory_space<vmem>>, vector<1x16xi32>,
      %swap3A_178 = vector.shape_cast %swap3A_177 : vector<1x16xi32> to vector<16xi32>
      %swap3A_179 = vector.shape_cast %add3A_174 : vector<16xi32> to vector<1x16xi32>
      tpu.vector_store %arg5[%swap3A_175, %swap3A_176], %swap3A_179 {strides = array<i32>} : memref<40x128xi32, #tpu.memory_space<vmem>>, vector<1x16xi32>,
      %get3A_180 = arith.index_cast %scan3A_90 : i32 to index
      %get3A_181 = arith.constant 112 : index
      %get3A_182 = tpu.vector_load %arg5[%get3A_180, %get3A_181] {strides = array<i32>} : memref<40x128xi32, #tpu.memory_space<vmem>>, vector<1x16xi32>,
      %get3A_183 = vector.shape_cast %get3A_182 : vector<1x16xi32> to vector<16xi32>
      %add3A_184 = arith.addi %get3A_183, %get3A_183 : vector<16xi32>
      %add3A_185 = arith.constant 0 : i32
      %add3A_186 = vector.broadcast %add3A_185 : i32 to vector<16xi32>
      %add3A_187 = arith.addi %add3A_184, %add3A_186 : vector<16xi32>
      %swap3A_188 = arith.index_cast %scan3A_90 : i32 to index
      %swap3A_189 = arith.constant 112 : index
      %swap3A_190 = tpu.vector_load %arg5[%swap3A_188, %swap3A_189] {strides = array<i32>} : memref<40x128xi32, #tpu.memory_space<vmem>>, vector<1x16xi32>,
      %swap3A_191 = vector.shape_cast %swap3A_190 : vector<1x16xi32> to vector<16xi32>
      %swap3A_192 = vector.shape_cast %add3A_187 : vector<16xi32> to vector<1x16xi32>
      tpu.vector_store %arg5[%swap3A_188, %swap3A_189], %swap3A_192 {strides = array<i32>} : memref<40x128xi32, #tpu.memory_space<vmem>>, vector<1x16xi32>,
    }
    %scan3A_10 = arith.constant 40 : i32
    %scan3A_11 = arith.constant 0 : i32
    %scan3A_12 = arith.constant 0 : i32
    %scan3A_13 = arith.constant 128 : i32
    %scan3A_14 = arith.addi %scan3A_12, %scan3A_13 : i32
    %scan3A_15 = arith.constant 1 : i32
    scf.for %scan3A_90 = %scan3A_12 to %scan3A_14 step %scan3A_15  : i32 {
      %broadcast_in_dim3A = arith.constant 0.000000e+00 : f32
      %broadcast_in_dim3A_91 = vector.broadcast %broadcast_in_dim3A : f32 to vector<16xf32>
      %swap3A = arith.index_cast %scan3A_90 : i32 to index
      %swap3A_92 = arith.constant 0 : index
      %swap3A_93 = tpu.vector_load %arg7[%swap3A, %swap3A_92] {strides = array<i32>} : memref<128x64xf32, #tpu.memory_space<vmem>>, vector<1x16xf32>,
      %swap3A_94 = vector.shape_cast %swap3A_93 : vector<1x16xf32> to vector<16xf32>
      %swap3A_95 = vector.shape_cast %broadcast_in_dim3A_91 : vector<16xf32> to vector<1x16xf32>
      tpu.vector_store %arg7[%swap3A, %swap3A_92], %swap3A_95 {strides = array<i32>} : memref<128x64xf32, #tpu.memory_space<vmem>>, vector<1x16xf32>,
      %broadcast_in_dim3A_96 = arith.constant 0.000000e+00 : f32
      %broadcast_in_dim3A_97 = vector.broadcast %broadcast_in_dim3A_96 : f32 to vector<16xf32>
      %swap3A_98 = arith.index_cast %scan3A_90 : i32 to index
      %swap3A_99 = arith.constant 16 : index
      %swap3A_100 = tpu.vector_load %arg7[%swap3A_98, %swap3A_99] {strides = array<i32>} : memref<128x64xf32, #tpu.memory_space<vmem>>, vector<1x16xf32>,
      %swap3A_101 = vector.shape_cast %swap3A_100 : vector<1x16xf32> to vector<16xf32>
      %swap3A_102 = vector.shape_cast %broadcast_in_dim3A_97 : vector<16xf32> to vector<1x16xf32>
      tpu.vector_store %arg7[%swap3A_98, %swap3A_99], %swap3A_102 {strides = array<i32>} : memref<128x64xf32, #tpu.memory_space<vmem>>, vector<1x16xf32>,
      %broadcast_in_dim3A_103 = arith.constant 0.000000e+00 : f32
      %broadcast_in_dim3A_104 = vector.broadcast %broadcast_in_dim3A_103 : f32 to vector<16xf32>
      %swap3A_105 = arith.index_cast %scan3A_90 : i32 to index
      %swap3A_106 = arith.constant 32 : index
      %swap3A_107 = tpu.vector_load %arg7[%swap3A_105, %swap3A_106] {strides = array<i32>} : memref<128x64xf32, #tpu.memory_space<vmem>>, vector<1x16xf32>,
      %swap3A_108 = vector.shape_cast %swap3A_107 : vector<1x16xf32> to vector<16xf32>
      %swap3A_109 = vector.shape_cast %broadcast_in_dim3A_104 : vector<16xf32> to vector<1x16xf32>
      tpu.vector_store %arg7[%swap3A_105, %swap3A_106], %swap3A_109 {strides = array<i32>} : memref<128x64xf32, #tpu.memory_space<vmem>>, vector<1x16xf32>,
      %broadcast_in_dim3A_110 = arith.constant 0.000000e+00 : f32
      %broadcast_in_dim3A_111 = vector.broadcast %broadcast_in_dim3A_110 : f32 to vector<16xf32>
      %swap3A_112 = arith.index_cast %scan3A_90 : i32 to index
      %swap3A_113 = arith.constant 48 : index
      %swap3A_114 = tpu.vector_load %arg7[%swap3A_112, %swap3A_113] {strides = array<i32>} : memref<128x64xf32, #tpu.memory_space<vmem>>, vector<1x16xf32>,
      %swap3A_115 = vector.shape_cast %swap3A_114 : vector<1x16xf32> to vector<16xf32>
      %swap3A_116 = vector.shape_cast %broadcast_in_dim3A_111 : vector<16xf32> to vector<1x16xf32>
      tpu.vector_store %arg7[%swap3A_112, %swap3A_113], %swap3A_116 {strides = array<i32>} : memref<128x64xf32, #tpu.memory_space<vmem>>, vector<1x16xf32>,
    }
    %scan3A_16 = arith.constant 128 : i32
    %add3A_17 = arith.constant 0 : i32
    %add3A_18 = arith.addi %mul3A_0, %add3A_17 : i32
    "tpu.region"() ({
      %run_scoped3A_90 = tpu.sem_alloc : memref<!tpu.dma_semaphore, #tpu.memory_space<semaphore_mem>>
      %dma_start3A_91 = arith.constant 0 : i32
      %dma_start3A_92 = tpu.memref_slice %arg15[%add3A_18, %dma_start3A_91] : memref<10240x64xf32, #tpu.memory_space<vmem_shared>> -> memref<128x64xf32, #tpu.memory_space<vmem_shared>>
      %dma_start3A_93 = arith.constant 0 : i32
      %dma_start3A_94 = tpu.memref_slice %arg15[%add3A_18, %dma_start3A_93] : memref<10240x64xf32, #tpu.memory_space<vmem_shared>> -> memref<128x64xf32, #tpu.memory_space<vmem_shared>>
      tpu.enqueue_dma source(%arg7 : memref<128x64xf32, #tpu.memory_space<vmem>>) target(%dma_start3A_94 : memref<128x64xf32, #tpu.memory_space<vmem_shared>>) target_semaphore(%run_scoped3A_90 : memref<!tpu.dma_semaphore, #tpu.memory_space<semaphore_mem>>)
      %dma_wait3A_95 = arith.constant 0 : i32
      %dma_wait3A_96 = tpu.memref_slice %arg15[%add3A_18, %dma_wait3A_95] : memref<10240x64xf32, #tpu.memory_space<vmem_shared>> -> memref<128x64xf32, #tpu.memory_space<vmem_shared>>
      %dma_wait3A_97 = arith.constant 0 : i32
      %dma_wait3A_98 = tpu.memref_slice %arg15[%add3A_18, %dma_wait3A_97] : memref<10240x64xf32, #tpu.memory_space<vmem_shared>> -> memref<128x64xf32, #tpu.memory_space<vmem_shared>>
      tpu.wait_dma2 semaphore(%run_scoped3A_90 : memref<!tpu.dma_semaphore, #tpu.memory_space<semaphore_mem>>) src(%arg7 : memref<128x64xf32, #tpu.memory_space<vmem>>) dst(%dma_wait3A_98 : memref<128x64xf32, #tpu.memory_space<vmem_shared>>)
      tpu.yield
    }) : () -> ()
    %add3A_19 = arith.constant 128 : i32
    %add3A_20 = arith.addi %mul3A_0, %add3A_19 : i32
    "tpu.region"() ({
      %run_scoped3A_90 = tpu.sem_alloc : memref<!tpu.dma_semaphore, #tpu.memory_space<semaphore_mem>>
      %dma_start3A_91 = arith.constant 0 : i32
      %dma_start3A_92 = tpu.memref_slice %arg15[%add3A_20, %dma_start3A_91] : memref<10240x64xf32, #tpu.memory_space<vmem_shared>> -> memref<128x64xf32, #tpu.memory_space<vmem_shared>>
      %dma_start3A_93 = arith.constant 0 : i32
      %dma_start3A_94 = tpu.memref_slice %arg15[%add3A_20, %dma_start3A_93] : memref<10240x64xf32, #tpu.memory_space<vmem_shared>> -> memref<128x64xf32, #tpu.memory_space<vmem_shared>>
      tpu.enqueue_dma source(%arg7 : memref<128x64xf32, #tpu.memory_space<vmem>>) target(%dma_start3A_94 : memref<128x64xf32, #tpu.memory_space<vmem_shared>>) target_semaphore(%run_scoped3A_90 : memref<!tpu.dma_semaphore, #tpu.memory_space<semaphore_mem>>)
      %dma_wait3A_95 = arith.constant 0 : i32
      %dma_wait3A_96 = tpu.memref_slice %arg15[%add3A_20, %dma_wait3A_95] : memref<10240x64xf32, #tpu.memory_space<vmem_shared>> -> memref<128x64xf32, #tpu.memory_space<vmem_shared>>
      %dma_wait3A_97 = arith.constant 0 : i32
      %dma_wait3A_98 = tpu.memref_slice %arg15[%add3A_20, %dma_wait3A_97] : memref<10240x64xf32, #tpu.memory_space<vmem_shared>> -> memref<128x64xf32, #tpu.memory_space<vmem_shared>>
      tpu.wait_dma2 semaphore(%run_scoped3A_90 : memref<!tpu.dma_semaphore, #tpu.memory_space<semaphore_mem>>) src(%arg7 : memref<128x64xf32, #tpu.memory_space<vmem>>) dst(%dma_wait3A_98 : memref<128x64xf32, #tpu.memory_space<vmem_shared>>)
      tpu.yield
    }) : () -> ()
    %add3A_21 = arith.constant 256 : i32
    %add3A_22 = arith.addi %mul3A_0, %add3A_21 : i32
    "tpu.region"() ({
      %run_scoped3A_90 = tpu.sem_alloc : memref<!tpu.dma_semaphore, #tpu.memory_space<semaphore_mem>>
      %dma_start3A_91 = arith.constant 0 : i32
      %dma_start3A_92 = tpu.memref_slice %arg15[%add3A_22, %dma_start3A_91] : memref<10240x64xf32, #tpu.memory_space<vmem_shared>> -> memref<128x64xf32, #tpu.memory_space<vmem_shared>>
      %dma_start3A_93 = arith.constant 0 : i32
      %dma_start3A_94 = tpu.memref_slice %arg15[%add3A_22, %dma_start3A_93] : memref<10240x64xf32, #tpu.memory_space<vmem_shared>> -> memref<128x64xf32, #tpu.memory_space<vmem_shared>>
      tpu.enqueue_dma source(%arg7 : memref<128x64xf32, #tpu.memory_space<vmem>>) target(%dma_start3A_94 : memref<128x64xf32, #tpu.memory_space<vmem_shared>>) target_semaphore(%run_scoped3A_90 : memref<!tpu.dma_semaphore, #tpu.memory_space<semaphore_mem>>)
      %dma_wait3A_95 = arith.constant 0 : i32
      %dma_wait3A_96 = tpu.memref_slice %arg15[%add3A_22, %dma_wait3A_95] : memref<10240x64xf32, #tpu.memory_space<vmem_shared>> -> memref<128x64xf32, #tpu.memory_space<vmem_shared>>
      %dma_wait3A_97 = arith.constant 0 : i32
      %dma_wait3A_98 = tpu.memref_slice %arg15[%add3A_22, %dma_wait3A_97] : memref<10240x64xf32, #tpu.memory_space<vmem_shared>> -> memref<128x64xf32, #tpu.memory_space<vmem_shared>>
      tpu.wait_dma2 semaphore(%run_scoped3A_90 : memref<!tpu.dma_semaphore, #tpu.memory_space<semaphore_mem>>) src(%arg7 : memref<128x64xf32, #tpu.memory_space<vmem>>) dst(%dma_wait3A_98 : memref<128x64xf32, #tpu.memory_space<vmem_shared>>)
      tpu.yield
    }) : () -> ()
    %add3A_23 = arith.constant 384 : i32
    %add3A_24 = arith.addi %mul3A_0, %add3A_23 : i32
    "tpu.region"() ({
      %run_scoped3A_90 = tpu.sem_alloc : memref<!tpu.dma_semaphore, #tpu.memory_space<semaphore_mem>>
      %dma_start3A_91 = arith.constant 0 : i32
      %dma_start3A_92 = tpu.memref_slice %arg15[%add3A_24, %dma_start3A_91] : memref<10240x64xf32, #tpu.memory_space<vmem_shared>> -> memref<128x64xf32, #tpu.memory_space<vmem_shared>>
      %dma_start3A_93 = arith.constant 0 : i32
      %dma_start3A_94 = tpu.memref_slice %arg15[%add3A_24, %dma_start3A_93] : memref<10240x64xf32, #tpu.memory_space<vmem_shared>> -> memref<128x64xf32, #tpu.memory_space<vmem_shared>>
      tpu.enqueue_dma source(%arg7 : memref<128x64xf32, #tpu.memory_space<vmem>>) target(%dma_start3A_94 : memref<128x64xf32, #tpu.memory_space<vmem_shared>>) target_semaphore(%run_scoped3A_90 : memref<!tpu.dma_semaphore, #tpu.memory_space<semaphore_mem>>)
      %dma_wait3A_95 = arith.constant 0 : i32
      %dma_wait3A_96 = tpu.memref_slice %arg15[%add3A_24, %dma_wait3A_95] : memref<10240x64xf32, #tpu.memory_space<vmem_shared>> -> memref<128x64xf32, #tpu.memory_space<vmem_shared>>
      %dma_wait3A_97 = arith.constant 0 : i32
      %dma_wait3A_98 = tpu.memref_slice %arg15[%add3A_24, %dma_wait3A_97] : memref<10240x64xf32, #tpu.memory_space<vmem_shared>> -> memref<128x64xf32, #tpu.memory_space<vmem_shared>>
      tpu.wait_dma2 semaphore(%run_scoped3A_90 : memref<!tpu.dma_semaphore, #tpu.memory_space<semaphore_mem>>) src(%arg7 : memref<128x64xf32, #tpu.memory_space<vmem>>) dst(%dma_wait3A_98 : memref<128x64xf32, #tpu.memory_space<vmem_shared>>)
      tpu.yield
    }) : () -> ()
    %add3A_25 = arith.constant 512 : i32
    %add3A_26 = arith.addi %mul3A_0, %add3A_25 : i32
    "tpu.region"() ({
      %run_scoped3A_90 = tpu.sem_alloc : memref<!tpu.dma_semaphore, #tpu.memory_space<semaphore_mem>>
      %dma_start3A_91 = arith.constant 0 : i32
      %dma_start3A_92 = tpu.memref_slice %arg15[%add3A_26, %dma_start3A_91] : memref<10240x64xf32, #tpu.memory_space<vmem_shared>> -> memref<128x64xf32, #tpu.memory_space<vmem_shared>>
      %dma_start3A_93 = arith.constant 0 : i32
      %dma_start3A_94 = tpu.memref_slice %arg15[%add3A_26, %dma_start3A_93] : memref<10240x64xf32, #tpu.memory_space<vmem_shared>> -> memref<128x64xf32, #tpu.memory_space<vmem_shared>>
      tpu.enqueue_dma source(%arg7 : memref<128x64xf32, #tpu.memory_space<vmem>>) target(%dma_start3A_94 : memref<128x64xf32, #tpu.memory_space<vmem_shared>>) target_semaphore(%run_scoped3A_90 : memref<!tpu.dma_semaphore, #tpu.memory_space<semaphore_mem>>)
      %dma_wait3A_95 = arith.constant 0 : i32
      %dma_wait3A_96 = tpu.memref_slice %arg15[%add3A_26, %dma_wait3A_95] : memref<10240x64xf32, #tpu.memory_space<vmem_shared>> -> memref<128x64xf32, #tpu.memory_space<vmem_shared>>
      %dma_wait3A_97 = arith.constant 0 : i32
      %dma_wait3A_98 = tpu.memref_slice %arg15[%add3A_26, %dma_wait3A_97] : memref<10240x64xf32, #tpu.memory_space<vmem_shared>> -> memref<128x64xf32, #tpu.memory_space<vmem_shared>>
      tpu.wait_dma2 semaphore(%run_scoped3A_90 : memref<!tpu.dma_semaphore, #tpu.memory_space<semaphore_mem>>) src(%arg7 : memref<128x64xf32, #tpu.memory_space<vmem>>) dst(%dma_wait3A_98 : memref<128x64xf32, #tpu.memory_space<vmem_shared>>)
      tpu.yield
    }) : () -> ()
    %barrier3A = arith.constant 0 : index
    tpu.barrier barrier_id(%barrier3A)
    %dma_start3A = arith.constant 0 : i32
    %dma_start3A_27 = arith.constant 0 : i32
    %dma_start3A_28 = tpu.memref_slice %arg5[%dma_start3A, %dma_start3A_27] : memref<40x128xi32, #tpu.memory_space<vmem>> -> memref<1x128xi32, #tpu.memory_space<vmem>>
    %dma_start3A_29 = tpu.memref_squeeze %dma_start3A_28 : memref<1x128xi32, #tpu.memory_space<vmem>> -> memref<128xi32, #tpu.memory_space<vmem>>
    %dma_start3A_30 = arith.constant 0 : i32
    %dma_start3A_31 = arith.constant 0 : i32
    %dma_start3A_32 = tpu.memref_slice %arg2[%dma_start3A_30, %dma_start3A_31] : memref<20480x64xf32, #tpu.memory_space<hbm>> -> memref<20480x64xf32, #tpu.memory_space<hbm>>
    tpu.enqueue_indirect_dma source(%dma_start3A_32 : memref<20480x64xf32, #tpu.memory_space<hbm>>) target(%arg7 : memref<128x64xf32, #tpu.memory_space<vmem>>) offsets(%dma_start3A_29 : memref<128xi32, #tpu.memory_space<vmem>>) semaphore(%arg16 : memref<!tpu.dma_semaphore, #tpu.memory_space<semaphore_mem>>)
    %dma_start3A_33 = arith.constant 1 : i32
    %dma_start3A_34 = arith.constant 0 : i32
    %dma_start3A_35 = tpu.memref_slice %arg5[%dma_start3A_33, %dma_start3A_34] : memref<40x128xi32, #tpu.memory_space<vmem>> -> memref<1x128xi32, #tpu.memory_space<vmem>>
    %dma_start3A_36 = tpu.memref_squeeze %dma_start3A_35 : memref<1x128xi32, #tpu.memory_space<vmem>> -> memref<128xi32, #tpu.memory_space<vmem>>
    %dma_start3A_37 = arith.constant 0 : i32
    %dma_start3A_38 = arith.constant 0 : i32
    %dma_start3A_39 = tpu.memref_slice %arg2[%dma_start3A_37, %dma_start3A_38] : memref<20480x64xf32, #tpu.memory_space<hbm>> -> memref<20480x64xf32, #tpu.memory_space<hbm>>
    tpu.enqueue_indirect_dma source(%dma_start3A_39 : memref<20480x64xf32, #tpu.memory_space<hbm>>) target(%arg8 : memref<128x64xf32, #tpu.memory_space<vmem>>) offsets(%dma_start3A_36 : memref<128xi32, #tpu.memory_space<vmem>>) semaphore(%arg17 : memref<!tpu.dma_semaphore, #tpu.memory_space<semaphore_mem>>)
    %dma_start3A_40 = arith.constant 2 : i32
    %dma_start3A_41 = arith.constant 0 : i32
    %dma_start3A_42 = tpu.memref_slice %arg5[%dma_start3A_40, %dma_start3A_41] : memref<40x128xi32, #tpu.memory_space<vmem>> -> memref<1x128xi32, #tpu.memory_space<vmem>>
    %dma_start3A_43 = tpu.memref_squeeze %dma_start3A_42 : memref<1x128xi32, #tpu.memory_space<vmem>> -> memref<128xi32, #tpu.memory_space<vmem>>
    %dma_start3A_44 = arith.constant 0 : i32
    %dma_start3A_45 = arith.constant 0 : i32
    %dma_start3A_46 = tpu.memref_slice %arg2[%dma_start3A_44, %dma_start3A_45] : memref<20480x64xf32, #tpu.memory_space<hbm>> -> memref<20480x64xf32, #tpu.memory_space<hbm>>
    tpu.enqueue_indirect_dma source(%dma_start3A_46 : memref<20480x64xf32, #tpu.memory_space<hbm>>) target(%arg9 : memref<128x64xf32, #tpu.memory_space<vmem>>) offsets(%dma_start3A_43 : memref<128xi32, #tpu.memory_space<vmem>>) semaphore(%arg18 : memref<!tpu.dma_semaphore, #tpu.memory_space<semaphore_mem>>)
    %dma_start3A_47 = arith.constant 3 : i32
    %dma_start3A_48 = arith.constant 0 : i32
    %dma_start3A_49 = tpu.memref_slice %arg5[%dma_start3A_47, %dma_start3A_48] : memref<40x128xi32, #tpu.memory_space<vmem>> -> memref<1x128xi32, #tpu.memory_space<vmem>>
    %dma_start3A_50 = tpu.memref_squeeze %dma_start3A_49 : memref<1x128xi32, #tpu.memory_space<vmem>> -> memref<128xi32, #tpu.memory_space<vmem>>
    %dma_start3A_51 = arith.constant 0 : i32
    %dma_start3A_52 = arith.constant 0 : i32
    %dma_start3A_53 = tpu.memref_slice %arg2[%dma_start3A_51, %dma_start3A_52] : memref<20480x64xf32, #tpu.memory_space<hbm>> -> memref<20480x64xf32, #tpu.memory_space<hbm>>
    tpu.enqueue_indirect_dma source(%dma_start3A_53 : memref<20480x64xf32, #tpu.memory_space<hbm>>) target(%arg10 : memref<128x64xf32, #tpu.memory_space<vmem>>) offsets(%dma_start3A_50 : memref<128xi32, #tpu.memory_space<vmem>>) semaphore(%arg19 : memref<!tpu.dma_semaphore, #tpu.memory_space<semaphore_mem>>)
    %dma_start3A_54 = arith.constant 4 : i32
    %dma_start3A_55 = arith.constant 0 : i32
    %dma_start3A_56 = tpu.memref_slice %arg5[%dma_start3A_54, %dma_start3A_55] : memref<40x128xi32, #tpu.memory_space<vmem>> -> memref<1x128xi32, #tpu.memory_space<vmem>>
    %dma_start3A_57 = tpu.memref_squeeze %dma_start3A_56 : memref<1x128xi32, #tpu.memory_space<vmem>> -> memref<128xi32, #tpu.memory_space<vmem>>
    %dma_start3A_58 = arith.constant 0 : i32
    %dma_start3A_59 = arith.constant 0 : i32
    %dma_start3A_60 = tpu.memref_slice %arg2[%dma_start3A_58, %dma_start3A_59] : memref<20480x64xf32, #tpu.memory_space<hbm>> -> memref<20480x64xf32, #tpu.memory_space<hbm>>
    tpu.enqueue_indirect_dma source(%dma_start3A_60 : memref<20480x64xf32, #tpu.memory_space<hbm>>) target(%arg11 : memref<128x64xf32, #tpu.memory_space<vmem>>) offsets(%dma_start3A_57 : memref<128xi32, #tpu.memory_space<vmem>>) semaphore(%arg20 : memref<!tpu.dma_semaphore, #tpu.memory_space<semaphore_mem>>)
    %dma_start3A_61 = arith.constant 5 : i32
    %dma_start3A_62 = arith.constant 0 : i32
    %dma_start3A_63 = tpu.memref_slice %arg5[%dma_start3A_61, %dma_start3A_62] : memref<40x128xi32, #tpu.memory_space<vmem>> -> memref<1x128xi32, #tpu.memory_space<vmem>>
    %dma_start3A_64 = tpu.memref_squeeze %dma_start3A_63 : memref<1x128xi32, #tpu.memory_space<vmem>> -> memref<128xi32, #tpu.memory_space<vmem>>
    %dma_start3A_65 = arith.constant 0 : i32
    %dma_start3A_66 = arith.constant 0 : i32
    %dma_start3A_67 = tpu.memref_slice %arg2[%dma_start3A_65, %dma_start3A_66] : memref<20480x64xf32, #tpu.memory_space<hbm>> -> memref<20480x64xf32, #tpu.memory_space<hbm>>
    tpu.enqueue_indirect_dma source(%dma_start3A_67 : memref<20480x64xf32, #tpu.memory_space<hbm>>) target(%arg12 : memref<128x64xf32, #tpu.memory_space<vmem>>) offsets(%dma_start3A_64 : memref<128xi32, #tpu.memory_space<vmem>>) semaphore(%arg21 : memref<!tpu.dma_semaphore, #tpu.memory_space<semaphore_mem>>)
    %dma_start3A_68 = arith.constant 6 : i32
    %dma_start3A_69 = arith.constant 0 : i32
    %dma_start3A_70 = tpu.memref_slice %arg5[%dma_start3A_68, %dma_start3A_69] : memref<40x128xi32, #tpu.memory_space<vmem>> -> memref<1x128xi32, #tpu.memory_space<vmem>>
    %dma_start3A_71 = tpu.memref_squeeze %dma_start3A_70 : memref<1x128xi32, #tpu.memory_space<vmem>> -> memref<128xi32, #tpu.memory_space<vmem>>
    %dma_start3A_72 = arith.constant 0 : i32
    %dma_start3A_73 = arith.constant 0 : i32
    %dma_start3A_74 = tpu.memref_slice %arg2[%dma_start3A_72, %dma_start3A_73] : memref<20480x64xf32, #tpu.memory_space<hbm>> -> memref<20480x64xf32, #tpu.memory_space<hbm>>
    tpu.enqueue_indirect_dma source(%dma_start3A_74 : memref<20480x64xf32, #tpu.memory_space<hbm>>) target(%arg13 : memref<128x64xf32, #tpu.memory_space<vmem>>) offsets(%dma_start3A_71 : memref<128xi32, #tpu.memory_space<vmem>>) semaphore(%arg22 : memref<!tpu.dma_semaphore, #tpu.memory_space<semaphore_mem>>)
    %scan3A_75 = arith.constant 0 : i32
    %scan3A_76 = arith.constant 0 : i32
    %scan3A_77 = arith.constant 5 : i32
    %scan3A_78 = arith.addi %scan3A_76, %scan3A_77 : i32
    %scan3A_79 = arith.constant 1 : i32
    scf.for %scan3A_90 = %scan3A_76 to %scan3A_78 step %scan3A_79  : i32 {
      %mul3A_91 = arith.constant 8 : i32
      %mul3A_92 = arith.muli %scan3A_90, %mul3A_91 : i32
      %add3A_93 = arith.constant 0 : i32
      %add3A_94 = arith.addi %mul3A_92, %add3A_93 : i32
      %dma_wait3A_95 = arith.constant 0 : i32
      %dma_wait3A_96 = tpu.memref_slice %arg5[%add3A_94, %dma_wait3A_95] : memref<40x128xi32, #tpu.memory_space<vmem>> -> memref<1x128xi32, #tpu.memory_space<vmem>>
      %dma_wait3A_97 = tpu.memref_squeeze %dma_wait3A_96 : memref<1x128xi32, #tpu.memory_space<vmem>> -> memref<128xi32, #tpu.memory_space<vmem>>
      %dma_wait3A_98 = arith.constant 0 : i32
      %dma_wait3A_99 = arith.constant 0 : i32
      %dma_wait3A_100 = tpu.memref_slice %arg2[%dma_wait3A_98, %dma_wait3A_99] : memref<20480x64xf32, #tpu.memory_space<hbm>> -> memref<20480x64xf32, #tpu.memory_space<hbm>>
      tpu.wait_indirect_dma semaphore(%arg16 : memref<!tpu.dma_semaphore, #tpu.memory_space<semaphore_mem>>) src(%dma_wait3A_100 : memref<20480x64xf32, #tpu.memory_space<hbm>>) dst(%arg7 : memref<128x64xf32, #tpu.memory_space<vmem>>)
      %dma_start3A_101 = arith.constant 0 : i32
      %dma_start3A_102 = tpu.memref_slice %arg6[%add3A_94, %dma_start3A_101] : memref<40x128xi32, #tpu.memory_space<vmem>> -> memref<1x128xi32, #tpu.memory_space<vmem>>
      %dma_start3A_103 = tpu.memref_squeeze %dma_start3A_102 : memref<1x128xi32, #tpu.memory_space<vmem>> -> memref<128xi32, #tpu.memory_space<vmem>>
      %dma_start3A_104 = arith.constant 0 : i32
      %dma_start3A_105 = arith.constant 0 : i32
      %dma_start3A_106 = tpu.memref_slice %arg15[%dma_start3A_104, %dma_start3A_105] : memref<10240x64xf32, #tpu.memory_space<vmem_shared>> -> memref<10240x64xf32, #tpu.memory_space<vmem_shared>>
      tpu.enqueue_indirect_dma source(%arg7 : memref<128x64xf32, #tpu.memory_space<vmem>>) target(%dma_start3A_106 : memref<10240x64xf32, #tpu.memory_space<vmem_shared>>) offsets(%dma_start3A_103 : memref<128xi32, #tpu.memory_space<vmem>>) semaphore(%arg24 : memref<!tpu.dma_semaphore, #tpu.memory_space<semaphore_mem>>) {add = true}
      %add3A_107 = arith.constant 8 : i32
      %add3A_108 = arith.addi %add3A_94, %add3A_107 : i32
      %sub3A = arith.constant 1 : i32
      %sub3A_109 = arith.subi %add3A_108, %sub3A : i32
      %ge3A = arith.constant 1 : i32
      %ge3A_110 = arith.cmpi sge, %add3A_94, %ge3A : i32
      %convert_element_type3A = arith.extui %ge3A_110 : i1 to i32
      %cond3A = arith.constant 0 : i32
      %cond3A_111 = arith.cmpi ne, %convert_element_type3A, %cond3A : i32
      scf.if %cond3A_111 {
        %sub3A_326 = arith.constant 8 : i32
        %sub3A_327 = arith.subi %sub3A_109, %sub3A_326 : i32
        %dma_wait3A_328 = arith.constant 0 : i32
        %dma_wait3A_329 = tpu.memref_slice %arg6[%sub3A_327, %dma_wait3A_328] : memref<40x128xi32, #tpu.memory_space<vmem>> -> memref<1x128xi32, #tpu.memory_space<vmem>>
        %dma_wait3A_330 = tpu.memref_squeeze %dma_wait3A_329 : memref<1x128xi32, #tpu.memory_space<vmem>> -> memref<128xi32, #tpu.memory_space<vmem>>
        %dma_wait3A_331 = arith.constant 0 : i32
        %dma_wait3A_332 = arith.constant 0 : i32
        %dma_wait3A_333 = tpu.memref_slice %arg15[%dma_wait3A_331, %dma_wait3A_332] : memref<10240x64xf32, #tpu.memory_space<vmem_shared>> -> memref<10240x64xf32, #tpu.memory_space<vmem_shared>>
        tpu.wait_indirect_dma semaphore(%arg31 : memref<!tpu.dma_semaphore, #tpu.memory_space<semaphore_mem>>) src(%arg14 : memref<128x64xf32, #tpu.memory_space<vmem>>) dst(%dma_wait3A_333 : memref<10240x64xf32, #tpu.memory_space<vmem_shared>>)
      } else {
      }
      %lt3A = arith.constant 40 : i32
      %lt3A_112 = arith.cmpi slt, %sub3A_109, %lt3A : i32
      %convert_element_type3A_113 = arith.extui %lt3A_112 : i1 to i32
      %cond3A_114 = arith.constant 0 : i32
      %cond3A_115 = arith.cmpi ne, %convert_element_type3A_113, %cond3A_114 : i32
      scf.if %cond3A_115 {
        %dma_start3A_326 = arith.constant 0 : i32
        %dma_start3A_327 = tpu.memref_slice %arg5[%sub3A_109, %dma_start3A_326] : memref<40x128xi32, #tpu.memory_space<vmem>> -> memref<1x128xi32, #tpu.memory_space<vmem>>
        %dma_start3A_328 = tpu.memref_squeeze %dma_start3A_327 : memref<1x128xi32, #tpu.memory_space<vmem>> -> memref<128xi32, #tpu.memory_space<vmem>>
        %dma_start3A_329 = arith.constant 0 : i32
        %dma_start3A_330 = arith.constant 0 : i32
        %dma_start3A_331 = tpu.memref_slice %arg2[%dma_start3A_329, %dma_start3A_330] : memref<20480x64xf32, #tpu.memory_space<hbm>> -> memref<20480x64xf32, #tpu.memory_space<hbm>>
        tpu.enqueue_indirect_dma source(%dma_start3A_331 : memref<20480x64xf32, #tpu.memory_space<hbm>>) target(%arg14 : memref<128x64xf32, #tpu.memory_space<vmem>>) offsets(%dma_start3A_328 : memref<128xi32, #tpu.memory_space<vmem>>) semaphore(%arg23 : memref<!tpu.dma_semaphore, #tpu.memory_space<semaphore_mem>>)
      } else {
      }
      %mul3A_116 = arith.constant 8 : i32
      %mul3A_117 = arith.muli %scan3A_90, %mul3A_116 : i32
      %add3A_118 = arith.constant 1 : i32
      %add3A_119 = arith.addi %mul3A_117, %add3A_118 : i32
      %dma_wait3A_120 = arith.constant 0 : i32
      %dma_wait3A_121 = tpu.memref_slice %arg5[%add3A_119, %dma_wait3A_120] : memref<40x128xi32, #tpu.memory_space<vmem>> -> memref<1x128xi32, #tpu.memory_space<vmem>>
      %dma_wait3A_122 = tpu.memref_squeeze %dma_wait3A_121 : memref<1x128xi32, #tpu.memory_space<vmem>> -> memref<128xi32, #tpu.memory_space<vmem>>
      %dma_wait3A_123 = arith.constant 0 : i32
      %dma_wait3A_124 = arith.constant 0 : i32
      %dma_wait3A_125 = tpu.memref_slice %arg2[%dma_wait3A_123, %dma_wait3A_124] : memref<20480x64xf32, #tpu.memory_space<hbm>> -> memref<20480x64xf32, #tpu.memory_space<hbm>>
      tpu.wait_indirect_dma semaphore(%arg17 : memref<!tpu.dma_semaphore, #tpu.memory_space<semaphore_mem>>) src(%dma_wait3A_125 : memref<20480x64xf32, #tpu.memory_space<hbm>>) dst(%arg8 : memref<128x64xf32, #tpu.memory_space<vmem>>)
      %dma_start3A_126 = arith.constant 0 : i32
      %dma_start3A_127 = tpu.memref_slice %arg6[%add3A_119, %dma_start3A_126] : memref<40x128xi32, #tpu.memory_space<vmem>> -> memref<1x128xi32, #tpu.memory_space<vmem>>
      %dma_start3A_128 = tpu.memref_squeeze %dma_start3A_127 : memref<1x128xi32, #tpu.memory_space<vmem>> -> memref<128xi32, #tpu.memory_space<vmem>>
      %dma_start3A_129 = arith.constant 0 : i32
      %dma_start3A_130 = arith.constant 0 : i32
      %dma_start3A_131 = tpu.memref_slice %arg15[%dma_start3A_129, %dma_start3A_130] : memref<10240x64xf32, #tpu.memory_space<vmem_shared>> -> memref<10240x64xf32, #tpu.memory_space<vmem_shared>>
      tpu.enqueue_indirect_dma source(%arg8 : memref<128x64xf32, #tpu.memory_space<vmem>>) target(%dma_start3A_131 : memref<10240x64xf32, #tpu.memory_space<vmem_shared>>) offsets(%dma_start3A_128 : memref<128xi32, #tpu.memory_space<vmem>>) semaphore(%arg25 : memref<!tpu.dma_semaphore, #tpu.memory_space<semaphore_mem>>) {add = true}
      %add3A_132 = arith.constant 8 : i32
      %add3A_133 = arith.addi %add3A_119, %add3A_132 : i32
      %sub3A_134 = arith.constant 1 : i32
      %sub3A_135 = arith.subi %add3A_133, %sub3A_134 : i32
      %ge3A_136 = arith.constant 1 : i32
      %ge3A_137 = arith.cmpi sge, %add3A_119, %ge3A_136 : i32
      %convert_element_type3A_138 = arith.extui %ge3A_137 : i1 to i32
      %cond3A_139 = arith.constant 0 : i32
      %cond3A_140 = arith.cmpi ne, %convert_element_type3A_138, %cond3A_139 : i32
      scf.if %cond3A_140 {
        %sub3A_326 = arith.constant 8 : i32
        %sub3A_327 = arith.subi %sub3A_135, %sub3A_326 : i32
        %dma_wait3A_328 = arith.constant 0 : i32
        %dma_wait3A_329 = tpu.memref_slice %arg6[%sub3A_327, %dma_wait3A_328] : memref<40x128xi32, #tpu.memory_space<vmem>> -> memref<1x128xi32, #tpu.memory_space<vmem>>
        %dma_wait3A_330 = tpu.memref_squeeze %dma_wait3A_329 : memref<1x128xi32, #tpu.memory_space<vmem>> -> memref<128xi32, #tpu.memory_space<vmem>>
        %dma_wait3A_331 = arith.constant 0 : i32
        %dma_wait3A_332 = arith.constant 0 : i32
        %dma_wait3A_333 = tpu.memref_slice %arg15[%dma_wait3A_331, %dma_wait3A_332] : memref<10240x64xf32, #tpu.memory_space<vmem_shared>> -> memref<10240x64xf32, #tpu.memory_space<vmem_shared>>
        tpu.wait_indirect_dma semaphore(%arg24 : memref<!tpu.dma_semaphore, #tpu.memory_space<semaphore_mem>>) src(%arg7 : memref<128x64xf32, #tpu.memory_space<vmem>>) dst(%dma_wait3A_333 : memref<10240x64xf32, #tpu.memory_space<vmem_shared>>)
      } else {
      }
      %lt3A_141 = arith.constant 40 : i32
      %lt3A_142 = arith.cmpi slt, %sub3A_135, %lt3A_141 : i32
      %convert_element_type3A_143 = arith.extui %lt3A_142 : i1 to i32
      %cond3A_144 = arith.constant 0 : i32
      %cond3A_145 = arith.cmpi ne, %convert_element_type3A_143, %cond3A_144 : i32
      scf.if %cond3A_145 {
        %dma_start3A_326 = arith.constant 0 : i32
        %dma_start3A_327 = tpu.memref_slice %arg5[%sub3A_135, %dma_start3A_326] : memref<40x128xi32, #tpu.memory_space<vmem>> -> memref<1x128xi32, #tpu.memory_space<vmem>>
        %dma_start3A_328 = tpu.memref_squeeze %dma_start3A_327 : memref<1x128xi32, #tpu.memory_space<vmem>> -> memref<128xi32, #tpu.memory_space<vmem>>
        %dma_start3A_329 = arith.constant 0 : i32
        %dma_start3A_330 = arith.constant 0 : i32
        %dma_start3A_331 = tpu.memref_slice %arg2[%dma_start3A_329, %dma_start3A_330] : memref<20480x64xf32, #tpu.memory_space<hbm>> -> memref<20480x64xf32, #tpu.memory_space<hbm>>
        tpu.enqueue_indirect_dma source(%dma_start3A_331 : memref<20480x64xf32, #tpu.memory_space<hbm>>) target(%arg7 : memref<128x64xf32, #tpu.memory_space<vmem>>) offsets(%dma_start3A_328 : memref<128xi32, #tpu.memory_space<vmem>>) semaphore(%arg16 : memref<!tpu.dma_semaphore, #tpu.memory_space<semaphore_mem>>)
      } else {
      }
      %mul3A_146 = arith.constant 8 : i32
      %mul3A_147 = arith.muli %scan3A_90, %mul3A_146 : i32
      %add3A_148 = arith.constant 2 : i32
      %add3A_149 = arith.addi %mul3A_147, %add3A_148 : i32
      %dma_wait3A_150 = arith.constant 0 : i32
      %dma_wait3A_151 = tpu.memref_slice %arg5[%add3A_149, %dma_wait3A_150] : memref<40x128xi32, #tpu.memory_space<vmem>> -> memref<1x128xi32, #tpu.memory_space<vmem>>
      %dma_wait3A_152 = tpu.memref_squeeze %dma_wait3A_151 : memref<1x128xi32, #tpu.memory_space<vmem>> -> memref<128xi32, #tpu.memory_space<vmem>>
      %dma_wait3A_153 = arith.constant 0 : i32
      %dma_wait3A_154 = arith.constant 0 : i32
      %dma_wait3A_155 = tpu.memref_slice %arg2[%dma_wait3A_153, %dma_wait3A_154] : memref<20480x64xf32, #tpu.memory_space<hbm>> -> memref<20480x64xf32, #tpu.memory_space<hbm>>
      tpu.wait_indirect_dma semaphore(%arg18 : memref<!tpu.dma_semaphore, #tpu.memory_space<semaphore_mem>>) src(%dma_wait3A_155 : memref<20480x64xf32, #tpu.memory_space<hbm>>) dst(%arg9 : memref<128x64xf32, #tpu.memory_space<vmem>>)
      %dma_start3A_156 = arith.constant 0 : i32
      %dma_start3A_157 = tpu.memref_slice %arg6[%add3A_149, %dma_start3A_156] : memref<40x128xi32, #tpu.memory_space<vmem>> -> memref<1x128xi32, #tpu.memory_space<vmem>>
      %dma_start3A_158 = tpu.memref_squeeze %dma_start3A_157 : memref<1x128xi32, #tpu.memory_space<vmem>> -> memref<128xi32, #tpu.memory_space<vmem>>
      %dma_start3A_159 = arith.constant 0 : i32
      %dma_start3A_160 = arith.constant 0 : i32
      %dma_start3A_161 = tpu.memref_slice %arg15[%dma_start3A_159, %dma_start3A_160] : memref<10240x64xf32, #tpu.memory_space<vmem_shared>> -> memref<10240x64xf32, #tpu.memory_space<vmem_shared>>
      tpu.enqueue_indirect_dma source(%arg9 : memref<128x64xf32, #tpu.memory_space<vmem>>) target(%dma_start3A_161 : memref<10240x64xf32, #tpu.memory_space<vmem_shared>>) offsets(%dma_start3A_158 : memref<128xi32, #tpu.memory_space<vmem>>) semaphore(%arg26 : memref<!tpu.dma_semaphore, #tpu.memory_space<semaphore_mem>>) {add = true}
      %add3A_162 = arith.constant 8 : i32
      %add3A_163 = arith.addi %add3A_149, %add3A_162 : i32
      %sub3A_164 = arith.constant 1 : i32
      %sub3A_165 = arith.subi %add3A_163, %sub3A_164 : i32
      %ge3A_166 = arith.constant 1 : i32
      %ge3A_167 = arith.cmpi sge, %add3A_149, %ge3A_166 : i32
      %convert_element_type3A_168 = arith.extui %ge3A_167 : i1 to i32
      %cond3A_169 = arith.constant 0 : i32
      %cond3A_170 = arith.cmpi ne, %convert_element_type3A_168, %cond3A_169 : i32
      scf.if %cond3A_170 {
        %sub3A_326 = arith.constant 8 : i32
        %sub3A_327 = arith.subi %sub3A_165, %sub3A_326 : i32
        %dma_wait3A_328 = arith.constant 0 : i32
        %dma_wait3A_329 = tpu.memref_slice %arg6[%sub3A_327, %dma_wait3A_328] : memref<40x128xi32, #tpu.memory_space<vmem>> -> memref<1x128xi32, #tpu.memory_space<vmem>>
        %dma_wait3A_330 = tpu.memref_squeeze %dma_wait3A_329 : memref<1x128xi32, #tpu.memory_space<vmem>> -> memref<128xi32, #tpu.memory_space<vmem>>
        %dma_wait3A_331 = arith.constant 0 : i32
        %dma_wait3A_332 = arith.constant 0 : i32
        %dma_wait3A_333 = tpu.memref_slice %arg15[%dma_wait3A_331, %dma_wait3A_332] : memref<10240x64xf32, #tpu.memory_space<vmem_shared>> -> memref<10240x64xf32, #tpu.memory_space<vmem_shared>>
        tpu.wait_indirect_dma semaphore(%arg25 : memref<!tpu.dma_semaphore, #tpu.memory_space<semaphore_mem>>) src(%arg8 : memref<128x64xf32, #tpu.memory_space<vmem>>) dst(%dma_wait3A_333 : memref<10240x64xf32, #tpu.memory_space<vmem_shared>>)
      } else {
      }
      %lt3A_171 = arith.constant 40 : i32
      %lt3A_172 = arith.cmpi slt, %sub3A_165, %lt3A_171 : i32
      %convert_element_type3A_173 = arith.extui %lt3A_172 : i1 to i32
      %cond3A_174 = arith.constant 0 : i32
      %cond3A_175 = arith.cmpi ne, %convert_element_type3A_173, %cond3A_174 : i32
      scf.if %cond3A_175 {
        %dma_start3A_326 = arith.constant 0 : i32
        %dma_start3A_327 = tpu.memref_slice %arg5[%sub3A_165, %dma_start3A_326] : memref<40x128xi32, #tpu.memory_space<vmem>> -> memref<1x128xi32, #tpu.memory_space<vmem>>
        %dma_start3A_328 = tpu.memref_squeeze %dma_start3A_327 : memref<1x128xi32, #tpu.memory_space<vmem>> -> memref<128xi32, #tpu.memory_space<vmem>>
        %dma_start3A_329 = arith.constant 0 : i32
        %dma_start3A_330 = arith.constant 0 : i32
        %dma_start3A_331 = tpu.memref_slice %arg2[%dma_start3A_329, %dma_start3A_330] : memref<20480x64xf32, #tpu.memory_space<hbm>> -> memref<20480x64xf32, #tpu.memory_space<hbm>>
        tpu.enqueue_indirect_dma source(%dma_start3A_331 : memref<20480x64xf32, #tpu.memory_space<hbm>>) target(%arg8 : memref<128x64xf32, #tpu.memory_space<vmem>>) offsets(%dma_start3A_328 : memref<128xi32, #tpu.memory_space<vmem>>) semaphore(%arg17 : memref<!tpu.dma_semaphore, #tpu.memory_space<semaphore_mem>>)
      } else {
      }
      %mul3A_176 = arith.constant 8 : i32
      %mul3A_177 = arith.muli %scan3A_90, %mul3A_176 : i32
      %add3A_178 = arith.constant 3 : i32
      %add3A_179 = arith.addi %mul3A_177, %add3A_178 : i32
      %dma_wait3A_180 = arith.constant 0 : i32
      %dma_wait3A_181 = tpu.memref_slice %arg5[%add3A_179, %dma_wait3A_180] : memref<40x128xi32, #tpu.memory_space<vmem>> -> memref<1x128xi32, #tpu.memory_space<vmem>>
      %dma_wait3A_182 = tpu.memref_squeeze %dma_wait3A_181 : memref<1x128xi32, #tpu.memory_space<vmem>> -> memref<128xi32, #tpu.memory_space<vmem>>
      %dma_wait3A_183 = arith.constant 0 : i32
      %dma_wait3A_184 = arith.constant 0 : i32
      %dma_wait3A_185 = tpu.memref_slice %arg2[%dma_wait3A_183, %dma_wait3A_184] : memref<20480x64xf32, #tpu.memory_space<hbm>> -> memref<20480x64xf32, #tpu.memory_space<hbm>>
      tpu.wait_indirect_dma semaphore(%arg19 : memref<!tpu.dma_semaphore, #tpu.memory_space<semaphore_mem>>) src(%dma_wait3A_185 : memref<20480x64xf32, #tpu.memory_space<hbm>>) dst(%arg10 : memref<128x64xf32, #tpu.memory_space<vmem>>)
      %dma_start3A_186 = arith.constant 0 : i32
      %dma_start3A_187 = tpu.memref_slice %arg6[%add3A_179, %dma_start3A_186] : memref<40x128xi32, #tpu.memory_space<vmem>> -> memref<1x128xi32, #tpu.memory_space<vmem>>
      %dma_start3A_188 = tpu.memref_squeeze %dma_start3A_187 : memref<1x128xi32, #tpu.memory_space<vmem>> -> memref<128xi32, #tpu.memory_space<vmem>>
      %dma_start3A_189 = arith.constant 0 : i32
      %dma_start3A_190 = arith.constant 0 : i32
      %dma_start3A_191 = tpu.memref_slice %arg15[%dma_start3A_189, %dma_start3A_190] : memref<10240x64xf32, #tpu.memory_space<vmem_shared>> -> memref<10240x64xf32, #tpu.memory_space<vmem_shared>>
      tpu.enqueue_indirect_dma source(%arg10 : memref<128x64xf32, #tpu.memory_space<vmem>>) target(%dma_start3A_191 : memref<10240x64xf32, #tpu.memory_space<vmem_shared>>) offsets(%dma_start3A_188 : memref<128xi32, #tpu.memory_space<vmem>>) semaphore(%arg27 : memref<!tpu.dma_semaphore, #tpu.memory_space<semaphore_mem>>) {add = true}
      %add3A_192 = arith.constant 8 : i32
      %add3A_193 = arith.addi %add3A_179, %add3A_192 : i32
      %sub3A_194 = arith.constant 1 : i32
      %sub3A_195 = arith.subi %add3A_193, %sub3A_194 : i32
      %ge3A_196 = arith.constant 1 : i32
      %ge3A_197 = arith.cmpi sge, %add3A_179, %ge3A_196 : i32
      %convert_element_type3A_198 = arith.extui %ge3A_197 : i1 to i32
      %cond3A_199 = arith.constant 0 : i32
      %cond3A_200 = arith.cmpi ne, %convert_element_type3A_198, %cond3A_199 : i32
      scf.if %cond3A_200 {
        %sub3A_326 = arith.constant 8 : i32
        %sub3A_327 = arith.subi %sub3A_195, %sub3A_326 : i32
        %dma_wait3A_328 = arith.constant 0 : i32
        %dma_wait3A_329 = tpu.memref_slice %arg6[%sub3A_327, %dma_wait3A_328] : memref<40x128xi32, #tpu.memory_space<vmem>> -> memref<1x128xi32, #tpu.memory_space<vmem>>
        %dma_wait3A_330 = tpu.memref_squeeze %dma_wait3A_329 : memref<1x128xi32, #tpu.memory_space<vmem>> -> memref<128xi32, #tpu.memory_space<vmem>>
        %dma_wait3A_331 = arith.constant 0 : i32
        %dma_wait3A_332 = arith.constant 0 : i32
        %dma_wait3A_333 = tpu.memref_slice %arg15[%dma_wait3A_331, %dma_wait3A_332] : memref<10240x64xf32, #tpu.memory_space<vmem_shared>> -> memref<10240x64xf32, #tpu.memory_space<vmem_shared>>
        tpu.wait_indirect_dma semaphore(%arg26 : memref<!tpu.dma_semaphore, #tpu.memory_space<semaphore_mem>>) src(%arg9 : memref<128x64xf32, #tpu.memory_space<vmem>>) dst(%dma_wait3A_333 : memref<10240x64xf32, #tpu.memory_space<vmem_shared>>)
      } else {
      }
      %lt3A_201 = arith.constant 40 : i32
      %lt3A_202 = arith.cmpi slt, %sub3A_195, %lt3A_201 : i32
      %convert_element_type3A_203 = arith.extui %lt3A_202 : i1 to i32
      %cond3A_204 = arith.constant 0 : i32
      %cond3A_205 = arith.cmpi ne, %convert_element_type3A_203, %cond3A_204 : i32
      scf.if %cond3A_205 {
        %dma_start3A_326 = arith.constant 0 : i32
        %dma_start3A_327 = tpu.memref_slice %arg5[%sub3A_195, %dma_start3A_326] : memref<40x128xi32, #tpu.memory_space<vmem>> -> memref<1x128xi32, #tpu.memory_space<vmem>>
        %dma_start3A_328 = tpu.memref_squeeze %dma_start3A_327 : memref<1x128xi32, #tpu.memory_space<vmem>> -> memref<128xi32, #tpu.memory_space<vmem>>
        %dma_start3A_329 = arith.constant 0 : i32
        %dma_start3A_330 = arith.constant 0 : i32
        %dma_start3A_331 = tpu.memref_slice %arg2[%dma_start3A_329, %dma_start3A_330] : memref<20480x64xf32, #tpu.memory_space<hbm>> -> memref<20480x64xf32, #tpu.memory_space<hbm>>
        tpu.enqueue_indirect_dma source(%dma_start3A_331 : memref<20480x64xf32, #tpu.memory_space<hbm>>) target(%arg9 : memref<128x64xf32, #tpu.memory_space<vmem>>) offsets(%dma_start3A_328 : memref<128xi32, #tpu.memory_space<vmem>>) semaphore(%arg18 : memref<!tpu.dma_semaphore, #tpu.memory_space<semaphore_mem>>)
      } else {
      }
      %mul3A_206 = arith.constant 8 : i32
      %mul3A_207 = arith.muli %scan3A_90, %mul3A_206 : i32
      %add3A_208 = arith.constant 4 : i32
      %add3A_209 = arith.addi %mul3A_207, %add3A_208 : i32
      %dma_wait3A_210 = arith.constant 0 : i32
      %dma_wait3A_211 = tpu.memref_slice %arg5[%add3A_209, %dma_wait3A_210] : memref<40x128xi32, #tpu.memory_space<vmem>> -> memref<1x128xi32, #tpu.memory_space<vmem>>
      %dma_wait3A_212 = tpu.memref_squeeze %dma_wait3A_211 : memref<1x128xi32, #tpu.memory_space<vmem>> -> memref<128xi32, #tpu.memory_space<vmem>>
      %dma_wait3A_213 = arith.constant 0 : i32
      %dma_wait3A_214 = arith.constant 0 : i32
      %dma_wait3A_215 = tpu.memref_slice %arg2[%dma_wait3A_213, %dma_wait3A_214] : memref<20480x64xf32, #tpu.memory_space<hbm>> -> memref<20480x64xf32, #tpu.memory_space<hbm>>
      tpu.wait_indirect_dma semaphore(%arg20 : memref<!tpu.dma_semaphore, #tpu.memory_space<semaphore_mem>>) src(%dma_wait3A_215 : memref<20480x64xf32, #tpu.memory_space<hbm>>) dst(%arg11 : memref<128x64xf32, #tpu.memory_space<vmem>>)
      %dma_start3A_216 = arith.constant 0 : i32
      %dma_start3A_217 = tpu.memref_slice %arg6[%add3A_209, %dma_start3A_216] : memref<40x128xi32, #tpu.memory_space<vmem>> -> memref<1x128xi32, #tpu.memory_space<vmem>>
      %dma_start3A_218 = tpu.memref_squeeze %dma_start3A_217 : memref<1x128xi32, #tpu.memory_space<vmem>> -> memref<128xi32, #tpu.memory_space<vmem>>
      %dma_start3A_219 = arith.constant 0 : i32
      %dma_start3A_220 = arith.constant 0 : i32
      %dma_start3A_221 = tpu.memref_slice %arg15[%dma_start3A_219, %dma_start3A_220] : memref<10240x64xf32, #tpu.memory_space<vmem_shared>> -> memref<10240x64xf32, #tpu.memory_space<vmem_shared>>
      tpu.enqueue_indirect_dma source(%arg11 : memref<128x64xf32, #tpu.memory_space<vmem>>) target(%dma_start3A_221 : memref<10240x64xf32, #tpu.memory_space<vmem_shared>>) offsets(%dma_start3A_218 : memref<128xi32, #tpu.memory_space<vmem>>) semaphore(%arg28 : memref<!tpu.dma_semaphore, #tpu.memory_space<semaphore_mem>>) {add = true}
      %add3A_222 = arith.constant 8 : i32
      %add3A_223 = arith.addi %add3A_209, %add3A_222 : i32
      %sub3A_224 = arith.constant 1 : i32
      %sub3A_225 = arith.subi %add3A_223, %sub3A_224 : i32
      %ge3A_226 = arith.constant 1 : i32
      %ge3A_227 = arith.cmpi sge, %add3A_209, %ge3A_226 : i32
      %convert_element_type3A_228 = arith.extui %ge3A_227 : i1 to i32
      %cond3A_229 = arith.constant 0 : i32
      %cond3A_230 = arith.cmpi ne, %convert_element_type3A_228, %cond3A_229 : i32
      scf.if %cond3A_230 {
        %sub3A_326 = arith.constant 8 : i32
        %sub3A_327 = arith.subi %sub3A_225, %sub3A_326 : i32
        %dma_wait3A_328 = arith.constant 0 : i32
        %dma_wait3A_329 = tpu.memref_slice %arg6[%sub3A_327, %dma_wait3A_328] : memref<40x128xi32, #tpu.memory_space<vmem>> -> memref<1x128xi32, #tpu.memory_space<vmem>>
        %dma_wait3A_330 = tpu.memref_squeeze %dma_wait3A_329 : memref<1x128xi32, #tpu.memory_space<vmem>> -> memref<128xi32, #tpu.memory_space<vmem>>
        %dma_wait3A_331 = arith.constant 0 : i32
        %dma_wait3A_332 = arith.constant 0 : i32
        %dma_wait3A_333 = tpu.memref_slice %arg15[%dma_wait3A_331, %dma_wait3A_332] : memref<10240x64xf32, #tpu.memory_space<vmem_shared>> -> memref<10240x64xf32, #tpu.memory_space<vmem_shared>>
        tpu.wait_indirect_dma semaphore(%arg27 : memref<!tpu.dma_semaphore, #tpu.memory_space<semaphore_mem>>) src(%arg10 : memref<128x64xf32, #tpu.memory_space<vmem>>) dst(%dma_wait3A_333 : memref<10240x64xf32, #tpu.memory_space<vmem_shared>>)
      } else {
      }
      %lt3A_231 = arith.constant 40 : i32
      %lt3A_232 = arith.cmpi slt, %sub3A_225, %lt3A_231 : i32
      %convert_element_type3A_233 = arith.extui %lt3A_232 : i1 to i32
      %cond3A_234 = arith.constant 0 : i32
      %cond3A_235 = arith.cmpi ne, %convert_element_type3A_233, %cond3A_234 : i32
      scf.if %cond3A_235 {
        %dma_start3A_326 = arith.constant 0 : i32
        %dma_start3A_327 = tpu.memref_slice %arg5[%sub3A_225, %dma_start3A_326] : memref<40x128xi32, #tpu.memory_space<vmem>> -> memref<1x128xi32, #tpu.memory_space<vmem>>
        %dma_start3A_328 = tpu.memref_squeeze %dma_start3A_327 : memref<1x128xi32, #tpu.memory_space<vmem>> -> memref<128xi32, #tpu.memory_space<vmem>>
        %dma_start3A_329 = arith.constant 0 : i32
        %dma_start3A_330 = arith.constant 0 : i32
        %dma_start3A_331 = tpu.memref_slice %arg2[%dma_start3A_329, %dma_start3A_330] : memref<20480x64xf32, #tpu.memory_space<hbm>> -> memref<20480x64xf32, #tpu.memory_space<hbm>>
        tpu.enqueue_indirect_dma source(%dma_start3A_331 : memref<20480x64xf32, #tpu.memory_space<hbm>>) target(%arg10 : memref<128x64xf32, #tpu.memory_space<vmem>>) offsets(%dma_start3A_328 : memref<128xi32, #tpu.memory_space<vmem>>) semaphore(%arg19 : memref<!tpu.dma_semaphore, #tpu.memory_space<semaphore_mem>>)
      } else {
      }
      %mul3A_236 = arith.constant 8 : i32
      %mul3A_237 = arith.muli %scan3A_90, %mul3A_236 : i32
      %add3A_238 = arith.constant 5 : i32
      %add3A_239 = arith.addi %mul3A_237, %add3A_238 : i32
      %dma_wait3A_240 = arith.constant 0 : i32
      %dma_wait3A_241 = tpu.memref_slice %arg5[%add3A_239, %dma_wait3A_240] : memref<40x128xi32, #tpu.memory_space<vmem>> -> memref<1x128xi32, #tpu.memory_space<vmem>>
      %dma_wait3A_242 = tpu.memref_squeeze %dma_wait3A_241 : memref<1x128xi32, #tpu.memory_space<vmem>> -> memref<128xi32, #tpu.memory_space<vmem>>
      %dma_wait3A_243 = arith.constant 0 : i32
      %dma_wait3A_244 = arith.constant 0 : i32
      %dma_wait3A_245 = tpu.memref_slice %arg2[%dma_wait3A_243, %dma_wait3A_244] : memref<20480x64xf32, #tpu.memory_space<hbm>> -> memref<20480x64xf32, #tpu.memory_space<hbm>>
      tpu.wait_indirect_dma semaphore(%arg21 : memref<!tpu.dma_semaphore, #tpu.memory_space<semaphore_mem>>) src(%dma_wait3A_245 : memref<20480x64xf32, #tpu.memory_space<hbm>>) dst(%arg12 : memref<128x64xf32, #tpu.memory_space<vmem>>)
      %dma_start3A_246 = arith.constant 0 : i32
      %dma_start3A_247 = tpu.memref_slice %arg6[%add3A_239, %dma_start3A_246] : memref<40x128xi32, #tpu.memory_space<vmem>> -> memref<1x128xi32, #tpu.memory_space<vmem>>
      %dma_start3A_248 = tpu.memref_squeeze %dma_start3A_247 : memref<1x128xi32, #tpu.memory_space<vmem>> -> memref<128xi32, #tpu.memory_space<vmem>>
      %dma_start3A_249 = arith.constant 0 : i32
      %dma_start3A_250 = arith.constant 0 : i32
      %dma_start3A_251 = tpu.memref_slice %arg15[%dma_start3A_249, %dma_start3A_250] : memref<10240x64xf32, #tpu.memory_space<vmem_shared>> -> memref<10240x64xf32, #tpu.memory_space<vmem_shared>>
      tpu.enqueue_indirect_dma source(%arg12 : memref<128x64xf32, #tpu.memory_space<vmem>>) target(%dma_start3A_251 : memref<10240x64xf32, #tpu.memory_space<vmem_shared>>) offsets(%dma_start3A_248 : memref<128xi32, #tpu.memory_space<vmem>>) semaphore(%arg29 : memref<!tpu.dma_semaphore, #tpu.memory_space<semaphore_mem>>) {add = true}
      %add3A_252 = arith.constant 8 : i32
      %add3A_253 = arith.addi %add3A_239, %add3A_252 : i32
      %sub3A_254 = arith.constant 1 : i32
      %sub3A_255 = arith.subi %add3A_253, %sub3A_254 : i32
      %ge3A_256 = arith.constant 1 : i32
      %ge3A_257 = arith.cmpi sge, %add3A_239, %ge3A_256 : i32
      %convert_element_type3A_258 = arith.extui %ge3A_257 : i1 to i32
      %cond3A_259 = arith.constant 0 : i32
      %cond3A_260 = arith.cmpi ne, %convert_element_type3A_258, %cond3A_259 : i32
      scf.if %cond3A_260 {
        %sub3A_326 = arith.constant 8 : i32
        %sub3A_327 = arith.subi %sub3A_255, %sub3A_326 : i32
        %dma_wait3A_328 = arith.constant 0 : i32
        %dma_wait3A_329 = tpu.memref_slice %arg6[%sub3A_327, %dma_wait3A_328] : memref<40x128xi32, #tpu.memory_space<vmem>> -> memref<1x128xi32, #tpu.memory_space<vmem>>
        %dma_wait3A_330 = tpu.memref_squeeze %dma_wait3A_329 : memref<1x128xi32, #tpu.memory_space<vmem>> -> memref<128xi32, #tpu.memory_space<vmem>>
        %dma_wait3A_331 = arith.constant 0 : i32
        %dma_wait3A_332 = arith.constant 0 : i32
        %dma_wait3A_333 = tpu.memref_slice %arg15[%dma_wait3A_331, %dma_wait3A_332] : memref<10240x64xf32, #tpu.memory_space<vmem_shared>> -> memref<10240x64xf32, #tpu.memory_space<vmem_shared>>
        tpu.wait_indirect_dma semaphore(%arg28 : memref<!tpu.dma_semaphore, #tpu.memory_space<semaphore_mem>>) src(%arg11 : memref<128x64xf32, #tpu.memory_space<vmem>>) dst(%dma_wait3A_333 : memref<10240x64xf32, #tpu.memory_space<vmem_shared>>)
      } else {
      }
      %lt3A_261 = arith.constant 40 : i32
      %lt3A_262 = arith.cmpi slt, %sub3A_255, %lt3A_261 : i32
      %convert_element_type3A_263 = arith.extui %lt3A_262 : i1 to i32
      %cond3A_264 = arith.constant 0 : i32
      %cond3A_265 = arith.cmpi ne, %convert_element_type3A_263, %cond3A_264 : i32
      scf.if %cond3A_265 {
        %dma_start3A_326 = arith.constant 0 : i32
        %dma_start3A_327 = tpu.memref_slice %arg5[%sub3A_255, %dma_start3A_326] : memref<40x128xi32, #tpu.memory_space<vmem>> -> memref<1x128xi32, #tpu.memory_space<vmem>>
        %dma_start3A_328 = tpu.memref_squeeze %dma_start3A_327 : memref<1x128xi32, #tpu.memory_space<vmem>> -> memref<128xi32, #tpu.memory_space<vmem>>
        %dma_start3A_329 = arith.constant 0 : i32
        %dma_start3A_330 = arith.constant 0 : i32
        %dma_start3A_331 = tpu.memref_slice %arg2[%dma_start3A_329, %dma_start3A_330] : memref<20480x64xf32, #tpu.memory_space<hbm>> -> memref<20480x64xf32, #tpu.memory_space<hbm>>
        tpu.enqueue_indirect_dma source(%dma_start3A_331 : memref<20480x64xf32, #tpu.memory_space<hbm>>) target(%arg11 : memref<128x64xf32, #tpu.memory_space<vmem>>) offsets(%dma_start3A_328 : memref<128xi32, #tpu.memory_space<vmem>>) semaphore(%arg20 : memref<!tpu.dma_semaphore, #tpu.memory_space<semaphore_mem>>)
      } else {
      }
      %mul3A_266 = arith.constant 8 : i32
      %mul3A_267 = arith.muli %scan3A_90, %mul3A_266 : i32
      %add3A_268 = arith.constant 6 : i32
      %add3A_269 = arith.addi %mul3A_267, %add3A_268 : i32
      %dma_wait3A_270 = arith.constant 0 : i32
      %dma_wait3A_271 = tpu.memref_slice %arg5[%add3A_269, %dma_wait3A_270] : memref<40x128xi32, #tpu.memory_space<vmem>> -> memref<1x128xi32, #tpu.memory_space<vmem>>
      %dma_wait3A_272 = tpu.memref_squeeze %dma_wait3A_271 : memref<1x128xi32, #tpu.memory_space<vmem>> -> memref<128xi32, #tpu.memory_space<vmem>>
      %dma_wait3A_273 = arith.constant 0 : i32
      %dma_wait3A_274 = arith.constant 0 : i32
      %dma_wait3A_275 = tpu.memref_slice %arg2[%dma_wait3A_273, %dma_wait3A_274] : memref<20480x64xf32, #tpu.memory_space<hbm>> -> memref<20480x64xf32, #tpu.memory_space<hbm>>
      tpu.wait_indirect_dma semaphore(%arg22 : memref<!tpu.dma_semaphore, #tpu.memory_space<semaphore_mem>>) src(%dma_wait3A_275 : memref<20480x64xf32, #tpu.memory_space<hbm>>) dst(%arg13 : memref<128x64xf32, #tpu.memory_space<vmem>>)
      %dma_start3A_276 = arith.constant 0 : i32
      %dma_start3A_277 = tpu.memref_slice %arg6[%add3A_269, %dma_start3A_276] : memref<40x128xi32, #tpu.memory_space<vmem>> -> memref<1x128xi32, #tpu.memory_space<vmem>>
      %dma_start3A_278 = tpu.memref_squeeze %dma_start3A_277 : memref<1x128xi32, #tpu.memory_space<vmem>> -> memref<128xi32, #tpu.memory_space<vmem>>
      %dma_start3A_279 = arith.constant 0 : i32
      %dma_start3A_280 = arith.constant 0 : i32
      %dma_start3A_281 = tpu.memref_slice %arg15[%dma_start3A_279, %dma_start3A_280] : memref<10240x64xf32, #tpu.memory_space<vmem_shared>> -> memref<10240x64xf32, #tpu.memory_space<vmem_shared>>
      tpu.enqueue_indirect_dma source(%arg13 : memref<128x64xf32, #tpu.memory_space<vmem>>) target(%dma_start3A_281 : memref<10240x64xf32, #tpu.memory_space<vmem_shared>>) offsets(%dma_start3A_278 : memref<128xi32, #tpu.memory_space<vmem>>) semaphore(%arg30 : memref<!tpu.dma_semaphore, #tpu.memory_space<semaphore_mem>>) {add = true}
      %add3A_282 = arith.constant 8 : i32
      %add3A_283 = arith.addi %add3A_269, %add3A_282 : i32
      %sub3A_284 = arith.constant 1 : i32
      %sub3A_285 = arith.subi %add3A_283, %sub3A_284 : i32
      %ge3A_286 = arith.constant 1 : i32
      %ge3A_287 = arith.cmpi sge, %add3A_269, %ge3A_286 : i32
      %convert_element_type3A_288 = arith.extui %ge3A_287 : i1 to i32
      %cond3A_289 = arith.constant 0 : i32
      %cond3A_290 = arith.cmpi ne, %convert_element_type3A_288, %cond3A_289 : i32
      scf.if %cond3A_290 {
        %sub3A_326 = arith.constant 8 : i32
        %sub3A_327 = arith.subi %sub3A_285, %sub3A_326 : i32
        %dma_wait3A_328 = arith.constant 0 : i32
        %dma_wait3A_329 = tpu.memref_slice %arg6[%sub3A_327, %dma_wait3A_328] : memref<40x128xi32, #tpu.memory_space<vmem>> -> memref<1x128xi32, #tpu.memory_space<vmem>>
        %dma_wait3A_330 = tpu.memref_squeeze %dma_wait3A_329 : memref<1x128xi32, #tpu.memory_space<vmem>> -> memref<128xi32, #tpu.memory_space<vmem>>
        %dma_wait3A_331 = arith.constant 0 : i32
        %dma_wait3A_332 = arith.constant 0 : i32
        %dma_wait3A_333 = tpu.memref_slice %arg15[%dma_wait3A_331, %dma_wait3A_332] : memref<10240x64xf32, #tpu.memory_space<vmem_shared>> -> memref<10240x64xf32, #tpu.memory_space<vmem_shared>>
        tpu.wait_indirect_dma semaphore(%arg29 : memref<!tpu.dma_semaphore, #tpu.memory_space<semaphore_mem>>) src(%arg12 : memref<128x64xf32, #tpu.memory_space<vmem>>) dst(%dma_wait3A_333 : memref<10240x64xf32, #tpu.memory_space<vmem_shared>>)
      } else {
      }
      %lt3A_291 = arith.constant 40 : i32
      %lt3A_292 = arith.cmpi slt, %sub3A_285, %lt3A_291 : i32
      %convert_element_type3A_293 = arith.extui %lt3A_292 : i1 to i32
      %cond3A_294 = arith.constant 0 : i32
      %cond3A_295 = arith.cmpi ne, %convert_element_type3A_293, %cond3A_294 : i32
      scf.if %cond3A_295 {
        %dma_start3A_326 = arith.constant 0 : i32
        %dma_start3A_327 = tpu.memref_slice %arg5[%sub3A_285, %dma_start3A_326] : memref<40x128xi32, #tpu.memory_space<vmem>> -> memref<1x128xi32, #tpu.memory_space<vmem>>
        %dma_start3A_328 = tpu.memref_squeeze %dma_start3A_327 : memref<1x128xi32, #tpu.memory_space<vmem>> -> memref<128xi32, #tpu.memory_space<vmem>>
        %dma_start3A_329 = arith.constant 0 : i32
        %dma_start3A_330 = arith.constant 0 : i32
        %dma_start3A_331 = tpu.memref_slice %arg2[%dma_start3A_329, %dma_start3A_330] : memref<20480x64xf32, #tpu.memory_space<hbm>> -> memref<20480x64xf32, #tpu.memory_space<hbm>>
        tpu.enqueue_indirect_dma source(%dma_start3A_331 : memref<20480x64xf32, #tpu.memory_space<hbm>>) target(%arg12 : memref<128x64xf32, #tpu.memory_space<vmem>>) offsets(%dma_start3A_328 : memref<128xi32, #tpu.memory_space<vmem>>) semaphore(%arg21 : memref<!tpu.dma_semaphore, #tpu.memory_space<semaphore_mem>>)
      } else {
      }
      %mul3A_296 = arith.constant 8 : i32
      %mul3A_297 = arith.muli %scan3A_90, %mul3A_296 : i32
      %add3A_298 = arith.constant 7 : i32
      %add3A_299 = arith.addi %mul3A_297, %add3A_298 : i32
      %dma_wait3A_300 = arith.constant 0 : i32
      %dma_wait3A_301 = tpu.memref_slice %arg5[%add3A_299, %dma_wait3A_300] : memref<40x128xi32, #tpu.memory_space<vmem>> -> memref<1x128xi32, #tpu.memory_space<vmem>>
      %dma_wait3A_302 = tpu.memref_squeeze %dma_wait3A_301 : memref<1x128xi32, #tpu.memory_space<vmem>> -> memref<128xi32, #tpu.memory_space<vmem>>
      %dma_wait3A_303 = arith.constant 0 : i32
      %dma_wait3A_304 = arith.constant 0 : i32
      %dma_wait3A_305 = tpu.memref_slice %arg2[%dma_wait3A_303, %dma_wait3A_304] : memref<20480x64xf32, #tpu.memory_space<hbm>> -> memref<20480x64xf32, #tpu.memory_space<hbm>>
      tpu.wait_indirect_dma semaphore(%arg23 : memref<!tpu.dma_semaphore, #tpu.memory_space<semaphore_mem>>) src(%dma_wait3A_305 : memref<20480x64xf32, #tpu.memory_space<hbm>>) dst(%arg14 : memref<128x64xf32, #tpu.memory_space<vmem>>)
      %dma_start3A_306 = arith.constant 0 : i32
      %dma_start3A_307 = tpu.memref_slice %arg6[%add3A_299, %dma_start3A_306] : memref<40x128xi32, #tpu.memory_space<vmem>> -> memref<1x128xi32, #tpu.memory_space<vmem>>
      %dma_start3A_308 = tpu.memref_squeeze %dma_start3A_307 : memref<1x128xi32, #tpu.memory_space<vmem>> -> memref<128xi32, #tpu.memory_space<vmem>>
      %dma_start3A_309 = arith.constant 0 : i32
      %dma_start3A_310 = arith.constant 0 : i32
      %dma_start3A_311 = tpu.memref_slice %arg15[%dma_start3A_309, %dma_start3A_310] : memref<10240x64xf32, #tpu.memory_space<vmem_shared>> -> memref<10240x64xf32, #tpu.memory_space<vmem_shared>>
      tpu.enqueue_indirect_dma source(%arg14 : memref<128x64xf32, #tpu.memory_space<vmem>>) target(%dma_start3A_311 : memref<10240x64xf32, #tpu.memory_space<vmem_shared>>) offsets(%dma_start3A_308 : memref<128xi32, #tpu.memory_space<vmem>>) semaphore(%arg31 : memref<!tpu.dma_semaphore, #tpu.memory_space<semaphore_mem>>) {add = true}
      %add3A_312 = arith.constant 8 : i32
      %add3A_313 = arith.addi %add3A_299, %add3A_312 : i32
      %sub3A_314 = arith.constant 1 : i32
      %sub3A_315 = arith.subi %add3A_313, %sub3A_314 : i32
      %ge3A_316 = arith.constant 1 : i32
      %ge3A_317 = arith.cmpi sge, %add3A_299, %ge3A_316 : i32
      %convert_element_type3A_318 = arith.extui %ge3A_317 : i1 to i32
      %cond3A_319 = arith.constant 0 : i32
      %cond3A_320 = arith.cmpi ne, %convert_element_type3A_318, %cond3A_319 : i32
      scf.if %cond3A_320 {
        %sub3A_326 = arith.constant 8 : i32
        %sub3A_327 = arith.subi %sub3A_315, %sub3A_326 : i32
        %dma_wait3A_328 = arith.constant 0 : i32
        %dma_wait3A_329 = tpu.memref_slice %arg6[%sub3A_327, %dma_wait3A_328] : memref<40x128xi32, #tpu.memory_space<vmem>> -> memref<1x128xi32, #tpu.memory_space<vmem>>
        %dma_wait3A_330 = tpu.memref_squeeze %dma_wait3A_329 : memref<1x128xi32, #tpu.memory_space<vmem>> -> memref<128xi32, #tpu.memory_space<vmem>>
        %dma_wait3A_331 = arith.constant 0 : i32
        %dma_wait3A_332 = arith.constant 0 : i32
        %dma_wait3A_333 = tpu.memref_slice %arg15[%dma_wait3A_331, %dma_wait3A_332] : memref<10240x64xf32, #tpu.memory_space<vmem_shared>> -> memref<10240x64xf32, #tpu.memory_space<vmem_shared>>
        tpu.wait_indirect_dma semaphore(%arg30 : memref<!tpu.dma_semaphore, #tpu.memory_space<semaphore_mem>>) src(%arg13 : memref<128x64xf32, #tpu.memory_space<vmem>>) dst(%dma_wait3A_333 : memref<10240x64xf32, #tpu.memory_space<vmem_shared>>)
      } else {
      }
      %lt3A_321 = arith.constant 40 : i32
      %lt3A_322 = arith.cmpi slt, %sub3A_315, %lt3A_321 : i32
      %convert_element_type3A_323 = arith.extui %lt3A_322 : i1 to i32
      %cond3A_324 = arith.constant 0 : i32
      %cond3A_325 = arith.cmpi ne, %convert_element_type3A_323, %cond3A_324 : i32
      scf.if %cond3A_325 {
        %dma_start3A_326 = arith.constant 0 : i32
        %dma_start3A_327 = tpu.memref_slice %arg5[%sub3A_315, %dma_start3A_326] : memref<40x128xi32, #tpu.memory_space<vmem>> -> memref<1x128xi32, #tpu.memory_space<vmem>>
        %dma_start3A_328 = tpu.memref_squeeze %dma_start3A_327 : memref<1x128xi32, #tpu.memory_space<vmem>> -> memref<128xi32, #tpu.memory_space<vmem>>
        %dma_start3A_329 = arith.constant 0 : i32
        %dma_start3A_330 = arith.constant 0 : i32
        %dma_start3A_331 = tpu.memref_slice %arg2[%dma_start3A_329, %dma_start3A_330] : memref<20480x64xf32, #tpu.memory_space<hbm>> -> memref<20480x64xf32, #tpu.memory_space<hbm>>
        tpu.enqueue_indirect_dma source(%dma_start3A_331 : memref<20480x64xf32, #tpu.memory_space<hbm>>) target(%arg13 : memref<128x64xf32, #tpu.memory_space<vmem>>) offsets(%dma_start3A_328 : memref<128xi32, #tpu.memory_space<vmem>>) semaphore(%arg22 : memref<!tpu.dma_semaphore, #tpu.memory_space<semaphore_mem>>)
      } else {
      }
    }
    %scan3A_80 = arith.constant 5 : i32
    %dma_wait3A = arith.constant 39 : i32
    %dma_wait3A_81 = arith.constant 0 : i32
    %dma_wait3A_82 = tpu.memref_slice %arg6[%dma_wait3A, %dma_wait3A_81] : memref<40x128xi32, #tpu.memory_space<vmem>> -> memref<1x128xi32, #tpu.memory_space<vmem>>
    %dma_wait3A_83 = tpu.memref_squeeze %dma_wait3A_82 : memref<1x128xi32, #tpu.memory_space<vmem>> -> memref<128xi32, #tpu.memory_space<vmem>>
    %dma_wait3A_84 = arith.constant 0 : i32
    %dma_wait3A_85 = arith.constant 0 : i32
    %dma_wait3A_86 = tpu.memref_slice %arg15[%dma_wait3A_84, %dma_wait3A_85] : memref<10240x64xf32, #tpu.memory_space<vmem_shared>> -> memref<10240x64xf32, #tpu.memory_space<vmem_shared>>
    tpu.wait_indirect_dma semaphore(%arg31 : memref<!tpu.dma_semaphore, #tpu.memory_space<semaphore_mem>>) src(%arg14 : memref<128x64xf32, #tpu.memory_space<vmem>>) dst(%dma_wait3A_86 : memref<10240x64xf32, #tpu.memory_space<vmem_shared>>)
    %barrier3A_87 = arith.constant 0 : index
    tpu.barrier barrier_id(%barrier3A_87)
    %mul3A_88 = arith.constant 64 : i32
    %mul3A_89 = arith.muli %arg0, %mul3A_88 : i32
    "tpu.region"() ({
      %run_scoped3A_90 = tpu.sem_alloc : memref<!tpu.dma_semaphore, #tpu.memory_space<semaphore_mem>>
      %dma_start3A_91 = tpu.memref_slice %arg4[%mul3A_0, %mul3A_89] : memref<10240x128xf32, #tpu.memory_space<hbm>> -> memref<640x64xf32, #tpu.memory_space<hbm>>
      %dma_start3A_92 = arith.constant 0 : i32
      %dma_start3A_93 = tpu.memref_slice %arg15[%mul3A_0, %dma_start3A_92] : memref<10240x64xf32, #tpu.memory_space<vmem_shared>> -> memref<640x64xf32, #tpu.memory_space<vmem_shared>>
      tpu.enqueue_dma source(%dma_start3A_93 : memref<640x64xf32, #tpu.memory_space<vmem_shared>>) target(%dma_start3A_91 : memref<640x64xf32, #tpu.memory_space<hbm>>) target_semaphore(%run_scoped3A_90 : memref<!tpu.dma_semaphore, #tpu.memory_space<semaphore_mem>>)
      %dma_wait3A_94 = tpu.memref_slice %arg4[%mul3A_0, %mul3A_89] : memref<10240x128xf32, #tpu.memory_space<hbm>> -> memref<640x64xf32, #tpu.memory_space<hbm>>
      %dma_wait3A_95 = arith.constant 0 : i32
      %dma_wait3A_96 = tpu.memref_slice %arg15[%mul3A_0, %dma_wait3A_95] : memref<10240x64xf32, #tpu.memory_space<vmem_shared>> -> memref<640x64xf32, #tpu.memory_space<vmem_shared>>
      tpu.wait_dma2 semaphore(%run_scoped3A_90 : memref<!tpu.dma_semaphore, #tpu.memory_space<semaphore_mem>>) src(%dma_wait3A_96 : memref<640x64xf32, #tpu.memory_space<vmem_shared>>) dst(%dma_wait3A_94 : memref<640x64xf32, #tpu.memory_space<hbm>>)
      tpu.yield
    }) : () -> ()
    return
  }
}

#map = affine_map<(d0, d1) -> (0, 0)>
#map1 = affine_map<(d0, d1) -> (0, 0, 0)>
module attributes {stable_mosaic.version = 14 : i64} {
  func.func @body(%arg0: i32, %arg1: i32, %arg2: memref<20480x64xf32, #tpu.memory_space<hbm>>, %arg3: memref<2x1280x128xi32, #tpu.memory_space<hbm>>, %arg4: memref<10240x128xf32, #tpu.memory_space<hbm>>, %arg5: memref<10240x128xf32, #tpu.memory_space<hbm>>, %arg6: memref<80x128xi32, #tpu.memory_space<vmem>>, %arg7: memref<80x128xi32, #tpu.memory_space<vmem>>, %arg8: memref<128x64xf32, #tpu.memory_space<vmem>>, %arg9: memref<128x64xf32, #tpu.memory_space<vmem>>, %arg10: memref<128x64xf32, #tpu.memory_space<vmem>>, %arg11: memref<128x64xf32, #tpu.memory_space<vmem>>, %arg12: memref<128x64xf32, #tpu.memory_space<vmem>>, %arg13: memref<10240x64xf32, #tpu.memory_space<vmem_shared>>, %arg14: memref<!tpu.dma_semaphore, #tpu.memory_space<semaphore_mem>>, %arg15: memref<!tpu.dma_semaphore, #tpu.memory_space<semaphore_mem>>, %arg16: memref<!tpu.dma_semaphore, #tpu.memory_space<semaphore_mem>>, %arg17: memref<!tpu.dma_semaphore, #tpu.memory_space<semaphore_mem>>, %arg18: memref<!tpu.dma_semaphore, #tpu.memory_space<semaphore_mem>>, %arg19: memref<!tpu.dma_semaphore, #tpu.memory_space<semaphore_mem>>, %arg20: memref<!tpu.dma_semaphore, #tpu.memory_space<semaphore_mem>>, %arg21: memref<!tpu.dma_semaphore, #tpu.memory_space<semaphore_mem>>, %arg22: memref<!tpu.dma_semaphore, #tpu.memory_space<semaphore_mem>>, %arg23: memref<!tpu.dma_semaphore, #tpu.memory_space<semaphore_mem>>, %arg24: memref<128x8xf32, #tpu.memory_space<vmem>>, %arg25: memref<10240x8xf32, #tpu.memory_space<vmem_shared>>, %arg26: memref<!tpu.dma_semaphore, #tpu.memory_space<semaphore_mem>>, %arg27: memref<!tpu.dma_semaphore, #tpu.memory_space<semaphore_mem>>, %arg28: memref<!tpu.dma_semaphore, #tpu.memory_space<semaphore_mem>>, %arg29: memref<!tpu.dma_semaphore, #tpu.memory_space<semaphore_mem>>, %arg30: memref<!tpu.dma_semaphore, #tpu.memory_space<semaphore_mem>>) attributes {dimension_semantics = [#tpu.dimension_semantics<core_parallel>, #tpu.dimension_semantics<subcore_parallel>], iteration_bounds = array<i64: 2, 16>, scalar_prefetch = 0 : i64, scratch_operands = 25 : i64, tpu.core_type = #tpu.core_type<sc_vector_subcore>, window_params = [{transform_indices = #map}, {transform_indices = #map1}, {transform_indices = #map}, {transform_indices = #map}]} {
    %mul3A = arith.constant 640 : i32
    %mul3A_0 = arith.muli %arg1, %mul3A : i32
    %mul3A_1 = arith.constant 80 : i32
    %mul3A_2 = arith.muli %arg1, %mul3A_1 : i32
    %run_scoped3A = arith.constant 0 : i32
    "tpu.region"() ({
      %run_scoped3A_125 = tpu.sem_alloc : memref<!tpu.dma_semaphore, #tpu.memory_space<semaphore_mem>>
      %dma_start3A_126 = arith.constant 0 : i32
      %dma_start3A_127 = tpu.memref_slice %arg3[%run_scoped3A, %mul3A_2, %dma_start3A_126] : memref<2x1280x128xi32, #tpu.memory_space<hbm>> -> memref<1x80x128xi32, #tpu.memory_space<hbm>>
      %dma_start3A_128 = tpu.memref_squeeze %dma_start3A_127 : memref<1x80x128xi32, #tpu.memory_space<hbm>> -> memref<80x128xi32, #tpu.memory_space<hbm>>
      %dma_start3A_129 = arith.constant 0 : i32
      %dma_start3A_130 = tpu.memref_slice %arg3[%run_scoped3A, %mul3A_2, %dma_start3A_129] : memref<2x1280x128xi32, #tpu.memory_space<hbm>> -> memref<1x80x128xi32, #tpu.memory_space<hbm>>
      %dma_start3A_131 = tpu.memref_squeeze %dma_start3A_130 : memref<1x80x128xi32, #tpu.memory_space<hbm>> -> memref<80x128xi32, #tpu.memory_space<hbm>>
      tpu.enqueue_dma source(%dma_start3A_131 : memref<80x128xi32, #tpu.memory_space<hbm>>) target(%arg6 : memref<80x128xi32, #tpu.memory_space<vmem>>) target_semaphore(%run_scoped3A_125 : memref<!tpu.dma_semaphore, #tpu.memory_space<semaphore_mem>>)
      %dma_wait3A_132 = arith.constant 0 : i32
      %dma_wait3A_133 = tpu.memref_slice %arg3[%run_scoped3A, %mul3A_2, %dma_wait3A_132] : memref<2x1280x128xi32, #tpu.memory_space<hbm>> -> memref<1x80x128xi32, #tpu.memory_space<hbm>>
      %dma_wait3A_134 = tpu.memref_squeeze %dma_wait3A_133 : memref<1x80x128xi32, #tpu.memory_space<hbm>> -> memref<80x128xi32, #tpu.memory_space<hbm>>
      %dma_wait3A_135 = arith.constant 0 : i32
      %dma_wait3A_136 = tpu.memref_slice %arg3[%run_scoped3A, %mul3A_2, %dma_wait3A_135] : memref<2x1280x128xi32, #tpu.memory_space<hbm>> -> memref<1x80x128xi32, #tpu.memory_space<hbm>>
      %dma_wait3A_137 = tpu.memref_squeeze %dma_wait3A_136 : memref<1x80x128xi32, #tpu.memory_space<hbm>> -> memref<80x128xi32, #tpu.memory_space<hbm>>
      tpu.wait_dma2 semaphore(%run_scoped3A_125 : memref<!tpu.dma_semaphore, #tpu.memory_space<semaphore_mem>>) src(%dma_wait3A_137 : memref<80x128xi32, #tpu.memory_space<hbm>>) dst(%arg6 : memref<80x128xi32, #tpu.memory_space<vmem>>)
      tpu.yield
    }) : () -> ()
    %run_scoped3A_3 = arith.constant 1 : i32
    "tpu.region"() ({
      %run_scoped3A_125 = tpu.sem_alloc : memref<!tpu.dma_semaphore, #tpu.memory_space<semaphore_mem>>
      %dma_start3A_126 = arith.constant 0 : i32
      %dma_start3A_127 = tpu.memref_slice %arg3[%run_scoped3A_3, %mul3A_2, %dma_start3A_126] : memref<2x1280x128xi32, #tpu.memory_space<hbm>> -> memref<1x80x128xi32, #tpu.memory_space<hbm>>
      %dma_start3A_128 = tpu.memref_squeeze %dma_start3A_127 : memref<1x80x128xi32, #tpu.memory_space<hbm>> -> memref<80x128xi32, #tpu.memory_space<hbm>>
      %dma_start3A_129 = arith.constant 0 : i32
      %dma_start3A_130 = tpu.memref_slice %arg3[%run_scoped3A_3, %mul3A_2, %dma_start3A_129] : memref<2x1280x128xi32, #tpu.memory_space<hbm>> -> memref<1x80x128xi32, #tpu.memory_space<hbm>>
      %dma_start3A_131 = tpu.memref_squeeze %dma_start3A_130 : memref<1x80x128xi32, #tpu.memory_space<hbm>> -> memref<80x128xi32, #tpu.memory_space<hbm>>
      tpu.enqueue_dma source(%dma_start3A_131 : memref<80x128xi32, #tpu.memory_space<hbm>>) target(%arg7 : memref<80x128xi32, #tpu.memory_space<vmem>>) target_semaphore(%run_scoped3A_125 : memref<!tpu.dma_semaphore, #tpu.memory_space<semaphore_mem>>)
      %dma_wait3A_132 = arith.constant 0 : i32
      %dma_wait3A_133 = tpu.memref_slice %arg3[%run_scoped3A_3, %mul3A_2, %dma_wait3A_132] : memref<2x1280x128xi32, #tpu.memory_space<hbm>> -> memref<1x80x128xi32, #tpu.memory_space<hbm>>
      %dma_wait3A_134 = tpu.memref_squeeze %dma_wait3A_133 : memref<1x80x128xi32, #tpu.memory_space<hbm>> -> memref<80x128xi32, #tpu.memory_space<hbm>>
      %dma_wait3A_135 = arith.constant 0 : i32
      %dma_wait3A_136 = tpu.memref_slice %arg3[%run_scoped3A_3, %mul3A_2, %dma_wait3A_135] : memref<2x1280x128xi32, #tpu.memory_space<hbm>> -> memref<1x80x128xi32, #tpu.memory_space<hbm>>
      %dma_wait3A_137 = tpu.memref_squeeze %dma_wait3A_136 : memref<1x80x128xi32, #tpu.memory_space<hbm>> -> memref<80x128xi32, #tpu.memory_space<hbm>>
      tpu.wait_dma2 semaphore(%run_scoped3A_125 : memref<!tpu.dma_semaphore, #tpu.memory_space<semaphore_mem>>) src(%dma_wait3A_137 : memref<80x128xi32, #tpu.memory_space<hbm>>) dst(%arg7 : memref<80x128xi32, #tpu.memory_space<vmem>>)
      tpu.yield
    }) : () -> ()
    %scan3A = arith.constant 0 : i32
    %scan3A_4 = arith.constant 0 : i32
    %scan3A_5 = arith.constant 80 : i32
    %scan3A_6 = arith.addi %scan3A_4, %scan3A_5 : i32
    %scan3A_7 = arith.constant 1 : i32
    scf.for %scan3A_125 = %scan3A_4 to %scan3A_6 step %scan3A_7  : i32 {
      %get3A = arith.index_cast %scan3A_125 : i32 to index
      %get3A_126 = arith.constant 0 : index
      %get3A_127 = tpu.vector_load %arg6[%get3A, %get3A_126] {strides = array<i32>} : memref<80x128xi32, #tpu.memory_space<vmem>>, vector<1x16xi32>,
      %get3A_128 = vector.shape_cast %get3A_127 : vector<1x16xi32> to vector<16xi32>
      %add3A_129 = arith.addi %get3A_128, %get3A_128 : vector<16xi32>
      %add3A_130 = vector.broadcast %arg0 : i32 to vector<16xi32>
      %add3A_131 = arith.addi %add3A_129, %add3A_130 : vector<16xi32>
      %swap3A = arith.index_cast %scan3A_125 : i32 to index
      %swap3A_132 = arith.constant 0 : index
      %swap3A_133 = tpu.vector_load %arg6[%swap3A, %swap3A_132] {strides = array<i32>} : memref<80x128xi32, #tpu.memory_space<vmem>>, vector<1x16xi32>,
      %swap3A_134 = vector.shape_cast %swap3A_133 : vector<1x16xi32> to vector<16xi32>
      %swap3A_135 = vector.shape_cast %add3A_131 : vector<16xi32> to vector<1x16xi32>
      tpu.vector_store %arg6[%swap3A, %swap3A_132], %swap3A_135 {strides = array<i32>} : memref<80x128xi32, #tpu.memory_space<vmem>>, vector<1x16xi32>,
      %get3A_136 = arith.index_cast %scan3A_125 : i32 to index
      %get3A_137 = arith.constant 16 : index
      %get3A_138 = tpu.vector_load %arg6[%get3A_136, %get3A_137] {strides = array<i32>} : memref<80x128xi32, #tpu.memory_space<vmem>>, vector<1x16xi32>,
      %get3A_139 = vector.shape_cast %get3A_138 : vector<1x16xi32> to vector<16xi32>
      %add3A_140 = arith.addi %get3A_139, %get3A_139 : vector<16xi32>
      %add3A_141 = vector.broadcast %arg0 : i32 to vector<16xi32>
      %add3A_142 = arith.addi %add3A_140, %add3A_141 : vector<16xi32>
      %swap3A_143 = arith.index_cast %scan3A_125 : i32 to index
      %swap3A_144 = arith.constant 16 : index
      %swap3A_145 = tpu.vector_load %arg6[%swap3A_143, %swap3A_144] {strides = array<i32>} : memref<80x128xi32, #tpu.memory_space<vmem>>, vector<1x16xi32>,
      %swap3A_146 = vector.shape_cast %swap3A_145 : vector<1x16xi32> to vector<16xi32>
      %swap3A_147 = vector.shape_cast %add3A_142 : vector<16xi32> to vector<1x16xi32>
      tpu.vector_store %arg6[%swap3A_143, %swap3A_144], %swap3A_147 {strides = array<i32>} : memref<80x128xi32, #tpu.memory_space<vmem>>, vector<1x16xi32>,
      %get3A_148 = arith.index_cast %scan3A_125 : i32 to index
      %get3A_149 = arith.constant 32 : index
      %get3A_150 = tpu.vector_load %arg6[%get3A_148, %get3A_149] {strides = array<i32>} : memref<80x128xi32, #tpu.memory_space<vmem>>, vector<1x16xi32>,
      %get3A_151 = vector.shape_cast %get3A_150 : vector<1x16xi32> to vector<16xi32>
      %add3A_152 = arith.addi %get3A_151, %get3A_151 : vector<16xi32>
      %add3A_153 = vector.broadcast %arg0 : i32 to vector<16xi32>
      %add3A_154 = arith.addi %add3A_152, %add3A_153 : vector<16xi32>
      %swap3A_155 = arith.index_cast %scan3A_125 : i32 to index
      %swap3A_156 = arith.constant 32 : index
      %swap3A_157 = tpu.vector_load %arg6[%swap3A_155, %swap3A_156] {strides = array<i32>} : memref<80x128xi32, #tpu.memory_space<vmem>>, vector<1x16xi32>,
      %swap3A_158 = vector.shape_cast %swap3A_157 : vector<1x16xi32> to vector<16xi32>
      %swap3A_159 = vector.shape_cast %add3A_154 : vector<16xi32> to vector<1x16xi32>
      tpu.vector_store %arg6[%swap3A_155, %swap3A_156], %swap3A_159 {strides = array<i32>} : memref<80x128xi32, #tpu.memory_space<vmem>>, vector<1x16xi32>,
      %get3A_160 = arith.index_cast %scan3A_125 : i32 to index
      %get3A_161 = arith.constant 48 : index
      %get3A_162 = tpu.vector_load %arg6[%get3A_160, %get3A_161] {strides = array<i32>} : memref<80x128xi32, #tpu.memory_space<vmem>>, vector<1x16xi32>,
      %get3A_163 = vector.shape_cast %get3A_162 : vector<1x16xi32> to vector<16xi32>
      %add3A_164 = arith.addi %get3A_163, %get3A_163 : vector<16xi32>
      %add3A_165 = vector.broadcast %arg0 : i32 to vector<16xi32>
      %add3A_166 = arith.addi %add3A_164, %add3A_165 : vector<16xi32>
      %swap3A_167 = arith.index_cast %scan3A_125 : i32 to index
      %swap3A_168 = arith.constant 48 : index
      %swap3A_169 = tpu.vector_load %arg6[%swap3A_167, %swap3A_168] {strides = array<i32>} : memref<80x128xi32, #tpu.memory_space<vmem>>, vector<1x16xi32>,
      %swap3A_170 = vector.shape_cast %swap3A_169 : vector<1x16xi32> to vector<16xi32>
      %swap3A_171 = vector.shape_cast %add3A_166 : vector<16xi32> to vector<1x16xi32>
      tpu.vector_store %arg6[%swap3A_167, %swap3A_168], %swap3A_171 {strides = array<i32>} : memref<80x128xi32, #tpu.memory_space<vmem>>, vector<1x16xi32>,
      %get3A_172 = arith.index_cast %scan3A_125 : i32 to index
      %get3A_173 = arith.constant 64 : index
      %get3A_174 = tpu.vector_load %arg6[%get3A_172, %get3A_173] {strides = array<i32>} : memref<80x128xi32, #tpu.memory_space<vmem>>, vector<1x16xi32>,
      %get3A_175 = vector.shape_cast %get3A_174 : vector<1x16xi32> to vector<16xi32>
      %add3A_176 = arith.addi %get3A_175, %get3A_175 : vector<16xi32>
      %add3A_177 = vector.broadcast %arg0 : i32 to vector<16xi32>
      %add3A_178 = arith.addi %add3A_176, %add3A_177 : vector<16xi32>
      %swap3A_179 = arith.index_cast %scan3A_125 : i32 to index
      %swap3A_180 = arith.constant 64 : index
      %swap3A_181 = tpu.vector_load %arg6[%swap3A_179, %swap3A_180] {strides = array<i32>} : memref<80x128xi32, #tpu.memory_space<vmem>>, vector<1x16xi32>,
      %swap3A_182 = vector.shape_cast %swap3A_181 : vector<1x16xi32> to vector<16xi32>
      %swap3A_183 = vector.shape_cast %add3A_178 : vector<16xi32> to vector<1x16xi32>
      tpu.vector_store %arg6[%swap3A_179, %swap3A_180], %swap3A_183 {strides = array<i32>} : memref<80x128xi32, #tpu.memory_space<vmem>>, vector<1x16xi32>,
      %get3A_184 = arith.index_cast %scan3A_125 : i32 to index
      %get3A_185 = arith.constant 80 : index
      %get3A_186 = tpu.vector_load %arg6[%get3A_184, %get3A_185] {strides = array<i32>} : memref<80x128xi32, #tpu.memory_space<vmem>>, vector<1x16xi32>,
      %get3A_187 = vector.shape_cast %get3A_186 : vector<1x16xi32> to vector<16xi32>
      %add3A_188 = arith.addi %get3A_187, %get3A_187 : vector<16xi32>
      %add3A_189 = vector.broadcast %arg0 : i32 to vector<16xi32>
      %add3A_190 = arith.addi %add3A_188, %add3A_189 : vector<16xi32>
      %swap3A_191 = arith.index_cast %scan3A_125 : i32 to index
      %swap3A_192 = arith.constant 80 : index
      %swap3A_193 = tpu.vector_load %arg6[%swap3A_191, %swap3A_192] {strides = array<i32>} : memref<80x128xi32, #tpu.memory_space<vmem>>, vector<1x16xi32>,
      %swap3A_194 = vector.shape_cast %swap3A_193 : vector<1x16xi32> to vector<16xi32>
      %swap3A_195 = vector.shape_cast %add3A_190 : vector<16xi32> to vector<1x16xi32>
      tpu.vector_store %arg6[%swap3A_191, %swap3A_192], %swap3A_195 {strides = array<i32>} : memref<80x128xi32, #tpu.memory_space<vmem>>, vector<1x16xi32>,
      %get3A_196 = arith.index_cast %scan3A_125 : i32 to index
      %get3A_197 = arith.constant 96 : index
      %get3A_198 = tpu.vector_load %arg6[%get3A_196, %get3A_197] {strides = array<i32>} : memref<80x128xi32, #tpu.memory_space<vmem>>, vector<1x16xi32>,
      %get3A_199 = vector.shape_cast %get3A_198 : vector<1x16xi32> to vector<16xi32>
      %add3A_200 = arith.addi %get3A_199, %get3A_199 : vector<16xi32>
      %add3A_201 = vector.broadcast %arg0 : i32 to vector<16xi32>
      %add3A_202 = arith.addi %add3A_200, %add3A_201 : vector<16xi32>
      %swap3A_203 = arith.index_cast %scan3A_125 : i32 to index
      %swap3A_204 = arith.constant 96 : index
      %swap3A_205 = tpu.vector_load %arg6[%swap3A_203, %swap3A_204] {strides = array<i32>} : memref<80x128xi32, #tpu.memory_space<vmem>>, vector<1x16xi32>,
      %swap3A_206 = vector.shape_cast %swap3A_205 : vector<1x16xi32> to vector<16xi32>
      %swap3A_207 = vector.shape_cast %add3A_202 : vector<16xi32> to vector<1x16xi32>
      tpu.vector_store %arg6[%swap3A_203, %swap3A_204], %swap3A_207 {strides = array<i32>} : memref<80x128xi32, #tpu.memory_space<vmem>>, vector<1x16xi32>,
      %get3A_208 = arith.index_cast %scan3A_125 : i32 to index
      %get3A_209 = arith.constant 112 : index
      %get3A_210 = tpu.vector_load %arg6[%get3A_208, %get3A_209] {strides = array<i32>} : memref<80x128xi32, #tpu.memory_space<vmem>>, vector<1x16xi32>,
      %get3A_211 = vector.shape_cast %get3A_210 : vector<1x16xi32> to vector<16xi32>
      %add3A_212 = arith.addi %get3A_211, %get3A_211 : vector<16xi32>
      %add3A_213 = vector.broadcast %arg0 : i32 to vector<16xi32>
      %add3A_214 = arith.addi %add3A_212, %add3A_213 : vector<16xi32>
      %swap3A_215 = arith.index_cast %scan3A_125 : i32 to index
      %swap3A_216 = arith.constant 112 : index
      %swap3A_217 = tpu.vector_load %arg6[%swap3A_215, %swap3A_216] {strides = array<i32>} : memref<80x128xi32, #tpu.memory_space<vmem>>, vector<1x16xi32>,
      %swap3A_218 = vector.shape_cast %swap3A_217 : vector<1x16xi32> to vector<16xi32>
      %swap3A_219 = vector.shape_cast %add3A_214 : vector<16xi32> to vector<1x16xi32>
      tpu.vector_store %arg6[%swap3A_215, %swap3A_216], %swap3A_219 {strides = array<i32>} : memref<80x128xi32, #tpu.memory_space<vmem>>, vector<1x16xi32>,
    }
    %scan3A_8 = arith.constant 80 : i32
    %scan3A_9 = arith.constant 0 : i32
    %scan3A_10 = arith.constant 0 : i32
    %scan3A_11 = arith.constant 128 : i32
    %scan3A_12 = arith.addi %scan3A_10, %scan3A_11 : i32
    %scan3A_13 = arith.constant 1 : i32
    scf.for %scan3A_125 = %scan3A_10 to %scan3A_12 step %scan3A_13  : i32 {
      %broadcast_in_dim3A = arith.constant 0.000000e+00 : f32
      %broadcast_in_dim3A_126 = vector.broadcast %broadcast_in_dim3A : f32 to vector<16xf32>
      %swap3A = arith.index_cast %scan3A_125 : i32 to index
      %swap3A_127 = arith.constant 0 : index
      %swap3A_128 = tpu.vector_load %arg8[%swap3A, %swap3A_127] {strides = array<i32>} : memref<128x64xf32, #tpu.memory_space<vmem>>, vector<1x16xf32>,
      %swap3A_129 = vector.shape_cast %swap3A_128 : vector<1x16xf32> to vector<16xf32>
      %swap3A_130 = vector.shape_cast %broadcast_in_dim3A_126 : vector<16xf32> to vector<1x16xf32>
      tpu.vector_store %arg8[%swap3A, %swap3A_127], %swap3A_130 {strides = array<i32>} : memref<128x64xf32, #tpu.memory_space<vmem>>, vector<1x16xf32>,
      %broadcast_in_dim3A_131 = arith.constant 0.000000e+00 : f32
      %broadcast_in_dim3A_132 = vector.broadcast %broadcast_in_dim3A_131 : f32 to vector<16xf32>
      %swap3A_133 = arith.index_cast %scan3A_125 : i32 to index
      %swap3A_134 = arith.constant 16 : index
      %swap3A_135 = tpu.vector_load %arg8[%swap3A_133, %swap3A_134] {strides = array<i32>} : memref<128x64xf32, #tpu.memory_space<vmem>>, vector<1x16xf32>,
      %swap3A_136 = vector.shape_cast %swap3A_135 : vector<1x16xf32> to vector<16xf32>
      %swap3A_137 = vector.shape_cast %broadcast_in_dim3A_132 : vector<16xf32> to vector<1x16xf32>
      tpu.vector_store %arg8[%swap3A_133, %swap3A_134], %swap3A_137 {strides = array<i32>} : memref<128x64xf32, #tpu.memory_space<vmem>>, vector<1x16xf32>,
      %broadcast_in_dim3A_138 = arith.constant 0.000000e+00 : f32
      %broadcast_in_dim3A_139 = vector.broadcast %broadcast_in_dim3A_138 : f32 to vector<16xf32>
      %swap3A_140 = arith.index_cast %scan3A_125 : i32 to index
      %swap3A_141 = arith.constant 32 : index
      %swap3A_142 = tpu.vector_load %arg8[%swap3A_140, %swap3A_141] {strides = array<i32>} : memref<128x64xf32, #tpu.memory_space<vmem>>, vector<1x16xf32>,
      %swap3A_143 = vector.shape_cast %swap3A_142 : vector<1x16xf32> to vector<16xf32>
      %swap3A_144 = vector.shape_cast %broadcast_in_dim3A_139 : vector<16xf32> to vector<1x16xf32>
      tpu.vector_store %arg8[%swap3A_140, %swap3A_141], %swap3A_144 {strides = array<i32>} : memref<128x64xf32, #tpu.memory_space<vmem>>, vector<1x16xf32>,
      %broadcast_in_dim3A_145 = arith.constant 0.000000e+00 : f32
      %broadcast_in_dim3A_146 = vector.broadcast %broadcast_in_dim3A_145 : f32 to vector<16xf32>
      %swap3A_147 = arith.index_cast %scan3A_125 : i32 to index
      %swap3A_148 = arith.constant 48 : index
      %swap3A_149 = tpu.vector_load %arg8[%swap3A_147, %swap3A_148] {strides = array<i32>} : memref<128x64xf32, #tpu.memory_space<vmem>>, vector<1x16xf32>,
      %swap3A_150 = vector.shape_cast %swap3A_149 : vector<1x16xf32> to vector<16xf32>
      %swap3A_151 = vector.shape_cast %broadcast_in_dim3A_146 : vector<16xf32> to vector<1x16xf32>
      tpu.vector_store %arg8[%swap3A_147, %swap3A_148], %swap3A_151 {strides = array<i32>} : memref<128x64xf32, #tpu.memory_space<vmem>>, vector<1x16xf32>,
    }
    %scan3A_14 = arith.constant 128 : i32
    %add3A = arith.constant 0 : i32
    %add3A_15 = arith.addi %mul3A_0, %add3A : i32
    "tpu.region"() ({
      %run_scoped3A_125 = tpu.sem_alloc : memref<!tpu.dma_semaphore, #tpu.memory_space<semaphore_mem>>
      %dma_start3A_126 = arith.constant 0 : i32
      %dma_start3A_127 = tpu.memref_slice %arg13[%add3A_15, %dma_start3A_126] : memref<10240x64xf32, #tpu.memory_space<vmem_shared>> -> memref<128x64xf32, #tpu.memory_space<vmem_shared>>
      %dma_start3A_128 = arith.constant 0 : i32
      %dma_start3A_129 = tpu.memref_slice %arg13[%add3A_15, %dma_start3A_128] : memref<10240x64xf32, #tpu.memory_space<vmem_shared>> -> memref<128x64xf32, #tpu.memory_space<vmem_shared>>
      tpu.enqueue_dma source(%arg8 : memref<128x64xf32, #tpu.memory_space<vmem>>) target(%dma_start3A_129 : memref<128x64xf32, #tpu.memory_space<vmem_shared>>) target_semaphore(%run_scoped3A_125 : memref<!tpu.dma_semaphore, #tpu.memory_space<semaphore_mem>>)
      %dma_wait3A_130 = arith.constant 0 : i32
      %dma_wait3A_131 = tpu.memref_slice %arg13[%add3A_15, %dma_wait3A_130] : memref<10240x64xf32, #tpu.memory_space<vmem_shared>> -> memref<128x64xf32, #tpu.memory_space<vmem_shared>>
      %dma_wait3A_132 = arith.constant 0 : i32
      %dma_wait3A_133 = tpu.memref_slice %arg13[%add3A_15, %dma_wait3A_132] : memref<10240x64xf32, #tpu.memory_space<vmem_shared>> -> memref<128x64xf32, #tpu.memory_space<vmem_shared>>
      tpu.wait_dma2 semaphore(%run_scoped3A_125 : memref<!tpu.dma_semaphore, #tpu.memory_space<semaphore_mem>>) src(%arg8 : memref<128x64xf32, #tpu.memory_space<vmem>>) dst(%dma_wait3A_133 : memref<128x64xf32, #tpu.memory_space<vmem_shared>>)
      tpu.yield
    }) : () -> ()
    %add3A_16 = arith.constant 128 : i32
    %add3A_17 = arith.addi %mul3A_0, %add3A_16 : i32
    "tpu.region"() ({
      %run_scoped3A_125 = tpu.sem_alloc : memref<!tpu.dma_semaphore, #tpu.memory_space<semaphore_mem>>
      %dma_start3A_126 = arith.constant 0 : i32
      %dma_start3A_127 = tpu.memref_slice %arg13[%add3A_17, %dma_start3A_126] : memref<10240x64xf32, #tpu.memory_space<vmem_shared>> -> memref<128x64xf32, #tpu.memory_space<vmem_shared>>
      %dma_start3A_128 = arith.constant 0 : i32
      %dma_start3A_129 = tpu.memref_slice %arg13[%add3A_17, %dma_start3A_128] : memref<10240x64xf32, #tpu.memory_space<vmem_shared>> -> memref<128x64xf32, #tpu.memory_space<vmem_shared>>
      tpu.enqueue_dma source(%arg8 : memref<128x64xf32, #tpu.memory_space<vmem>>) target(%dma_start3A_129 : memref<128x64xf32, #tpu.memory_space<vmem_shared>>) target_semaphore(%run_scoped3A_125 : memref<!tpu.dma_semaphore, #tpu.memory_space<semaphore_mem>>)
      %dma_wait3A_130 = arith.constant 0 : i32
      %dma_wait3A_131 = tpu.memref_slice %arg13[%add3A_17, %dma_wait3A_130] : memref<10240x64xf32, #tpu.memory_space<vmem_shared>> -> memref<128x64xf32, #tpu.memory_space<vmem_shared>>
      %dma_wait3A_132 = arith.constant 0 : i32
      %dma_wait3A_133 = tpu.memref_slice %arg13[%add3A_17, %dma_wait3A_132] : memref<10240x64xf32, #tpu.memory_space<vmem_shared>> -> memref<128x64xf32, #tpu.memory_space<vmem_shared>>
      tpu.wait_dma2 semaphore(%run_scoped3A_125 : memref<!tpu.dma_semaphore, #tpu.memory_space<semaphore_mem>>) src(%arg8 : memref<128x64xf32, #tpu.memory_space<vmem>>) dst(%dma_wait3A_133 : memref<128x64xf32, #tpu.memory_space<vmem_shared>>)
      tpu.yield
    }) : () -> ()
    %add3A_18 = arith.constant 256 : i32
    %add3A_19 = arith.addi %mul3A_0, %add3A_18 : i32
    "tpu.region"() ({
      %run_scoped3A_125 = tpu.sem_alloc : memref<!tpu.dma_semaphore, #tpu.memory_space<semaphore_mem>>
      %dma_start3A_126 = arith.constant 0 : i32
      %dma_start3A_127 = tpu.memref_slice %arg13[%add3A_19, %dma_start3A_126] : memref<10240x64xf32, #tpu.memory_space<vmem_shared>> -> memref<128x64xf32, #tpu.memory_space<vmem_shared>>
      %dma_start3A_128 = arith.constant 0 : i32
      %dma_start3A_129 = tpu.memref_slice %arg13[%add3A_19, %dma_start3A_128] : memref<10240x64xf32, #tpu.memory_space<vmem_shared>> -> memref<128x64xf32, #tpu.memory_space<vmem_shared>>
      tpu.enqueue_dma source(%arg8 : memref<128x64xf32, #tpu.memory_space<vmem>>) target(%dma_start3A_129 : memref<128x64xf32, #tpu.memory_space<vmem_shared>>) target_semaphore(%run_scoped3A_125 : memref<!tpu.dma_semaphore, #tpu.memory_space<semaphore_mem>>)
      %dma_wait3A_130 = arith.constant 0 : i32
      %dma_wait3A_131 = tpu.memref_slice %arg13[%add3A_19, %dma_wait3A_130] : memref<10240x64xf32, #tpu.memory_space<vmem_shared>> -> memref<128x64xf32, #tpu.memory_space<vmem_shared>>
      %dma_wait3A_132 = arith.constant 0 : i32
      %dma_wait3A_133 = tpu.memref_slice %arg13[%add3A_19, %dma_wait3A_132] : memref<10240x64xf32, #tpu.memory_space<vmem_shared>> -> memref<128x64xf32, #tpu.memory_space<vmem_shared>>
      tpu.wait_dma2 semaphore(%run_scoped3A_125 : memref<!tpu.dma_semaphore, #tpu.memory_space<semaphore_mem>>) src(%arg8 : memref<128x64xf32, #tpu.memory_space<vmem>>) dst(%dma_wait3A_133 : memref<128x64xf32, #tpu.memory_space<vmem_shared>>)
      tpu.yield
    }) : () -> ()
    %add3A_20 = arith.constant 384 : i32
    %add3A_21 = arith.addi %mul3A_0, %add3A_20 : i32
    "tpu.region"() ({
      %run_scoped3A_125 = tpu.sem_alloc : memref<!tpu.dma_semaphore, #tpu.memory_space<semaphore_mem>>
      %dma_start3A_126 = arith.constant 0 : i32
      %dma_start3A_127 = tpu.memref_slice %arg13[%add3A_21, %dma_start3A_126] : memref<10240x64xf32, #tpu.memory_space<vmem_shared>> -> memref<128x64xf32, #tpu.memory_space<vmem_shared>>
      %dma_start3A_128 = arith.constant 0 : i32
      %dma_start3A_129 = tpu.memref_slice %arg13[%add3A_21, %dma_start3A_128] : memref<10240x64xf32, #tpu.memory_space<vmem_shared>> -> memref<128x64xf32, #tpu.memory_space<vmem_shared>>
      tpu.enqueue_dma source(%arg8 : memref<128x64xf32, #tpu.memory_space<vmem>>) target(%dma_start3A_129 : memref<128x64xf32, #tpu.memory_space<vmem_shared>>) target_semaphore(%run_scoped3A_125 : memref<!tpu.dma_semaphore, #tpu.memory_space<semaphore_mem>>)
      %dma_wait3A_130 = arith.constant 0 : i32
      %dma_wait3A_131 = tpu.memref_slice %arg13[%add3A_21, %dma_wait3A_130] : memref<10240x64xf32, #tpu.memory_space<vmem_shared>> -> memref<128x64xf32, #tpu.memory_space<vmem_shared>>
      %dma_wait3A_132 = arith.constant 0 : i32
      %dma_wait3A_133 = tpu.memref_slice %arg13[%add3A_21, %dma_wait3A_132] : memref<10240x64xf32, #tpu.memory_space<vmem_shared>> -> memref<128x64xf32, #tpu.memory_space<vmem_shared>>
      tpu.wait_dma2 semaphore(%run_scoped3A_125 : memref<!tpu.dma_semaphore, #tpu.memory_space<semaphore_mem>>) src(%arg8 : memref<128x64xf32, #tpu.memory_space<vmem>>) dst(%dma_wait3A_133 : memref<128x64xf32, #tpu.memory_space<vmem_shared>>)
      tpu.yield
    }) : () -> ()
    %add3A_22 = arith.constant 512 : i32
    %add3A_23 = arith.addi %mul3A_0, %add3A_22 : i32
    "tpu.region"() ({
      %run_scoped3A_125 = tpu.sem_alloc : memref<!tpu.dma_semaphore, #tpu.memory_space<semaphore_mem>>
      %dma_start3A_126 = arith.constant 0 : i32
      %dma_start3A_127 = tpu.memref_slice %arg13[%add3A_23, %dma_start3A_126] : memref<10240x64xf32, #tpu.memory_space<vmem_shared>> -> memref<128x64xf32, #tpu.memory_space<vmem_shared>>
      %dma_start3A_128 = arith.constant 0 : i32
      %dma_start3A_129 = tpu.memref_slice %arg13[%add3A_23, %dma_start3A_128] : memref<10240x64xf32, #tpu.memory_space<vmem_shared>> -> memref<128x64xf32, #tpu.memory_space<vmem_shared>>
      tpu.enqueue_dma source(%arg8 : memref<128x64xf32, #tpu.memory_space<vmem>>) target(%dma_start3A_129 : memref<128x64xf32, #tpu.memory_space<vmem_shared>>) target_semaphore(%run_scoped3A_125 : memref<!tpu.dma_semaphore, #tpu.memory_space<semaphore_mem>>)
      %dma_wait3A_130 = arith.constant 0 : i32
      %dma_wait3A_131 = tpu.memref_slice %arg13[%add3A_23, %dma_wait3A_130] : memref<10240x64xf32, #tpu.memory_space<vmem_shared>> -> memref<128x64xf32, #tpu.memory_space<vmem_shared>>
      %dma_wait3A_132 = arith.constant 0 : i32
      %dma_wait3A_133 = tpu.memref_slice %arg13[%add3A_23, %dma_wait3A_132] : memref<10240x64xf32, #tpu.memory_space<vmem_shared>> -> memref<128x64xf32, #tpu.memory_space<vmem_shared>>
      tpu.wait_dma2 semaphore(%run_scoped3A_125 : memref<!tpu.dma_semaphore, #tpu.memory_space<semaphore_mem>>) src(%arg8 : memref<128x64xf32, #tpu.memory_space<vmem>>) dst(%dma_wait3A_133 : memref<128x64xf32, #tpu.memory_space<vmem_shared>>)
      tpu.yield
    }) : () -> ()
    %scan3A_24 = arith.constant 0 : i32
    %scan3A_25 = arith.constant 0 : i32
    %scan3A_26 = arith.constant 128 : i32
    %scan3A_27 = arith.addi %scan3A_25, %scan3A_26 : i32
    %scan3A_28 = arith.constant 1 : i32
    scf.for %scan3A_125 = %scan3A_25 to %scan3A_27 step %scan3A_28  : i32 {
      %broadcast_in_dim3A = arith.constant 0.000000e+00 : f32
      %broadcast_in_dim3A_126 = vector.broadcast %broadcast_in_dim3A : f32 to vector<8xf32>
      %swap3A = arith.index_cast %scan3A_125 : i32 to index
      %swap3A_127 = arith.constant 0 : index
      %swap3A_128 = tpu.vector_load %arg24[%swap3A, %swap3A_127] {strides = array<i32>} : memref<128x8xf32, #tpu.memory_space<vmem>>, vector<1x8xf32>,
      %swap3A_129 = vector.shape_cast %swap3A_128 : vector<1x8xf32> to vector<8xf32>
      %swap3A_130 = vector.shape_cast %broadcast_in_dim3A_126 : vector<8xf32> to vector<1x8xf32>
      tpu.vector_store %arg24[%swap3A, %swap3A_127], %swap3A_130 {strides = array<i32>} : memref<128x8xf32, #tpu.memory_space<vmem>>, vector<1x8xf32>,
    }
    %scan3A_29 = arith.constant 128 : i32
    %add3A_30 = arith.constant 0 : i32
    %add3A_31 = arith.addi %mul3A_0, %add3A_30 : i32
    "tpu.region"() ({
      %run_scoped3A_125 = tpu.sem_alloc : memref<!tpu.dma_semaphore, #tpu.memory_space<semaphore_mem>>
      %dma_start3A_126 = arith.constant 0 : i32
      %dma_start3A_127 = tpu.memref_slice %arg25[%add3A_31, %dma_start3A_126] : memref<10240x8xf32, #tpu.memory_space<vmem_shared>> -> memref<128x8xf32, #tpu.memory_space<vmem_shared>>
      %dma_start3A_128 = arith.constant 0 : i32
      %dma_start3A_129 = tpu.memref_slice %arg25[%add3A_31, %dma_start3A_128] : memref<10240x8xf32, #tpu.memory_space<vmem_shared>> -> memref<128x8xf32, #tpu.memory_space<vmem_shared>>
      tpu.enqueue_dma source(%arg24 : memref<128x8xf32, #tpu.memory_space<vmem>>) target(%dma_start3A_129 : memref<128x8xf32, #tpu.memory_space<vmem_shared>>) target_semaphore(%run_scoped3A_125 : memref<!tpu.dma_semaphore, #tpu.memory_space<semaphore_mem>>)
      %dma_wait3A_130 = arith.constant 0 : i32
      %dma_wait3A_131 = tpu.memref_slice %arg25[%add3A_31, %dma_wait3A_130] : memref<10240x8xf32, #tpu.memory_space<vmem_shared>> -> memref<128x8xf32, #tpu.memory_space<vmem_shared>>
      %dma_wait3A_132 = arith.constant 0 : i32
      %dma_wait3A_133 = tpu.memref_slice %arg25[%add3A_31, %dma_wait3A_132] : memref<10240x8xf32, #tpu.memory_space<vmem_shared>> -> memref<128x8xf32, #tpu.memory_space<vmem_shared>>
      tpu.wait_dma2 semaphore(%run_scoped3A_125 : memref<!tpu.dma_semaphore, #tpu.memory_space<semaphore_mem>>) src(%arg24 : memref<128x8xf32, #tpu.memory_space<vmem>>) dst(%dma_wait3A_133 : memref<128x8xf32, #tpu.memory_space<vmem_shared>>)
      tpu.yield
    }) : () -> ()
    %add3A_32 = arith.constant 128 : i32
    %add3A_33 = arith.addi %mul3A_0, %add3A_32 : i32
    "tpu.region"() ({
      %run_scoped3A_125 = tpu.sem_alloc : memref<!tpu.dma_semaphore, #tpu.memory_space<semaphore_mem>>
      %dma_start3A_126 = arith.constant 0 : i32
      %dma_start3A_127 = tpu.memref_slice %arg25[%add3A_33, %dma_start3A_126] : memref<10240x8xf32, #tpu.memory_space<vmem_shared>> -> memref<128x8xf32, #tpu.memory_space<vmem_shared>>
      %dma_start3A_128 = arith.constant 0 : i32
      %dma_start3A_129 = tpu.memref_slice %arg25[%add3A_33, %dma_start3A_128] : memref<10240x8xf32, #tpu.memory_space<vmem_shared>> -> memref<128x8xf32, #tpu.memory_space<vmem_shared>>
      tpu.enqueue_dma source(%arg24 : memref<128x8xf32, #tpu.memory_space<vmem>>) target(%dma_start3A_129 : memref<128x8xf32, #tpu.memory_space<vmem_shared>>) target_semaphore(%run_scoped3A_125 : memref<!tpu.dma_semaphore, #tpu.memory_space<semaphore_mem>>)
      %dma_wait3A_130 = arith.constant 0 : i32
      %dma_wait3A_131 = tpu.memref_slice %arg25[%add3A_33, %dma_wait3A_130] : memref<10240x8xf32, #tpu.memory_space<vmem_shared>> -> memref<128x8xf32, #tpu.memory_space<vmem_shared>>
      %dma_wait3A_132 = arith.constant 0 : i32
      %dma_wait3A_133 = tpu.memref_slice %arg25[%add3A_33, %dma_wait3A_132] : memref<10240x8xf32, #tpu.memory_space<vmem_shared>> -> memref<128x8xf32, #tpu.memory_space<vmem_shared>>
      tpu.wait_dma2 semaphore(%run_scoped3A_125 : memref<!tpu.dma_semaphore, #tpu.memory_space<semaphore_mem>>) src(%arg24 : memref<128x8xf32, #tpu.memory_space<vmem>>) dst(%dma_wait3A_133 : memref<128x8xf32, #tpu.memory_space<vmem_shared>>)
      tpu.yield
    }) : () -> ()
    %add3A_34 = arith.constant 256 : i32
    %add3A_35 = arith.addi %mul3A_0, %add3A_34 : i32
    "tpu.region"() ({
      %run_scoped3A_125 = tpu.sem_alloc : memref<!tpu.dma_semaphore, #tpu.memory_space<semaphore_mem>>
      %dma_start3A_126 = arith.constant 0 : i32
      %dma_start3A_127 = tpu.memref_slice %arg25[%add3A_35, %dma_start3A_126] : memref<10240x8xf32, #tpu.memory_space<vmem_shared>> -> memref<128x8xf32, #tpu.memory_space<vmem_shared>>
      %dma_start3A_128 = arith.constant 0 : i32
      %dma_start3A_129 = tpu.memref_slice %arg25[%add3A_35, %dma_start3A_128] : memref<10240x8xf32, #tpu.memory_space<vmem_shared>> -> memref<128x8xf32, #tpu.memory_space<vmem_shared>>
      tpu.enqueue_dma source(%arg24 : memref<128x8xf32, #tpu.memory_space<vmem>>) target(%dma_start3A_129 : memref<128x8xf32, #tpu.memory_space<vmem_shared>>) target_semaphore(%run_scoped3A_125 : memref<!tpu.dma_semaphore, #tpu.memory_space<semaphore_mem>>)
      %dma_wait3A_130 = arith.constant 0 : i32
      %dma_wait3A_131 = tpu.memref_slice %arg25[%add3A_35, %dma_wait3A_130] : memref<10240x8xf32, #tpu.memory_space<vmem_shared>> -> memref<128x8xf32, #tpu.memory_space<vmem_shared>>
      %dma_wait3A_132 = arith.constant 0 : i32
      %dma_wait3A_133 = tpu.memref_slice %arg25[%add3A_35, %dma_wait3A_132] : memref<10240x8xf32, #tpu.memory_space<vmem_shared>> -> memref<128x8xf32, #tpu.memory_space<vmem_shared>>
      tpu.wait_dma2 semaphore(%run_scoped3A_125 : memref<!tpu.dma_semaphore, #tpu.memory_space<semaphore_mem>>) src(%arg24 : memref<128x8xf32, #tpu.memory_space<vmem>>) dst(%dma_wait3A_133 : memref<128x8xf32, #tpu.memory_space<vmem_shared>>)
      tpu.yield
    }) : () -> ()
    %add3A_36 = arith.constant 384 : i32
    %add3A_37 = arith.addi %mul3A_0, %add3A_36 : i32
    "tpu.region"() ({
      %run_scoped3A_125 = tpu.sem_alloc : memref<!tpu.dma_semaphore, #tpu.memory_space<semaphore_mem>>
      %dma_start3A_126 = arith.constant 0 : i32
      %dma_start3A_127 = tpu.memref_slice %arg25[%add3A_37, %dma_start3A_126] : memref<10240x8xf32, #tpu.memory_space<vmem_shared>> -> memref<128x8xf32, #tpu.memory_space<vmem_shared>>
      %dma_start3A_128 = arith.constant 0 : i32
      %dma_start3A_129 = tpu.memref_slice %arg25[%add3A_37, %dma_start3A_128] : memref<10240x8xf32, #tpu.memory_space<vmem_shared>> -> memref<128x8xf32, #tpu.memory_space<vmem_shared>>
      tpu.enqueue_dma source(%arg24 : memref<128x8xf32, #tpu.memory_space<vmem>>) target(%dma_start3A_129 : memref<128x8xf32, #tpu.memory_space<vmem_shared>>) target_semaphore(%run_scoped3A_125 : memref<!tpu.dma_semaphore, #tpu.memory_space<semaphore_mem>>)
      %dma_wait3A_130 = arith.constant 0 : i32
      %dma_wait3A_131 = tpu.memref_slice %arg25[%add3A_37, %dma_wait3A_130] : memref<10240x8xf32, #tpu.memory_space<vmem_shared>> -> memref<128x8xf32, #tpu.memory_space<vmem_shared>>
      %dma_wait3A_132 = arith.constant 0 : i32
      %dma_wait3A_133 = tpu.memref_slice %arg25[%add3A_37, %dma_wait3A_132] : memref<10240x8xf32, #tpu.memory_space<vmem_shared>> -> memref<128x8xf32, #tpu.memory_space<vmem_shared>>
      tpu.wait_dma2 semaphore(%run_scoped3A_125 : memref<!tpu.dma_semaphore, #tpu.memory_space<semaphore_mem>>) src(%arg24 : memref<128x8xf32, #tpu.memory_space<vmem>>) dst(%dma_wait3A_133 : memref<128x8xf32, #tpu.memory_space<vmem_shared>>)
      tpu.yield
    }) : () -> ()
    %add3A_38 = arith.constant 512 : i32
    %add3A_39 = arith.addi %mul3A_0, %add3A_38 : i32
    "tpu.region"() ({
      %run_scoped3A_125 = tpu.sem_alloc : memref<!tpu.dma_semaphore, #tpu.memory_space<semaphore_mem>>
      %dma_start3A_126 = arith.constant 0 : i32
      %dma_start3A_127 = tpu.memref_slice %arg25[%add3A_39, %dma_start3A_126] : memref<10240x8xf32, #tpu.memory_space<vmem_shared>> -> memref<128x8xf32, #tpu.memory_space<vmem_shared>>
      %dma_start3A_128 = arith.constant 0 : i32
      %dma_start3A_129 = tpu.memref_slice %arg25[%add3A_39, %dma_start3A_128] : memref<10240x8xf32, #tpu.memory_space<vmem_shared>> -> memref<128x8xf32, #tpu.memory_space<vmem_shared>>
      tpu.enqueue_dma source(%arg24 : memref<128x8xf32, #tpu.memory_space<vmem>>) target(%dma_start3A_129 : memref<128x8xf32, #tpu.memory_space<vmem_shared>>) target_semaphore(%run_scoped3A_125 : memref<!tpu.dma_semaphore, #tpu.memory_space<semaphore_mem>>)
      %dma_wait3A_130 = arith.constant 0 : i32
      %dma_wait3A_131 = tpu.memref_slice %arg25[%add3A_39, %dma_wait3A_130] : memref<10240x8xf32, #tpu.memory_space<vmem_shared>> -> memref<128x8xf32, #tpu.memory_space<vmem_shared>>
      %dma_wait3A_132 = arith.constant 0 : i32
      %dma_wait3A_133 = tpu.memref_slice %arg25[%add3A_39, %dma_wait3A_132] : memref<10240x8xf32, #tpu.memory_space<vmem_shared>> -> memref<128x8xf32, #tpu.memory_space<vmem_shared>>
      tpu.wait_dma2 semaphore(%run_scoped3A_125 : memref<!tpu.dma_semaphore, #tpu.memory_space<semaphore_mem>>) src(%arg24 : memref<128x8xf32, #tpu.memory_space<vmem>>) dst(%dma_wait3A_133 : memref<128x8xf32, #tpu.memory_space<vmem_shared>>)
      tpu.yield
    }) : () -> ()
    %scan3A_40 = arith.constant 0 : i32
    %scan3A_41 = arith.constant 0 : i32
    %scan3A_42 = arith.constant 128 : i32
    %scan3A_43 = arith.addi %scan3A_41, %scan3A_42 : i32
    %scan3A_44 = arith.constant 1 : i32
    scf.for %scan3A_125 = %scan3A_41 to %scan3A_43 step %scan3A_44  : i32 {
      %broadcast_in_dim3A = arith.constant 1.000000e+00 : f32
      %broadcast_in_dim3A_126 = vector.broadcast %broadcast_in_dim3A : f32 to vector<8xf32>
      %swap3A = arith.index_cast %scan3A_125 : i32 to index
      %swap3A_127 = arith.constant 0 : index
      %swap3A_128 = tpu.vector_load %arg24[%swap3A, %swap3A_127] {strides = array<i32>} : memref<128x8xf32, #tpu.memory_space<vmem>>, vector<1x8xf32>,
      %swap3A_129 = vector.shape_cast %swap3A_128 : vector<1x8xf32> to vector<8xf32>
      %swap3A_130 = vector.shape_cast %broadcast_in_dim3A_126 : vector<8xf32> to vector<1x8xf32>
      tpu.vector_store %arg24[%swap3A, %swap3A_127], %swap3A_130 {strides = array<i32>} : memref<128x8xf32, #tpu.memory_space<vmem>>, vector<1x8xf32>,
    }
    %scan3A_45 = arith.constant 128 : i32
    %barrier3A = arith.constant 0 : index
    tpu.barrier barrier_id(%barrier3A)
    %dma_start3A = arith.constant 0 : i32
    %dma_start3A_46 = arith.constant 0 : i32
    %dma_start3A_47 = tpu.memref_slice %arg6[%dma_start3A, %dma_start3A_46] : memref<80x128xi32, #tpu.memory_space<vmem>> -> memref<1x128xi32, #tpu.memory_space<vmem>>
    %dma_start3A_48 = tpu.memref_squeeze %dma_start3A_47 : memref<1x128xi32, #tpu.memory_space<vmem>> -> memref<128xi32, #tpu.memory_space<vmem>>
    %dma_start3A_49 = arith.constant 0 : i32
    %dma_start3A_50 = arith.constant 0 : i32
    %dma_start3A_51 = tpu.memref_slice %arg2[%dma_start3A_49, %dma_start3A_50] : memref<20480x64xf32, #tpu.memory_space<hbm>> -> memref<20480x64xf32, #tpu.memory_space<hbm>>
    tpu.enqueue_indirect_dma source(%dma_start3A_51 : memref<20480x64xf32, #tpu.memory_space<hbm>>) target(%arg8 : memref<128x64xf32, #tpu.memory_space<vmem>>) offsets(%dma_start3A_48 : memref<128xi32, #tpu.memory_space<vmem>>) semaphore(%arg14 : memref<!tpu.dma_semaphore, #tpu.memory_space<semaphore_mem>>)
    %dma_start3A_52 = arith.constant 1 : i32
    %dma_start3A_53 = arith.constant 0 : i32
    %dma_start3A_54 = tpu.memref_slice %arg6[%dma_start3A_52, %dma_start3A_53] : memref<80x128xi32, #tpu.memory_space<vmem>> -> memref<1x128xi32, #tpu.memory_space<vmem>>
    %dma_start3A_55 = tpu.memref_squeeze %dma_start3A_54 : memref<1x128xi32, #tpu.memory_space<vmem>> -> memref<128xi32, #tpu.memory_space<vmem>>
    %dma_start3A_56 = arith.constant 0 : i32
    %dma_start3A_57 = arith.constant 0 : i32
    %dma_start3A_58 = tpu.memref_slice %arg2[%dma_start3A_56, %dma_start3A_57] : memref<20480x64xf32, #tpu.memory_space<hbm>> -> memref<20480x64xf32, #tpu.memory_space<hbm>>
    tpu.enqueue_indirect_dma source(%dma_start3A_58 : memref<20480x64xf32, #tpu.memory_space<hbm>>) target(%arg9 : memref<128x64xf32, #tpu.memory_space<vmem>>) offsets(%dma_start3A_55 : memref<128xi32, #tpu.memory_space<vmem>>) semaphore(%arg15 : memref<!tpu.dma_semaphore, #tpu.memory_space<semaphore_mem>>)
    %dma_start3A_59 = arith.constant 2 : i32
    %dma_start3A_60 = arith.constant 0 : i32
    %dma_start3A_61 = tpu.memref_slice %arg6[%dma_start3A_59, %dma_start3A_60] : memref<80x128xi32, #tpu.memory_space<vmem>> -> memref<1x128xi32, #tpu.memory_space<vmem>>
    %dma_start3A_62 = tpu.memref_squeeze %dma_start3A_61 : memref<1x128xi32, #tpu.memory_space<vmem>> -> memref<128xi32, #tpu.memory_space<vmem>>
    %dma_start3A_63 = arith.constant 0 : i32
    %dma_start3A_64 = arith.constant 0 : i32
    %dma_start3A_65 = tpu.memref_slice %arg2[%dma_start3A_63, %dma_start3A_64] : memref<20480x64xf32, #tpu.memory_space<hbm>> -> memref<20480x64xf32, #tpu.memory_space<hbm>>
    tpu.enqueue_indirect_dma source(%dma_start3A_65 : memref<20480x64xf32, #tpu.memory_space<hbm>>) target(%arg10 : memref<128x64xf32, #tpu.memory_space<vmem>>) offsets(%dma_start3A_62 : memref<128xi32, #tpu.memory_space<vmem>>) semaphore(%arg16 : memref<!tpu.dma_semaphore, #tpu.memory_space<semaphore_mem>>)
    %dma_start3A_66 = arith.constant 3 : i32
    %dma_start3A_67 = arith.constant 0 : i32
    %dma_start3A_68 = tpu.memref_slice %arg6[%dma_start3A_66, %dma_start3A_67] : memref<80x128xi32, #tpu.memory_space<vmem>> -> memref<1x128xi32, #tpu.memory_space<vmem>>
    %dma_start3A_69 = tpu.memref_squeeze %dma_start3A_68 : memref<1x128xi32, #tpu.memory_space<vmem>> -> memref<128xi32, #tpu.memory_space<vmem>>
    %dma_start3A_70 = arith.constant 0 : i32
    %dma_start3A_71 = arith.constant 0 : i32
    %dma_start3A_72 = tpu.memref_slice %arg2[%dma_start3A_70, %dma_start3A_71] : memref<20480x64xf32, #tpu.memory_space<hbm>> -> memref<20480x64xf32, #tpu.memory_space<hbm>>
    tpu.enqueue_indirect_dma source(%dma_start3A_72 : memref<20480x64xf32, #tpu.memory_space<hbm>>) target(%arg11 : memref<128x64xf32, #tpu.memory_space<vmem>>) offsets(%dma_start3A_69 : memref<128xi32, #tpu.memory_space<vmem>>) semaphore(%arg17 : memref<!tpu.dma_semaphore, #tpu.memory_space<semaphore_mem>>)
    %scan3A_73 = arith.constant 0 : i32
    %scan3A_74 = arith.constant 0 : i32
    %scan3A_75 = arith.constant 16 : i32
    %scan3A_76 = arith.addi %scan3A_74, %scan3A_75 : i32
    %scan3A_77 = arith.constant 1 : i32
    scf.for %scan3A_125 = %scan3A_74 to %scan3A_76 step %scan3A_77  : i32 {
      %mul3A_126 = arith.constant 5 : i32
      %mul3A_127 = arith.muli %scan3A_125, %mul3A_126 : i32
      %add3A_128 = arith.constant 0 : i32
      %add3A_129 = arith.addi %mul3A_127, %add3A_128 : i32
      %dma_wait3A_130 = arith.constant 0 : i32
      %dma_wait3A_131 = tpu.memref_slice %arg6[%add3A_129, %dma_wait3A_130] : memref<80x128xi32, #tpu.memory_space<vmem>> -> memref<1x128xi32, #tpu.memory_space<vmem>>
      %dma_wait3A_132 = tpu.memref_squeeze %dma_wait3A_131 : memref<1x128xi32, #tpu.memory_space<vmem>> -> memref<128xi32, #tpu.memory_space<vmem>>
      %dma_wait3A_133 = arith.constant 0 : i32
      %dma_wait3A_134 = arith.constant 0 : i32
      %dma_wait3A_135 = tpu.memref_slice %arg2[%dma_wait3A_133, %dma_wait3A_134] : memref<20480x64xf32, #tpu.memory_space<hbm>> -> memref<20480x64xf32, #tpu.memory_space<hbm>>
      tpu.wait_indirect_dma semaphore(%arg14 : memref<!tpu.dma_semaphore, #tpu.memory_space<semaphore_mem>>) src(%dma_wait3A_135 : memref<20480x64xf32, #tpu.memory_space<hbm>>) dst(%arg8 : memref<128x64xf32, #tpu.memory_space<vmem>>)
      %dma_start3A_136 = arith.constant 0 : i32
      %dma_start3A_137 = tpu.memref_slice %arg7[%add3A_129, %dma_start3A_136] : memref<80x128xi32, #tpu.memory_space<vmem>> -> memref<1x128xi32, #tpu.memory_space<vmem>>
      %dma_start3A_138 = tpu.memref_squeeze %dma_start3A_137 : memref<1x128xi32, #tpu.memory_space<vmem>> -> memref<128xi32, #tpu.memory_space<vmem>>
      %dma_start3A_139 = arith.constant 0 : i32
      %dma_start3A_140 = arith.constant 0 : i32
      %dma_start3A_141 = tpu.memref_slice %arg13[%dma_start3A_139, %dma_start3A_140] : memref<10240x64xf32, #tpu.memory_space<vmem_shared>> -> memref<10240x64xf32, #tpu.memory_space<vmem_shared>>
      tpu.enqueue_indirect_dma source(%arg8 : memref<128x64xf32, #tpu.memory_space<vmem>>) target(%dma_start3A_141 : memref<10240x64xf32, #tpu.memory_space<vmem_shared>>) offsets(%dma_start3A_138 : memref<128xi32, #tpu.memory_space<vmem>>) semaphore(%arg19 : memref<!tpu.dma_semaphore, #tpu.memory_space<semaphore_mem>>) {add = true}
      %ge3A = arith.constant 5 : i32
      %ge3A_142 = arith.cmpi sge, %add3A_129, %ge3A : i32
      %convert_element_type3A_143 = arith.extui %ge3A_142 : i1 to i32
      %cond3A_144 = arith.constant 0 : i32
      %cond3A_145 = arith.cmpi ne, %convert_element_type3A_143, %cond3A_144 : i32
      scf.if %cond3A_145 {
        %sub3A_328 = arith.constant 5 : i32
        %sub3A_329 = arith.subi %add3A_129, %sub3A_328 : i32
        %dma_wait3A_330 = arith.constant 0 : i32
        %dma_wait3A_331 = tpu.memref_slice %arg7[%sub3A_329, %dma_wait3A_330] : memref<80x128xi32, #tpu.memory_space<vmem>> -> memref<1x128xi32, #tpu.memory_space<vmem>>
        %dma_wait3A_332 = tpu.memref_squeeze %dma_wait3A_331 : memref<1x128xi32, #tpu.memory_space<vmem>> -> memref<128xi32, #tpu.memory_space<vmem>>
        %dma_wait3A_333 = arith.constant 0 : i32
        %dma_wait3A_334 = arith.constant 0 : i32
        %dma_wait3A_335 = tpu.memref_slice %arg25[%dma_wait3A_333, %dma_wait3A_334] : memref<10240x8xf32, #tpu.memory_space<vmem_shared>> -> memref<10240x8xf32, #tpu.memory_space<vmem_shared>>
        tpu.wait_indirect_dma semaphore(%arg26 : memref<!tpu.dma_semaphore, #tpu.memory_space<semaphore_mem>>) src(%arg24 : memref<128x8xf32, #tpu.memory_space<vmem>>) dst(%dma_wait3A_335 : memref<10240x8xf32, #tpu.memory_space<vmem_shared>>)
      } else {
      }
      %dma_start3A_146 = arith.constant 0 : i32
      %dma_start3A_147 = tpu.memref_slice %arg7[%add3A_129, %dma_start3A_146] : memref<80x128xi32, #tpu.memory_space<vmem>> -> memref<1x128xi32, #tpu.memory_space<vmem>>
      %dma_start3A_148 = tpu.memref_squeeze %dma_start3A_147 : memref<1x128xi32, #tpu.memory_space<vmem>> -> memref<128xi32, #tpu.memory_space<vmem>>
      %dma_start3A_149 = arith.constant 0 : i32
      %dma_start3A_150 = arith.constant 0 : i32
      %dma_start3A_151 = tpu.memref_slice %arg25[%dma_start3A_149, %dma_start3A_150] : memref<10240x8xf32, #tpu.memory_space<vmem_shared>> -> memref<10240x8xf32, #tpu.memory_space<vmem_shared>>
      tpu.enqueue_indirect_dma source(%arg24 : memref<128x8xf32, #tpu.memory_space<vmem>>) target(%dma_start3A_151 : memref<10240x8xf32, #tpu.memory_space<vmem_shared>>) offsets(%dma_start3A_148 : memref<128xi32, #tpu.memory_space<vmem>>) semaphore(%arg26 : memref<!tpu.dma_semaphore, #tpu.memory_space<semaphore_mem>>) {add = true}
      %add3A_152 = arith.constant 5 : i32
      %add3A_153 = arith.addi %add3A_129, %add3A_152 : i32
      %sub3A = arith.constant 1 : i32
      %sub3A_154 = arith.subi %add3A_153, %sub3A : i32
      %ge3A_155 = arith.constant 1 : i32
      %ge3A_156 = arith.cmpi sge, %add3A_129, %ge3A_155 : i32
      %convert_element_type3A_157 = arith.extui %ge3A_156 : i1 to i32
      %cond3A_158 = arith.constant 0 : i32
      %cond3A_159 = arith.cmpi ne, %convert_element_type3A_157, %cond3A_158 : i32
      scf.if %cond3A_159 {
        %sub3A_328 = arith.constant 5 : i32
        %sub3A_329 = arith.subi %sub3A_154, %sub3A_328 : i32
        %dma_wait3A_330 = arith.constant 0 : i32
        %dma_wait3A_331 = tpu.memref_slice %arg7[%sub3A_329, %dma_wait3A_330] : memref<80x128xi32, #tpu.memory_space<vmem>> -> memref<1x128xi32, #tpu.memory_space<vmem>>
        %dma_wait3A_332 = tpu.memref_squeeze %dma_wait3A_331 : memref<1x128xi32, #tpu.memory_space<vmem>> -> memref<128xi32, #tpu.memory_space<vmem>>
        %dma_wait3A_333 = arith.constant 0 : i32
        %dma_wait3A_334 = arith.constant 0 : i32
        %dma_wait3A_335 = tpu.memref_slice %arg13[%dma_wait3A_333, %dma_wait3A_334] : memref<10240x64xf32, #tpu.memory_space<vmem_shared>> -> memref<10240x64xf32, #tpu.memory_space<vmem_shared>>
        tpu.wait_indirect_dma semaphore(%arg23 : memref<!tpu.dma_semaphore, #tpu.memory_space<semaphore_mem>>) src(%arg12 : memref<128x64xf32, #tpu.memory_space<vmem>>) dst(%dma_wait3A_335 : memref<10240x64xf32, #tpu.memory_space<vmem_shared>>)
      } else {
      }
      %lt3A = arith.constant 80 : i32
      %lt3A_160 = arith.cmpi slt, %sub3A_154, %lt3A : i32
      %convert_element_type3A_161 = arith.extui %lt3A_160 : i1 to i32
      %cond3A_162 = arith.constant 0 : i32
      %cond3A_163 = arith.cmpi ne, %convert_element_type3A_161, %cond3A_162 : i32
      scf.if %cond3A_163 {
        %dma_start3A_328 = arith.constant 0 : i32
        %dma_start3A_329 = tpu.memref_slice %arg6[%sub3A_154, %dma_start3A_328] : memref<80x128xi32, #tpu.memory_space<vmem>> -> memref<1x128xi32, #tpu.memory_space<vmem>>
        %dma_start3A_330 = tpu.memref_squeeze %dma_start3A_329 : memref<1x128xi32, #tpu.memory_space<vmem>> -> memref<128xi32, #tpu.memory_space<vmem>>
        %dma_start3A_331 = arith.constant 0 : i32
        %dma_start3A_332 = arith.constant 0 : i32
        %dma_start3A_333 = tpu.memref_slice %arg2[%dma_start3A_331, %dma_start3A_332] : memref<20480x64xf32, #tpu.memory_space<hbm>> -> memref<20480x64xf32, #tpu.memory_space<hbm>>
        tpu.enqueue_indirect_dma source(%dma_start3A_333 : memref<20480x64xf32, #tpu.memory_space<hbm>>) target(%arg12 : memref<128x64xf32, #tpu.memory_space<vmem>>) offsets(%dma_start3A_330 : memref<128xi32, #tpu.memory_space<vmem>>) semaphore(%arg18 : memref<!tpu.dma_semaphore, #tpu.memory_space<semaphore_mem>>)
      } else {
      }
      %mul3A_164 = arith.constant 5 : i32
      %mul3A_165 = arith.muli %scan3A_125, %mul3A_164 : i32
      %add3A_166 = arith.constant 1 : i32
      %add3A_167 = arith.addi %mul3A_165, %add3A_166 : i32
      %dma_wait3A_168 = arith.constant 0 : i32
      %dma_wait3A_169 = tpu.memref_slice %arg6[%add3A_167, %dma_wait3A_168] : memref<80x128xi32, #tpu.memory_space<vmem>> -> memref<1x128xi32, #tpu.memory_space<vmem>>
      %dma_wait3A_170 = tpu.memref_squeeze %dma_wait3A_169 : memref<1x128xi32, #tpu.memory_space<vmem>> -> memref<128xi32, #tpu.memory_space<vmem>>
      %dma_wait3A_171 = arith.constant 0 : i32
      %dma_wait3A_172 = arith.constant 0 : i32
      %dma_wait3A_173 = tpu.memref_slice %arg2[%dma_wait3A_171, %dma_wait3A_172] : memref<20480x64xf32, #tpu.memory_space<hbm>> -> memref<20480x64xf32, #tpu.memory_space<hbm>>
      tpu.wait_indirect_dma semaphore(%arg15 : memref<!tpu.dma_semaphore, #tpu.memory_space<semaphore_mem>>) src(%dma_wait3A_173 : memref<20480x64xf32, #tpu.memory_space<hbm>>) dst(%arg9 : memref<128x64xf32, #tpu.memory_space<vmem>>)
      %dma_start3A_174 = arith.constant 0 : i32
      %dma_start3A_175 = tpu.memref_slice %arg7[%add3A_167, %dma_start3A_174] : memref<80x128xi32, #tpu.memory_space<vmem>> -> memref<1x128xi32, #tpu.memory_space<vmem>>
      %dma_start3A_176 = tpu.memref_squeeze %dma_start3A_175 : memref<1x128xi32, #tpu.memory_space<vmem>> -> memref<128xi32, #tpu.memory_space<vmem>>
      %dma_start3A_177 = arith.constant 0 : i32
      %dma_start3A_178 = arith.constant 0 : i32
      %dma_start3A_179 = tpu.memref_slice %arg13[%dma_start3A_177, %dma_start3A_178] : memref<10240x64xf32, #tpu.memory_space<vmem_shared>> -> memref<10240x64xf32, #tpu.memory_space<vmem_shared>>
      tpu.enqueue_indirect_dma source(%arg9 : memref<128x64xf32, #tpu.memory_space<vmem>>) target(%dma_start3A_179 : memref<10240x64xf32, #tpu.memory_space<vmem_shared>>) offsets(%dma_start3A_176 : memref<128xi32, #tpu.memory_space<vmem>>) semaphore(%arg20 : memref<!tpu.dma_semaphore, #tpu.memory_space<semaphore_mem>>) {add = true}
      %ge3A_180 = arith.constant 5 : i32
      %ge3A_181 = arith.cmpi sge, %add3A_167, %ge3A_180 : i32
      %convert_element_type3A_182 = arith.extui %ge3A_181 : i1 to i32
      %cond3A_183 = arith.constant 0 : i32
      %cond3A_184 = arith.cmpi ne, %convert_element_type3A_182, %cond3A_183 : i32
      scf.if %cond3A_184 {
        %sub3A_328 = arith.constant 5 : i32
        %sub3A_329 = arith.subi %add3A_167, %sub3A_328 : i32
        %dma_wait3A_330 = arith.constant 0 : i32
        %dma_wait3A_331 = tpu.memref_slice %arg7[%sub3A_329, %dma_wait3A_330] : memref<80x128xi32, #tpu.memory_space<vmem>> -> memref<1x128xi32, #tpu.memory_space<vmem>>
        %dma_wait3A_332 = tpu.memref_squeeze %dma_wait3A_331 : memref<1x128xi32, #tpu.memory_space<vmem>> -> memref<128xi32, #tpu.memory_space<vmem>>
        %dma_wait3A_333 = arith.constant 0 : i32
        %dma_wait3A_334 = arith.constant 0 : i32
        %dma_wait3A_335 = tpu.memref_slice %arg25[%dma_wait3A_333, %dma_wait3A_334] : memref<10240x8xf32, #tpu.memory_space<vmem_shared>> -> memref<10240x8xf32, #tpu.memory_space<vmem_shared>>
        tpu.wait_indirect_dma semaphore(%arg27 : memref<!tpu.dma_semaphore, #tpu.memory_space<semaphore_mem>>) src(%arg24 : memref<128x8xf32, #tpu.memory_space<vmem>>) dst(%dma_wait3A_335 : memref<10240x8xf32, #tpu.memory_space<vmem_shared>>)
      } else {
      }
      %dma_start3A_185 = arith.constant 0 : i32
      %dma_start3A_186 = tpu.memref_slice %arg7[%add3A_167, %dma_start3A_185] : memref<80x128xi32, #tpu.memory_space<vmem>> -> memref<1x128xi32, #tpu.memory_space<vmem>>
      %dma_start3A_187 = tpu.memref_squeeze %dma_start3A_186 : memref<1x128xi32, #tpu.memory_space<vmem>> -> memref<128xi32, #tpu.memory_space<vmem>>
      %dma_start3A_188 = arith.constant 0 : i32
      %dma_start3A_189 = arith.constant 0 : i32
      %dma_start3A_190 = tpu.memref_slice %arg25[%dma_start3A_188, %dma_start3A_189] : memref<10240x8xf32, #tpu.memory_space<vmem_shared>> -> memref<10240x8xf32, #tpu.memory_space<vmem_shared>>
      tpu.enqueue_indirect_dma source(%arg24 : memref<128x8xf32, #tpu.memory_space<vmem>>) target(%dma_start3A_190 : memref<10240x8xf32, #tpu.memory_space<vmem_shared>>) offsets(%dma_start3A_187 : memref<128xi32, #tpu.memory_space<vmem>>) semaphore(%arg27 : memref<!tpu.dma_semaphore, #tpu.memory_space<semaphore_mem>>) {add = true}
      %add3A_191 = arith.constant 5 : i32
      %add3A_192 = arith.addi %add3A_167, %add3A_191 : i32
      %sub3A_193 = arith.constant 1 : i32
      %sub3A_194 = arith.subi %add3A_192, %sub3A_193 : i32
      %ge3A_195 = arith.constant 1 : i32
      %ge3A_196 = arith.cmpi sge, %add3A_167, %ge3A_195 : i32
      %convert_element_type3A_197 = arith.extui %ge3A_196 : i1 to i32
      %cond3A_198 = arith.constant 0 : i32
      %cond3A_199 = arith.cmpi ne, %convert_element_type3A_197, %cond3A_198 : i32
      scf.if %cond3A_199 {
        %sub3A_328 = arith.constant 5 : i32
        %sub3A_329 = arith.subi %sub3A_194, %sub3A_328 : i32
        %dma_wait3A_330 = arith.constant 0 : i32
        %dma_wait3A_331 = tpu.memref_slice %arg7[%sub3A_329, %dma_wait3A_330] : memref<80x128xi32, #tpu.memory_space<vmem>> -> memref<1x128xi32, #tpu.memory_space<vmem>>
        %dma_wait3A_332 = tpu.memref_squeeze %dma_wait3A_331 : memref<1x128xi32, #tpu.memory_space<vmem>> -> memref<128xi32, #tpu.memory_space<vmem>>
        %dma_wait3A_333 = arith.constant 0 : i32
        %dma_wait3A_334 = arith.constant 0 : i32
        %dma_wait3A_335 = tpu.memref_slice %arg13[%dma_wait3A_333, %dma_wait3A_334] : memref<10240x64xf32, #tpu.memory_space<vmem_shared>> -> memref<10240x64xf32, #tpu.memory_space<vmem_shared>>
        tpu.wait_indirect_dma semaphore(%arg19 : memref<!tpu.dma_semaphore, #tpu.memory_space<semaphore_mem>>) src(%arg8 : memref<128x64xf32, #tpu.memory_space<vmem>>) dst(%dma_wait3A_335 : memref<10240x64xf32, #tpu.memory_space<vmem_shared>>)
      } else {
      }
      %lt3A_200 = arith.constant 80 : i32
      %lt3A_201 = arith.cmpi slt, %sub3A_194, %lt3A_200 : i32
      %convert_element_type3A_202 = arith.extui %lt3A_201 : i1 to i32
      %cond3A_203 = arith.constant 0 : i32
      %cond3A_204 = arith.cmpi ne, %convert_element_type3A_202, %cond3A_203 : i32
      scf.if %cond3A_204 {
        %dma_start3A_328 = arith.constant 0 : i32
        %dma_start3A_329 = tpu.memref_slice %arg6[%sub3A_194, %dma_start3A_328] : memref<80x128xi32, #tpu.memory_space<vmem>> -> memref<1x128xi32, #tpu.memory_space<vmem>>
        %dma_start3A_330 = tpu.memref_squeeze %dma_start3A_329 : memref<1x128xi32, #tpu.memory_space<vmem>> -> memref<128xi32, #tpu.memory_space<vmem>>
        %dma_start3A_331 = arith.constant 0 : i32
        %dma_start3A_332 = arith.constant 0 : i32
        %dma_start3A_333 = tpu.memref_slice %arg2[%dma_start3A_331, %dma_start3A_332] : memref<20480x64xf32, #tpu.memory_space<hbm>> -> memref<20480x64xf32, #tpu.memory_space<hbm>>
        tpu.enqueue_indirect_dma source(%dma_start3A_333 : memref<20480x64xf32, #tpu.memory_space<hbm>>) target(%arg8 : memref<128x64xf32, #tpu.memory_space<vmem>>) offsets(%dma_start3A_330 : memref<128xi32, #tpu.memory_space<vmem>>) semaphore(%arg14 : memref<!tpu.dma_semaphore, #tpu.memory_space<semaphore_mem>>)
      } else {
      }
      %mul3A_205 = arith.constant 5 : i32
      %mul3A_206 = arith.muli %scan3A_125, %mul3A_205 : i32
      %add3A_207 = arith.constant 2 : i32
      %add3A_208 = arith.addi %mul3A_206, %add3A_207 : i32
      %dma_wait3A_209 = arith.constant 0 : i32
      %dma_wait3A_210 = tpu.memref_slice %arg6[%add3A_208, %dma_wait3A_209] : memref<80x128xi32, #tpu.memory_space<vmem>> -> memref<1x128xi32, #tpu.memory_space<vmem>>
      %dma_wait3A_211 = tpu.memref_squeeze %dma_wait3A_210 : memref<1x128xi32, #tpu.memory_space<vmem>> -> memref<128xi32, #tpu.memory_space<vmem>>
      %dma_wait3A_212 = arith.constant 0 : i32
      %dma_wait3A_213 = arith.constant 0 : i32
      %dma_wait3A_214 = tpu.memref_slice %arg2[%dma_wait3A_212, %dma_wait3A_213] : memref<20480x64xf32, #tpu.memory_space<hbm>> -> memref<20480x64xf32, #tpu.memory_space<hbm>>
      tpu.wait_indirect_dma semaphore(%arg16 : memref<!tpu.dma_semaphore, #tpu.memory_space<semaphore_mem>>) src(%dma_wait3A_214 : memref<20480x64xf32, #tpu.memory_space<hbm>>) dst(%arg10 : memref<128x64xf32, #tpu.memory_space<vmem>>)
      %dma_start3A_215 = arith.constant 0 : i32
      %dma_start3A_216 = tpu.memref_slice %arg7[%add3A_208, %dma_start3A_215] : memref<80x128xi32, #tpu.memory_space<vmem>> -> memref<1x128xi32, #tpu.memory_space<vmem>>
      %dma_start3A_217 = tpu.memref_squeeze %dma_start3A_216 : memref<1x128xi32, #tpu.memory_space<vmem>> -> memref<128xi32, #tpu.memory_space<vmem>>
      %dma_start3A_218 = arith.constant 0 : i32
      %dma_start3A_219 = arith.constant 0 : i32
      %dma_start3A_220 = tpu.memref_slice %arg13[%dma_start3A_218, %dma_start3A_219] : memref<10240x64xf32, #tpu.memory_space<vmem_shared>> -> memref<10240x64xf32, #tpu.memory_space<vmem_shared>>
      tpu.enqueue_indirect_dma source(%arg10 : memref<128x64xf32, #tpu.memory_space<vmem>>) target(%dma_start3A_220 : memref<10240x64xf32, #tpu.memory_space<vmem_shared>>) offsets(%dma_start3A_217 : memref<128xi32, #tpu.memory_space<vmem>>) semaphore(%arg21 : memref<!tpu.dma_semaphore, #tpu.memory_space<semaphore_mem>>) {add = true}
      %ge3A_221 = arith.constant 5 : i32
      %ge3A_222 = arith.cmpi sge, %add3A_208, %ge3A_221 : i32
      %convert_element_type3A_223 = arith.extui %ge3A_222 : i1 to i32
      %cond3A_224 = arith.constant 0 : i32
      %cond3A_225 = arith.cmpi ne, %convert_element_type3A_223, %cond3A_224 : i32
      scf.if %cond3A_225 {
        %sub3A_328 = arith.constant 5 : i32
        %sub3A_329 = arith.subi %add3A_208, %sub3A_328 : i32
        %dma_wait3A_330 = arith.constant 0 : i32
        %dma_wait3A_331 = tpu.memref_slice %arg7[%sub3A_329, %dma_wait3A_330] : memref<80x128xi32, #tpu.memory_space<vmem>> -> memref<1x128xi32, #tpu.memory_space<vmem>>
        %dma_wait3A_332 = tpu.memref_squeeze %dma_wait3A_331 : memref<1x128xi32, #tpu.memory_space<vmem>> -> memref<128xi32, #tpu.memory_space<vmem>>
        %dma_wait3A_333 = arith.constant 0 : i32
        %dma_wait3A_334 = arith.constant 0 : i32
        %dma_wait3A_335 = tpu.memref_slice %arg25[%dma_wait3A_333, %dma_wait3A_334] : memref<10240x8xf32, #tpu.memory_space<vmem_shared>> -> memref<10240x8xf32, #tpu.memory_space<vmem_shared>>
        tpu.wait_indirect_dma semaphore(%arg28 : memref<!tpu.dma_semaphore, #tpu.memory_space<semaphore_mem>>) src(%arg24 : memref<128x8xf32, #tpu.memory_space<vmem>>) dst(%dma_wait3A_335 : memref<10240x8xf32, #tpu.memory_space<vmem_shared>>)
      } else {
      }
      %dma_start3A_226 = arith.constant 0 : i32
      %dma_start3A_227 = tpu.memref_slice %arg7[%add3A_208, %dma_start3A_226] : memref<80x128xi32, #tpu.memory_space<vmem>> -> memref<1x128xi32, #tpu.memory_space<vmem>>
      %dma_start3A_228 = tpu.memref_squeeze %dma_start3A_227 : memref<1x128xi32, #tpu.memory_space<vmem>> -> memref<128xi32, #tpu.memory_space<vmem>>
      %dma_start3A_229 = arith.constant 0 : i32
      %dma_start3A_230 = arith.constant 0 : i32
      %dma_start3A_231 = tpu.memref_slice %arg25[%dma_start3A_229, %dma_start3A_230] : memref<10240x8xf32, #tpu.memory_space<vmem_shared>> -> memref<10240x8xf32, #tpu.memory_space<vmem_shared>>
      tpu.enqueue_indirect_dma source(%arg24 : memref<128x8xf32, #tpu.memory_space<vmem>>) target(%dma_start3A_231 : memref<10240x8xf32, #tpu.memory_space<vmem_shared>>) offsets(%dma_start3A_228 : memref<128xi32, #tpu.memory_space<vmem>>) semaphore(%arg28 : memref<!tpu.dma_semaphore, #tpu.memory_space<semaphore_mem>>) {add = true}
      %add3A_232 = arith.constant 5 : i32
      %add3A_233 = arith.addi %add3A_208, %add3A_232 : i32
      %sub3A_234 = arith.constant 1 : i32
      %sub3A_235 = arith.subi %add3A_233, %sub3A_234 : i32
      %ge3A_236 = arith.constant 1 : i32
      %ge3A_237 = arith.cmpi sge, %add3A_208, %ge3A_236 : i32
      %convert_element_type3A_238 = arith.extui %ge3A_237 : i1 to i32
      %cond3A_239 = arith.constant 0 : i32
      %cond3A_240 = arith.cmpi ne, %convert_element_type3A_238, %cond3A_239 : i32
      scf.if %cond3A_240 {
        %sub3A_328 = arith.constant 5 : i32
        %sub3A_329 = arith.subi %sub3A_235, %sub3A_328 : i32
        %dma_wait3A_330 = arith.constant 0 : i32
        %dma_wait3A_331 = tpu.memref_slice %arg7[%sub3A_329, %dma_wait3A_330] : memref<80x128xi32, #tpu.memory_space<vmem>> -> memref<1x128xi32, #tpu.memory_space<vmem>>
        %dma_wait3A_332 = tpu.memref_squeeze %dma_wait3A_331 : memref<1x128xi32, #tpu.memory_space<vmem>> -> memref<128xi32, #tpu.memory_space<vmem>>
        %dma_wait3A_333 = arith.constant 0 : i32
        %dma_wait3A_334 = arith.constant 0 : i32
        %dma_wait3A_335 = tpu.memref_slice %arg13[%dma_wait3A_333, %dma_wait3A_334] : memref<10240x64xf32, #tpu.memory_space<vmem_shared>> -> memref<10240x64xf32, #tpu.memory_space<vmem_shared>>
        tpu.wait_indirect_dma semaphore(%arg20 : memref<!tpu.dma_semaphore, #tpu.memory_space<semaphore_mem>>) src(%arg9 : memref<128x64xf32, #tpu.memory_space<vmem>>) dst(%dma_wait3A_335 : memref<10240x64xf32, #tpu.memory_space<vmem_shared>>)
      } else {
      }
      %lt3A_241 = arith.constant 80 : i32
      %lt3A_242 = arith.cmpi slt, %sub3A_235, %lt3A_241 : i32
      %convert_element_type3A_243 = arith.extui %lt3A_242 : i1 to i32
      %cond3A_244 = arith.constant 0 : i32
      %cond3A_245 = arith.cmpi ne, %convert_element_type3A_243, %cond3A_244 : i32
      scf.if %cond3A_245 {
        %dma_start3A_328 = arith.constant 0 : i32
        %dma_start3A_329 = tpu.memref_slice %arg6[%sub3A_235, %dma_start3A_328] : memref<80x128xi32, #tpu.memory_space<vmem>> -> memref<1x128xi32, #tpu.memory_space<vmem>>
        %dma_start3A_330 = tpu.memref_squeeze %dma_start3A_329 : memref<1x128xi32, #tpu.memory_space<vmem>> -> memref<128xi32, #tpu.memory_space<vmem>>
        %dma_start3A_331 = arith.constant 0 : i32
        %dma_start3A_332 = arith.constant 0 : i32
        %dma_start3A_333 = tpu.memref_slice %arg2[%dma_start3A_331, %dma_start3A_332] : memref<20480x64xf32, #tpu.memory_space<hbm>> -> memref<20480x64xf32, #tpu.memory_space<hbm>>
        tpu.enqueue_indirect_dma source(%dma_start3A_333 : memref<20480x64xf32, #tpu.memory_space<hbm>>) target(%arg9 : memref<128x64xf32, #tpu.memory_space<vmem>>) offsets(%dma_start3A_330 : memref<128xi32, #tpu.memory_space<vmem>>) semaphore(%arg15 : memref<!tpu.dma_semaphore, #tpu.memory_space<semaphore_mem>>)
      } else {
      }
      %mul3A_246 = arith.constant 5 : i32
      %mul3A_247 = arith.muli %scan3A_125, %mul3A_246 : i32
      %add3A_248 = arith.constant 3 : i32
      %add3A_249 = arith.addi %mul3A_247, %add3A_248 : i32
      %dma_wait3A_250 = arith.constant 0 : i32
      %dma_wait3A_251 = tpu.memref_slice %arg6[%add3A_249, %dma_wait3A_250] : memref<80x128xi32, #tpu.memory_space<vmem>> -> memref<1x128xi32, #tpu.memory_space<vmem>>
      %dma_wait3A_252 = tpu.memref_squeeze %dma_wait3A_251 : memref<1x128xi32, #tpu.memory_space<vmem>> -> memref<128xi32, #tpu.memory_space<vmem>>
      %dma_wait3A_253 = arith.constant 0 : i32
      %dma_wait3A_254 = arith.constant 0 : i32
      %dma_wait3A_255 = tpu.memref_slice %arg2[%dma_wait3A_253, %dma_wait3A_254] : memref<20480x64xf32, #tpu.memory_space<hbm>> -> memref<20480x64xf32, #tpu.memory_space<hbm>>
      tpu.wait_indirect_dma semaphore(%arg17 : memref<!tpu.dma_semaphore, #tpu.memory_space<semaphore_mem>>) src(%dma_wait3A_255 : memref<20480x64xf32, #tpu.memory_space<hbm>>) dst(%arg11 : memref<128x64xf32, #tpu.memory_space<vmem>>)
      %dma_start3A_256 = arith.constant 0 : i32
      %dma_start3A_257 = tpu.memref_slice %arg7[%add3A_249, %dma_start3A_256] : memref<80x128xi32, #tpu.memory_space<vmem>> -> memref<1x128xi32, #tpu.memory_space<vmem>>
      %dma_start3A_258 = tpu.memref_squeeze %dma_start3A_257 : memref<1x128xi32, #tpu.memory_space<vmem>> -> memref<128xi32, #tpu.memory_space<vmem>>
      %dma_start3A_259 = arith.constant 0 : i32
      %dma_start3A_260 = arith.constant 0 : i32
      %dma_start3A_261 = tpu.memref_slice %arg13[%dma_start3A_259, %dma_start3A_260] : memref<10240x64xf32, #tpu.memory_space<vmem_shared>> -> memref<10240x64xf32, #tpu.memory_space<vmem_shared>>
      tpu.enqueue_indirect_dma source(%arg11 : memref<128x64xf32, #tpu.memory_space<vmem>>) target(%dma_start3A_261 : memref<10240x64xf32, #tpu.memory_space<vmem_shared>>) offsets(%dma_start3A_258 : memref<128xi32, #tpu.memory_space<vmem>>) semaphore(%arg22 : memref<!tpu.dma_semaphore, #tpu.memory_space<semaphore_mem>>) {add = true}
      %ge3A_262 = arith.constant 5 : i32
      %ge3A_263 = arith.cmpi sge, %add3A_249, %ge3A_262 : i32
      %convert_element_type3A_264 = arith.extui %ge3A_263 : i1 to i32
      %cond3A_265 = arith.constant 0 : i32
      %cond3A_266 = arith.cmpi ne, %convert_element_type3A_264, %cond3A_265 : i32
      scf.if %cond3A_266 {
        %sub3A_328 = arith.constant 5 : i32
        %sub3A_329 = arith.subi %add3A_249, %sub3A_328 : i32
        %dma_wait3A_330 = arith.constant 0 : i32
        %dma_wait3A_331 = tpu.memref_slice %arg7[%sub3A_329, %dma_wait3A_330] : memref<80x128xi32, #tpu.memory_space<vmem>> -> memref<1x128xi32, #tpu.memory_space<vmem>>
        %dma_wait3A_332 = tpu.memref_squeeze %dma_wait3A_331 : memref<1x128xi32, #tpu.memory_space<vmem>> -> memref<128xi32, #tpu.memory_space<vmem>>
        %dma_wait3A_333 = arith.constant 0 : i32
        %dma_wait3A_334 = arith.constant 0 : i32
        %dma_wait3A_335 = tpu.memref_slice %arg25[%dma_wait3A_333, %dma_wait3A_334] : memref<10240x8xf32, #tpu.memory_space<vmem_shared>> -> memref<10240x8xf32, #tpu.memory_space<vmem_shared>>
        tpu.wait_indirect_dma semaphore(%arg29 : memref<!tpu.dma_semaphore, #tpu.memory_space<semaphore_mem>>) src(%arg24 : memref<128x8xf32, #tpu.memory_space<vmem>>) dst(%dma_wait3A_335 : memref<10240x8xf32, #tpu.memory_space<vmem_shared>>)
      } else {
      }
      %dma_start3A_267 = arith.constant 0 : i32
      %dma_start3A_268 = tpu.memref_slice %arg7[%add3A_249, %dma_start3A_267] : memref<80x128xi32, #tpu.memory_space<vmem>> -> memref<1x128xi32, #tpu.memory_space<vmem>>
      %dma_start3A_269 = tpu.memref_squeeze %dma_start3A_268 : memref<1x128xi32, #tpu.memory_space<vmem>> -> memref<128xi32, #tpu.memory_space<vmem>>
      %dma_start3A_270 = arith.constant 0 : i32
      %dma_start3A_271 = arith.constant 0 : i32
      %dma_start3A_272 = tpu.memref_slice %arg25[%dma_start3A_270, %dma_start3A_271] : memref<10240x8xf32, #tpu.memory_space<vmem_shared>> -> memref<10240x8xf32, #tpu.memory_space<vmem_shared>>
      tpu.enqueue_indirect_dma source(%arg24 : memref<128x8xf32, #tpu.memory_space<vmem>>) target(%dma_start3A_272 : memref<10240x8xf32, #tpu.memory_space<vmem_shared>>) offsets(%dma_start3A_269 : memref<128xi32, #tpu.memory_space<vmem>>) semaphore(%arg29 : memref<!tpu.dma_semaphore, #tpu.memory_space<semaphore_mem>>) {add = true}
      %add3A_273 = arith.constant 5 : i32
      %add3A_274 = arith.addi %add3A_249, %add3A_273 : i32
      %sub3A_275 = arith.constant 1 : i32
      %sub3A_276 = arith.subi %add3A_274, %sub3A_275 : i32
      %ge3A_277 = arith.constant 1 : i32
      %ge3A_278 = arith.cmpi sge, %add3A_249, %ge3A_277 : i32
      %convert_element_type3A_279 = arith.extui %ge3A_278 : i1 to i32
      %cond3A_280 = arith.constant 0 : i32
      %cond3A_281 = arith.cmpi ne, %convert_element_type3A_279, %cond3A_280 : i32
      scf.if %cond3A_281 {
        %sub3A_328 = arith.constant 5 : i32
        %sub3A_329 = arith.subi %sub3A_276, %sub3A_328 : i32
        %dma_wait3A_330 = arith.constant 0 : i32
        %dma_wait3A_331 = tpu.memref_slice %arg7[%sub3A_329, %dma_wait3A_330] : memref<80x128xi32, #tpu.memory_space<vmem>> -> memref<1x128xi32, #tpu.memory_space<vmem>>
        %dma_wait3A_332 = tpu.memref_squeeze %dma_wait3A_331 : memref<1x128xi32, #tpu.memory_space<vmem>> -> memref<128xi32, #tpu.memory_space<vmem>>
        %dma_wait3A_333 = arith.constant 0 : i32
        %dma_wait3A_334 = arith.constant 0 : i32
        %dma_wait3A_335 = tpu.memref_slice %arg13[%dma_wait3A_333, %dma_wait3A_334] : memref<10240x64xf32, #tpu.memory_space<vmem_shared>> -> memref<10240x64xf32, #tpu.memory_space<vmem_shared>>
        tpu.wait_indirect_dma semaphore(%arg21 : memref<!tpu.dma_semaphore, #tpu.memory_space<semaphore_mem>>) src(%arg10 : memref<128x64xf32, #tpu.memory_space<vmem>>) dst(%dma_wait3A_335 : memref<10240x64xf32, #tpu.memory_space<vmem_shared>>)
      } else {
      }
      %lt3A_282 = arith.constant 80 : i32
      %lt3A_283 = arith.cmpi slt, %sub3A_276, %lt3A_282 : i32
      %convert_element_type3A_284 = arith.extui %lt3A_283 : i1 to i32
      %cond3A_285 = arith.constant 0 : i32
      %cond3A_286 = arith.cmpi ne, %convert_element_type3A_284, %cond3A_285 : i32
      scf.if %cond3A_286 {
        %dma_start3A_328 = arith.constant 0 : i32
        %dma_start3A_329 = tpu.memref_slice %arg6[%sub3A_276, %dma_start3A_328] : memref<80x128xi32, #tpu.memory_space<vmem>> -> memref<1x128xi32, #tpu.memory_space<vmem>>
        %dma_start3A_330 = tpu.memref_squeeze %dma_start3A_329 : memref<1x128xi32, #tpu.memory_space<vmem>> -> memref<128xi32, #tpu.memory_space<vmem>>
        %dma_start3A_331 = arith.constant 0 : i32
        %dma_start3A_332 = arith.constant 0 : i32
        %dma_start3A_333 = tpu.memref_slice %arg2[%dma_start3A_331, %dma_start3A_332] : memref<20480x64xf32, #tpu.memory_space<hbm>> -> memref<20480x64xf32, #tpu.memory_space<hbm>>
        tpu.enqueue_indirect_dma source(%dma_start3A_333 : memref<20480x64xf32, #tpu.memory_space<hbm>>) target(%arg10 : memref<128x64xf32, #tpu.memory_space<vmem>>) offsets(%dma_start3A_330 : memref<128xi32, #tpu.memory_space<vmem>>) semaphore(%arg16 : memref<!tpu.dma_semaphore, #tpu.memory_space<semaphore_mem>>)
      } else {
      }
      %mul3A_287 = arith.constant 5 : i32
      %mul3A_288 = arith.muli %scan3A_125, %mul3A_287 : i32
      %add3A_289 = arith.constant 4 : i32
      %add3A_290 = arith.addi %mul3A_288, %add3A_289 : i32
      %dma_wait3A_291 = arith.constant 0 : i32
      %dma_wait3A_292 = tpu.memref_slice %arg6[%add3A_290, %dma_wait3A_291] : memref<80x128xi32, #tpu.memory_space<vmem>> -> memref<1x128xi32, #tpu.memory_space<vmem>>
      %dma_wait3A_293 = tpu.memref_squeeze %dma_wait3A_292 : memref<1x128xi32, #tpu.memory_space<vmem>> -> memref<128xi32, #tpu.memory_space<vmem>>
      %dma_wait3A_294 = arith.constant 0 : i32
      %dma_wait3A_295 = arith.constant 0 : i32
      %dma_wait3A_296 = tpu.memref_slice %arg2[%dma_wait3A_294, %dma_wait3A_295] : memref<20480x64xf32, #tpu.memory_space<hbm>> -> memref<20480x64xf32, #tpu.memory_space<hbm>>
      tpu.wait_indirect_dma semaphore(%arg18 : memref<!tpu.dma_semaphore, #tpu.memory_space<semaphore_mem>>) src(%dma_wait3A_296 : memref<20480x64xf32, #tpu.memory_space<hbm>>) dst(%arg12 : memref<128x64xf32, #tpu.memory_space<vmem>>)
      %dma_start3A_297 = arith.constant 0 : i32
      %dma_start3A_298 = tpu.memref_slice %arg7[%add3A_290, %dma_start3A_297] : memref<80x128xi32, #tpu.memory_space<vmem>> -> memref<1x128xi32, #tpu.memory_space<vmem>>
      %dma_start3A_299 = tpu.memref_squeeze %dma_start3A_298 : memref<1x128xi32, #tpu.memory_space<vmem>> -> memref<128xi32, #tpu.memory_space<vmem>>
      %dma_start3A_300 = arith.constant 0 : i32
      %dma_start3A_301 = arith.constant 0 : i32
      %dma_start3A_302 = tpu.memref_slice %arg13[%dma_start3A_300, %dma_start3A_301] : memref<10240x64xf32, #tpu.memory_space<vmem_shared>> -> memref<10240x64xf32, #tpu.memory_space<vmem_shared>>
      tpu.enqueue_indirect_dma source(%arg12 : memref<128x64xf32, #tpu.memory_space<vmem>>) target(%dma_start3A_302 : memref<10240x64xf32, #tpu.memory_space<vmem_shared>>) offsets(%dma_start3A_299 : memref<128xi32, #tpu.memory_space<vmem>>) semaphore(%arg23 : memref<!tpu.dma_semaphore, #tpu.memory_space<semaphore_mem>>) {add = true}
      %ge3A_303 = arith.constant 5 : i32
      %ge3A_304 = arith.cmpi sge, %add3A_290, %ge3A_303 : i32
      %convert_element_type3A_305 = arith.extui %ge3A_304 : i1 to i32
      %cond3A_306 = arith.constant 0 : i32
      %cond3A_307 = arith.cmpi ne, %convert_element_type3A_305, %cond3A_306 : i32
      scf.if %cond3A_307 {
        %sub3A_328 = arith.constant 5 : i32
        %sub3A_329 = arith.subi %add3A_290, %sub3A_328 : i32
        %dma_wait3A_330 = arith.constant 0 : i32
        %dma_wait3A_331 = tpu.memref_slice %arg7[%sub3A_329, %dma_wait3A_330] : memref<80x128xi32, #tpu.memory_space<vmem>> -> memref<1x128xi32, #tpu.memory_space<vmem>>
        %dma_wait3A_332 = tpu.memref_squeeze %dma_wait3A_331 : memref<1x128xi32, #tpu.memory_space<vmem>> -> memref<128xi32, #tpu.memory_space<vmem>>
        %dma_wait3A_333 = arith.constant 0 : i32
        %dma_wait3A_334 = arith.constant 0 : i32
        %dma_wait3A_335 = tpu.memref_slice %arg25[%dma_wait3A_333, %dma_wait3A_334] : memref<10240x8xf32, #tpu.memory_space<vmem_shared>> -> memref<10240x8xf32, #tpu.memory_space<vmem_shared>>
        tpu.wait_indirect_dma semaphore(%arg30 : memref<!tpu.dma_semaphore, #tpu.memory_space<semaphore_mem>>) src(%arg24 : memref<128x8xf32, #tpu.memory_space<vmem>>) dst(%dma_wait3A_335 : memref<10240x8xf32, #tpu.memory_space<vmem_shared>>)
      } else {
      }
      %dma_start3A_308 = arith.constant 0 : i32
      %dma_start3A_309 = tpu.memref_slice %arg7[%add3A_290, %dma_start3A_308] : memref<80x128xi32, #tpu.memory_space<vmem>> -> memref<1x128xi32, #tpu.memory_space<vmem>>
      %dma_start3A_310 = tpu.memref_squeeze %dma_start3A_309 : memref<1x128xi32, #tpu.memory_space<vmem>> -> memref<128xi32, #tpu.memory_space<vmem>>
      %dma_start3A_311 = arith.constant 0 : i32
      %dma_start3A_312 = arith.constant 0 : i32
      %dma_start3A_313 = tpu.memref_slice %arg25[%dma_start3A_311, %dma_start3A_312] : memref<10240x8xf32, #tpu.memory_space<vmem_shared>> -> memref<10240x8xf32, #tpu.memory_space<vmem_shared>>
      tpu.enqueue_indirect_dma source(%arg24 : memref<128x8xf32, #tpu.memory_space<vmem>>) target(%dma_start3A_313 : memref<10240x8xf32, #tpu.memory_space<vmem_shared>>) offsets(%dma_start3A_310 : memref<128xi32, #tpu.memory_space<vmem>>) semaphore(%arg30 : memref<!tpu.dma_semaphore, #tpu.memory_space<semaphore_mem>>) {add = true}
      %add3A_314 = arith.constant 5 : i32
      %add3A_315 = arith.addi %add3A_290, %add3A_314 : i32
      %sub3A_316 = arith.constant 1 : i32
      %sub3A_317 = arith.subi %add3A_315, %sub3A_316 : i32
      %ge3A_318 = arith.constant 1 : i32
      %ge3A_319 = arith.cmpi sge, %add3A_290, %ge3A_318 : i32
      %convert_element_type3A_320 = arith.extui %ge3A_319 : i1 to i32
      %cond3A_321 = arith.constant 0 : i32
      %cond3A_322 = arith.cmpi ne, %convert_element_type3A_320, %cond3A_321 : i32
      scf.if %cond3A_322 {
        %sub3A_328 = arith.constant 5 : i32
        %sub3A_329 = arith.subi %sub3A_317, %sub3A_328 : i32
        %dma_wait3A_330 = arith.constant 0 : i32
        %dma_wait3A_331 = tpu.memref_slice %arg7[%sub3A_329, %dma_wait3A_330] : memref<80x128xi32, #tpu.memory_space<vmem>> -> memref<1x128xi32, #tpu.memory_space<vmem>>
        %dma_wait3A_332 = tpu.memref_squeeze %dma_wait3A_331 : memref<1x128xi32, #tpu.memory_space<vmem>> -> memref<128xi32, #tpu.memory_space<vmem>>
        %dma_wait3A_333 = arith.constant 0 : i32
        %dma_wait3A_334 = arith.constant 0 : i32
        %dma_wait3A_335 = tpu.memref_slice %arg13[%dma_wait3A_333, %dma_wait3A_334] : memref<10240x64xf32, #tpu.memory_space<vmem_shared>> -> memref<10240x64xf32, #tpu.memory_space<vmem_shared>>
        tpu.wait_indirect_dma semaphore(%arg22 : memref<!tpu.dma_semaphore, #tpu.memory_space<semaphore_mem>>) src(%arg11 : memref<128x64xf32, #tpu.memory_space<vmem>>) dst(%dma_wait3A_335 : memref<10240x64xf32, #tpu.memory_space<vmem_shared>>)
      } else {
      }
      %lt3A_323 = arith.constant 80 : i32
      %lt3A_324 = arith.cmpi slt, %sub3A_317, %lt3A_323 : i32
      %convert_element_type3A_325 = arith.extui %lt3A_324 : i1 to i32
      %cond3A_326 = arith.constant 0 : i32
      %cond3A_327 = arith.cmpi ne, %convert_element_type3A_325, %cond3A_326 : i32
      scf.if %cond3A_327 {
        %dma_start3A_328 = arith.constant 0 : i32
        %dma_start3A_329 = tpu.memref_slice %arg6[%sub3A_317, %dma_start3A_328] : memref<80x128xi32, #tpu.memory_space<vmem>> -> memref<1x128xi32, #tpu.memory_space<vmem>>
        %dma_start3A_330 = tpu.memref_squeeze %dma_start3A_329 : memref<1x128xi32, #tpu.memory_space<vmem>> -> memref<128xi32, #tpu.memory_space<vmem>>
        %dma_start3A_331 = arith.constant 0 : i32
        %dma_start3A_332 = arith.constant 0 : i32
        %dma_start3A_333 = tpu.memref_slice %arg2[%dma_start3A_331, %dma_start3A_332] : memref<20480x64xf32, #tpu.memory_space<hbm>> -> memref<20480x64xf32, #tpu.memory_space<hbm>>
        tpu.enqueue_indirect_dma source(%dma_start3A_333 : memref<20480x64xf32, #tpu.memory_space<hbm>>) target(%arg11 : memref<128x64xf32, #tpu.memory_space<vmem>>) offsets(%dma_start3A_330 : memref<128xi32, #tpu.memory_space<vmem>>) semaphore(%arg17 : memref<!tpu.dma_semaphore, #tpu.memory_space<semaphore_mem>>)
      } else {
      }
    }
    %scan3A_78 = arith.constant 16 : i32
    %dma_wait3A = arith.constant 79 : i32
    %dma_wait3A_79 = arith.constant 0 : i32
    %dma_wait3A_80 = tpu.memref_slice %arg7[%dma_wait3A, %dma_wait3A_79] : memref<80x128xi32, #tpu.memory_space<vmem>> -> memref<1x128xi32, #tpu.memory_space<vmem>>
    %dma_wait3A_81 = tpu.memref_squeeze %dma_wait3A_80 : memref<1x128xi32, #tpu.memory_space<vmem>> -> memref<128xi32, #tpu.memory_space<vmem>>
    %dma_wait3A_82 = arith.constant 0 : i32
    %dma_wait3A_83 = arith.constant 0 : i32
    %dma_wait3A_84 = tpu.memref_slice %arg13[%dma_wait3A_82, %dma_wait3A_83] : memref<10240x64xf32, #tpu.memory_space<vmem_shared>> -> memref<10240x64xf32, #tpu.memory_space<vmem_shared>>
    tpu.wait_indirect_dma semaphore(%arg23 : memref<!tpu.dma_semaphore, #tpu.memory_space<semaphore_mem>>) src(%arg12 : memref<128x64xf32, #tpu.memory_space<vmem>>) dst(%dma_wait3A_84 : memref<10240x64xf32, #tpu.memory_space<vmem_shared>>)
    %dma_wait3A_85 = arith.constant 75 : i32
    %dma_wait3A_86 = arith.constant 0 : i32
    %dma_wait3A_87 = tpu.memref_slice %arg7[%dma_wait3A_85, %dma_wait3A_86] : memref<80x128xi32, #tpu.memory_space<vmem>> -> memref<1x128xi32, #tpu.memory_space<vmem>>
    %dma_wait3A_88 = tpu.memref_squeeze %dma_wait3A_87 : memref<1x128xi32, #tpu.memory_space<vmem>> -> memref<128xi32, #tpu.memory_space<vmem>>
    %dma_wait3A_89 = arith.constant 0 : i32
    %dma_wait3A_90 = arith.constant 0 : i32
    %dma_wait3A_91 = tpu.memref_slice %arg25[%dma_wait3A_89, %dma_wait3A_90] : memref<10240x8xf32, #tpu.memory_space<vmem_shared>> -> memref<10240x8xf32, #tpu.memory_space<vmem_shared>>
    tpu.wait_indirect_dma semaphore(%arg26 : memref<!tpu.dma_semaphore, #tpu.memory_space<semaphore_mem>>) src(%arg24 : memref<128x8xf32, #tpu.memory_space<vmem>>) dst(%dma_wait3A_91 : memref<10240x8xf32, #tpu.memory_space<vmem_shared>>)
    %dma_wait3A_92 = arith.constant 76 : i32
    %dma_wait3A_93 = arith.constant 0 : i32
    %dma_wait3A_94 = tpu.memref_slice %arg7[%dma_wait3A_92, %dma_wait3A_93] : memref<80x128xi32, #tpu.memory_space<vmem>> -> memref<1x128xi32, #tpu.memory_space<vmem>>
    %dma_wait3A_95 = tpu.memref_squeeze %dma_wait3A_94 : memref<1x128xi32, #tpu.memory_space<vmem>> -> memref<128xi32, #tpu.memory_space<vmem>>
    %dma_wait3A_96 = arith.constant 0 : i32
    %dma_wait3A_97 = arith.constant 0 : i32
    %dma_wait3A_98 = tpu.memref_slice %arg25[%dma_wait3A_96, %dma_wait3A_97] : memref<10240x8xf32, #tpu.memory_space<vmem_shared>> -> memref<10240x8xf32, #tpu.memory_space<vmem_shared>>
    tpu.wait_indirect_dma semaphore(%arg27 : memref<!tpu.dma_semaphore, #tpu.memory_space<semaphore_mem>>) src(%arg24 : memref<128x8xf32, #tpu.memory_space<vmem>>) dst(%dma_wait3A_98 : memref<10240x8xf32, #tpu.memory_space<vmem_shared>>)
    %dma_wait3A_99 = arith.constant 77 : i32
    %dma_wait3A_100 = arith.constant 0 : i32
    %dma_wait3A_101 = tpu.memref_slice %arg7[%dma_wait3A_99, %dma_wait3A_100] : memref<80x128xi32, #tpu.memory_space<vmem>> -> memref<1x128xi32, #tpu.memory_space<vmem>>
    %dma_wait3A_102 = tpu.memref_squeeze %dma_wait3A_101 : memref<1x128xi32, #tpu.memory_space<vmem>> -> memref<128xi32, #tpu.memory_space<vmem>>
    %dma_wait3A_103 = arith.constant 0 : i32
    %dma_wait3A_104 = arith.constant 0 : i32
    %dma_wait3A_105 = tpu.memref_slice %arg25[%dma_wait3A_103, %dma_wait3A_104] : memref<10240x8xf32, #tpu.memory_space<vmem_shared>> -> memref<10240x8xf32, #tpu.memory_space<vmem_shared>>
    tpu.wait_indirect_dma semaphore(%arg28 : memref<!tpu.dma_semaphore, #tpu.memory_space<semaphore_mem>>) src(%arg24 : memref<128x8xf32, #tpu.memory_space<vmem>>) dst(%dma_wait3A_105 : memref<10240x8xf32, #tpu.memory_space<vmem_shared>>)
    %dma_wait3A_106 = arith.constant 78 : i32
    %dma_wait3A_107 = arith.constant 0 : i32
    %dma_wait3A_108 = tpu.memref_slice %arg7[%dma_wait3A_106, %dma_wait3A_107] : memref<80x128xi32, #tpu.memory_space<vmem>> -> memref<1x128xi32, #tpu.memory_space<vmem>>
    %dma_wait3A_109 = tpu.memref_squeeze %dma_wait3A_108 : memref<1x128xi32, #tpu.memory_space<vmem>> -> memref<128xi32, #tpu.memory_space<vmem>>
    %dma_wait3A_110 = arith.constant 0 : i32
    %dma_wait3A_111 = arith.constant 0 : i32
    %dma_wait3A_112 = tpu.memref_slice %arg25[%dma_wait3A_110, %dma_wait3A_111] : memref<10240x8xf32, #tpu.memory_space<vmem_shared>> -> memref<10240x8xf32, #tpu.memory_space<vmem_shared>>
    tpu.wait_indirect_dma semaphore(%arg29 : memref<!tpu.dma_semaphore, #tpu.memory_space<semaphore_mem>>) src(%arg24 : memref<128x8xf32, #tpu.memory_space<vmem>>) dst(%dma_wait3A_112 : memref<10240x8xf32, #tpu.memory_space<vmem_shared>>)
    %dma_wait3A_113 = arith.constant 79 : i32
    %dma_wait3A_114 = arith.constant 0 : i32
    %dma_wait3A_115 = tpu.memref_slice %arg7[%dma_wait3A_113, %dma_wait3A_114] : memref<80x128xi32, #tpu.memory_space<vmem>> -> memref<1x128xi32, #tpu.memory_space<vmem>>
    %dma_wait3A_116 = tpu.memref_squeeze %dma_wait3A_115 : memref<1x128xi32, #tpu.memory_space<vmem>> -> memref<128xi32, #tpu.memory_space<vmem>>
    %dma_wait3A_117 = arith.constant 0 : i32
    %dma_wait3A_118 = arith.constant 0 : i32
    %dma_wait3A_119 = tpu.memref_slice %arg25[%dma_wait3A_117, %dma_wait3A_118] : memref<10240x8xf32, #tpu.memory_space<vmem_shared>> -> memref<10240x8xf32, #tpu.memory_space<vmem_shared>>
    tpu.wait_indirect_dma semaphore(%arg30 : memref<!tpu.dma_semaphore, #tpu.memory_space<semaphore_mem>>) src(%arg24 : memref<128x8xf32, #tpu.memory_space<vmem>>) dst(%dma_wait3A_119 : memref<10240x8xf32, #tpu.memory_space<vmem_shared>>)
    %barrier3A_120 = arith.constant 0 : index
    tpu.barrier barrier_id(%barrier3A_120)
    %mul3A_121 = arith.constant 64 : i32
    %mul3A_122 = arith.muli %arg0, %mul3A_121 : i32
    "tpu.region"() ({
      %run_scoped3A_125 = tpu.sem_alloc : memref<!tpu.dma_semaphore, #tpu.memory_space<semaphore_mem>>
      %dma_start3A_126 = tpu.memref_slice %arg4[%mul3A_0, %mul3A_122] : memref<10240x128xf32, #tpu.memory_space<hbm>> -> memref<640x64xf32, #tpu.memory_space<hbm>>
      %dma_start3A_127 = arith.constant 0 : i32
      %dma_start3A_128 = tpu.memref_slice %arg13[%mul3A_0, %dma_start3A_127] : memref<10240x64xf32, #tpu.memory_space<vmem_shared>> -> memref<640x64xf32, #tpu.memory_space<vmem_shared>>
      tpu.enqueue_dma source(%dma_start3A_128 : memref<640x64xf32, #tpu.memory_space<vmem_shared>>) target(%dma_start3A_126 : memref<640x64xf32, #tpu.memory_space<hbm>>) target_semaphore(%run_scoped3A_125 : memref<!tpu.dma_semaphore, #tpu.memory_space<semaphore_mem>>)
      %dma_wait3A_129 = tpu.memref_slice %arg4[%mul3A_0, %mul3A_122] : memref<10240x128xf32, #tpu.memory_space<hbm>> -> memref<640x64xf32, #tpu.memory_space<hbm>>
      %dma_wait3A_130 = arith.constant 0 : i32
      %dma_wait3A_131 = tpu.memref_slice %arg13[%mul3A_0, %dma_wait3A_130] : memref<10240x64xf32, #tpu.memory_space<vmem_shared>> -> memref<640x64xf32, #tpu.memory_space<vmem_shared>>
      tpu.wait_dma2 semaphore(%run_scoped3A_125 : memref<!tpu.dma_semaphore, #tpu.memory_space<semaphore_mem>>) src(%dma_wait3A_131 : memref<640x64xf32, #tpu.memory_space<vmem_shared>>) dst(%dma_wait3A_129 : memref<640x64xf32, #tpu.memory_space<hbm>>)
      tpu.yield
    }) : () -> ()
    %eq3A = arith.constant 0 : i32
    %eq3A_123 = arith.cmpi eq, %arg0, %eq3A : i32
    %convert_element_type3A = arith.extui %eq3A_123 : i1 to i32
    %cond3A = arith.constant 0 : i32
    %cond3A_124 = arith.cmpi ne, %convert_element_type3A, %cond3A : i32
    scf.if %cond3A_124 {
      "tpu.region"() ({
        %run_scoped3A_125 = tpu.sem_alloc : memref<!tpu.dma_semaphore, #tpu.memory_space<semaphore_mem>>
        %dma_start3A_126 = arith.constant 0 : i32
        %dma_start3A_127 = tpu.memref_slice %arg5[%mul3A_0, %dma_start3A_126] : memref<10240x128xf32, #tpu.memory_space<hbm>> -> memref<640x8xf32, #tpu.memory_space<hbm>>
        %dma_start3A_128 = arith.constant 0 : i32
        %dma_start3A_129 = tpu.memref_slice %arg25[%mul3A_0, %dma_start3A_128] : memref<10240x8xf32, #tpu.memory_space<vmem_shared>> -> memref<640x8xf32, #tpu.memory_space<vmem_shared>>
        tpu.enqueue_dma source(%dma_start3A_129 : memref<640x8xf32, #tpu.memory_space<vmem_shared>>) target(%dma_start3A_127 : memref<640x8xf32, #tpu.memory_space<hbm>>) target_semaphore(%run_scoped3A_125 : memref<!tpu.dma_semaphore, #tpu.memory_space<semaphore_mem>>)
        %dma_wait3A_130 = arith.constant 0 : i32
        %dma_wait3A_131 = tpu.memref_slice %arg5[%mul3A_0, %dma_wait3A_130] : memref<10240x128xf32, #tpu.memory_space<hbm>> -> memref<640x8xf32, #tpu.memory_space<hbm>>
        %dma_wait3A_132 = arith.constant 0 : i32
        %dma_wait3A_133 = tpu.memref_slice %arg25[%mul3A_0, %dma_wait3A_132] : memref<10240x8xf32, #tpu.memory_space<vmem_shared>> -> memref<640x8xf32, #tpu.memory_space<vmem_shared>>
        tpu.wait_dma2 semaphore(%run_scoped3A_125 : memref<!tpu.dma_semaphore, #tpu.memory_space<semaphore_mem>>) src(%dma_wait3A_133 : memref<640x8xf32, #tpu.memory_space<vmem_shared>>) dst(%dma_wait3A_131 : memref<640x8xf32, #tpu.memory_space<hbm>>)
        tpu.yield
      }) : () -> ()
    } else {
    }
    return
  }
}

module attributes {stable_mosaic.version = 14 : i64} {
  func.func @_proj1_body(%arg0: i32, %arg1: memref<2048x256xf32, #tpu.memory_space<vmem>>, %arg2: memref<256x256xf32, #tpu.memory_space<vmem>>, %arg3: memref<2048x128xf32, #tpu.memory_space<vmem>>, %arg4: memref<2048x128xf32, #tpu.memory_space<vmem>>) attributes {dimension_semantics = [#tpu.dimension_semantics<arbitrary>], iteration_bounds = array<i64: 5>, scalar_prefetch = 0 : i64, scratch_operands = 0 : i64, tpu.core_type = #tpu.core_type<tc>, window_params = [{transform_indices = @transform_0, window_bounds = array<i64: 2048, 256>}, {pipeline_mode = #tpu.pipeline_mode<synchronous>, transform_indices = @transform_1, window_bounds = array<i64: 256, 256>}, {transform_indices = @transform_2, window_bounds = array<i64: 2048, 128>}, {transform_indices = @transform_3, window_bounds = array<i64: 2048, 128>}]} {
    %get3A = arith.constant 0 : index
    %get3A_0 = arith.constant 0 : index
    %get3A_1 = vector.load %arg2[%get3A, %get3A_0] : memref<256x256xf32, #tpu.memory_space<vmem>>, vector<256x256xf32>
    %convert_element_type3A = arith.truncf %get3A_1 : vector<256x256xf32> to vector<256x256xbf16>
    %get3A_2 = arith.constant 0 : index
    %get3A_3 = arith.constant 0 : index
    %get3A_4 = vector.load %arg1[%get3A_2, %get3A_3] : memref<2048x256xf32, #tpu.memory_space<vmem>>, vector<2048x256xf32>
    %convert_element_type3A_5 = arith.truncf %get3A_4 : vector<2048x256xf32> to vector<2048x256xbf16>
    %slice3A = vector.extract_strided_slice %convert_element_type3A {offsets = [0, 0], sizes = [256, 128], strides = [1, 1]} : vector<256x256xbf16> to vector<256x128xbf16>
    %dot_general3A = arith.constant dense<0.000000e+00> : vector<2048x128xf32>
    %dot_general3A_6 = tpu.matmul %convert_element_type3A_5, %slice3A, %dot_general3A {dimension_numbers = #tpu.dot_dimension_numbers<[1], [0], [0], [1], [0, 0, 1, 1], [], []>, transpose_lhs_hint = false} : vector<2048x256xbf16>, vector<256x128xbf16>, vector<2048x128xf32> -> vector<2048x128xf32>
    %swap3A = arith.constant 0 : index
    %swap3A_7 = arith.constant 0 : index
    %swap3A_8 = vector.load %arg3[%swap3A, %swap3A_7] : memref<2048x128xf32, #tpu.memory_space<vmem>>, vector<2048x128xf32>
    tpu.vector_store %arg3[%swap3A, %swap3A_7], %dot_general3A_6 {strides = array<i32>} : memref<2048x128xf32, #tpu.memory_space<vmem>>, vector<2048x128xf32>,
    %slice3A_9 = vector.extract_strided_slice %convert_element_type3A {offsets = [0, 128], sizes = [256, 128], strides = [1, 1]} : vector<256x256xbf16> to vector<256x128xbf16>
    %dot_general3A_10 = arith.constant dense<0.000000e+00> : vector<2048x128xf32>
    %dot_general3A_11 = tpu.matmul %convert_element_type3A_5, %slice3A_9, %dot_general3A_10 {dimension_numbers = #tpu.dot_dimension_numbers<[1], [0], [0], [1], [0, 0, 1, 1], [], []>, transpose_lhs_hint = false} : vector<2048x256xbf16>, vector<256x128xbf16>, vector<2048x128xf32> -> vector<2048x128xf32>
    %swap3A_12 = arith.constant 0 : index
    %swap3A_13 = arith.constant 0 : index
    %swap3A_14 = vector.load %arg4[%swap3A_12, %swap3A_13] : memref<2048x128xf32, #tpu.memory_space<vmem>>, vector<2048x128xf32>
    tpu.vector_store %arg4[%swap3A_12, %swap3A_13], %dot_general3A_11 {strides = array<i32>} : memref<2048x128xf32, #tpu.memory_space<vmem>>, vector<2048x128xf32>,
    return
  }
  func.func @transform_0(%arg0: i32) -> (i32, i32) {
    %c0_i32 = arith.constant 0 : i32
    %c0_i32_0 = arith.constant 0 : i32
    return %arg0, %c0_i32 : i32, i32
  }
  func.func @transform_1(%arg0: i32) -> (i32, i32) {
    %c0_i32 = arith.constant 0 : i32
    %c0_i32_0 = arith.constant 0 : i32
    %c0_i32_1 = arith.constant 0 : i32
    return %c0_i32, %c0_i32_0 : i32, i32
  }
  func.func @transform_2(%arg0: i32) -> (i32, i32) {
    %c0_i32 = arith.constant 0 : i32
    %c0_i32_0 = arith.constant 0 : i32
    return %arg0, %c0_i32 : i32, i32
  }
  func.func @transform_3(%arg0: i32) -> (i32, i32) {
    %c0_i32 = arith.constant 0 : i32
    %c0_i32_0 = arith.constant 0 : i32
    return %arg0, %c0_i32 : i32, i32
  }
}

module attributes {stable_mosaic.version = 14 : i64} {
  func.func @_mid_body(%arg0: i32, %arg1: memref<2048x128xf32, #tpu.memory_space<vmem>>, %arg2: memref<2048x128xf32, #tpu.memory_space<vmem>>, %arg3: memref<2048x128xf32, #tpu.memory_space<vmem>>, %arg4: memref<1x128xf32, #tpu.memory_space<vmem>>, %arg5: memref<128x128xf32, #tpu.memory_space<vmem>>, %arg6: memref<2048x128xf32, #tpu.memory_space<vmem>>) attributes {dimension_semantics = [#tpu.dimension_semantics<arbitrary>], iteration_bounds = array<i64: 5>, scalar_prefetch = 0 : i64, scratch_operands = 0 : i64, tpu.core_type = #tpu.core_type<tc>, window_params = [{transform_indices = @transform_0, window_bounds = array<i64: 2048, 128>}, {transform_indices = @transform_1, window_bounds = array<i64: 2048, 128>}, {transform_indices = @transform_2, window_bounds = array<i64: 2048, 128>}, {pipeline_mode = #tpu.pipeline_mode<synchronous>, transform_indices = @transform_3, window_bounds = array<i64: 1, 128>}, {pipeline_mode = #tpu.pipeline_mode<synchronous>, transform_indices = @transform_4, window_bounds = array<i64: 128, 128>}, {transform_indices = @transform_5, window_bounds = array<i64: 2048, 128>}]} {
    %get3A = arith.constant 0 : index
    %get3A_0 = arith.constant 0 : index
    %get3A_1 = vector.load %arg2[%get3A, %get3A_0] : memref<2048x128xf32, #tpu.memory_space<vmem>>, vector<2048x1xf32>
    %max3A = arith.constant 1.000000e+00 : f32
    %max3A_2 = vector.broadcast %max3A : f32 to vector<2048x1xf32>
    %max3A_3 = arith.maximumf %get3A_1, %max3A_2 : vector<2048x1xf32>
    %div3A = arith.constant 1.000000e+00 : f32
    %div3A_4 = vector.broadcast %div3A : f32 to vector<2048x1xf32>
    %div3A_5 = arith.divf %div3A_4, %max3A_3 : vector<2048x1xf32>
    %get3A_6 = arith.constant 0 : index
    %get3A_7 = arith.constant 0 : index
    %get3A_8 = vector.load %arg1[%get3A_6, %get3A_7] : memref<2048x128xf32, #tpu.memory_space<vmem>>, vector<2048x128xf32>
    %mul3A = vector.broadcast %div3A_5 : vector<2048x1xf32> to vector<2048x128xf32>
    %mul3A_9 = arith.mulf %get3A_8, %mul3A : vector<2048x128xf32>
    %get3A_10 = arith.constant 0 : index
    %get3A_11 = arith.constant 0 : index
    %get3A_12 = vector.load %arg3[%get3A_10, %get3A_11] : memref<2048x128xf32, #tpu.memory_space<vmem>>, vector<2048x128xf32>
    %add3A = arith.addf %mul3A_9, %get3A_12 : vector<2048x128xf32>
    %get3A_13 = arith.constant 0 : index
    %get3A_14 = arith.constant 0 : index
    %get3A_15 = vector.load %arg4[%get3A_13, %get3A_14] : memref<1x128xf32, #tpu.memory_space<vmem>>, vector<1x128xf32>
    %add3A_16 = vector.broadcast %get3A_15 : vector<1x128xf32> to vector<2048x128xf32>
    %add3A_17 = arith.addf %add3A, %add3A_16 : vector<2048x128xf32>
    %max3A_18 = arith.constant 0.000000e+00 : f32
    %max3A_19 = vector.broadcast %max3A_18 : f32 to vector<2048x128xf32>
    %max3A_20 = arith.maximumf %add3A_17, %max3A_19 : vector<2048x128xf32>
    %convert_element_type3A = arith.truncf %max3A_20 : vector<2048x128xf32> to vector<2048x128xbf16>
    %get3A_21 = arith.constant 0 : index
    %get3A_22 = arith.constant 0 : index
    %get3A_23 = vector.load %arg5[%get3A_21, %get3A_22] : memref<128x128xf32, #tpu.memory_space<vmem>>, vector<128x128xf32>
    %convert_element_type3A_24 = arith.truncf %get3A_23 : vector<128x128xf32> to vector<128x128xbf16>
    %dot_general3A = arith.constant dense<0.000000e+00> : vector<2048x128xf32>
    %dot_general3A_25 = tpu.matmul %convert_element_type3A, %convert_element_type3A_24, %dot_general3A {dimension_numbers = #tpu.dot_dimension_numbers<[1], [0], [0], [1], [0, 0, 1, 1], [], []>, transpose_lhs_hint = false} : vector<2048x128xbf16>, vector<128x128xbf16>, vector<2048x128xf32> -> vector<2048x128xf32>
    %swap3A = arith.constant 0 : index
    %swap3A_26 = arith.constant 0 : index
    %swap3A_27 = vector.load %arg6[%swap3A, %swap3A_26] : memref<2048x128xf32, #tpu.memory_space<vmem>>, vector<2048x128xf32>
    tpu.vector_store %arg6[%swap3A, %swap3A_26], %dot_general3A_25 {strides = array<i32>} : memref<2048x128xf32, #tpu.memory_space<vmem>>, vector<2048x128xf32>,
    return
  }
  func.func @transform_0(%arg0: i32) -> (i32, i32) {
    %c0_i32 = arith.constant 0 : i32
    %c0_i32_0 = arith.constant 0 : i32
    return %arg0, %c0_i32 : i32, i32
  }
  func.func @transform_1(%arg0: i32) -> (i32, i32) {
    %c0_i32 = arith.constant 0 : i32
    %c0_i32_0 = arith.constant 0 : i32
    return %arg0, %c0_i32 : i32, i32
  }
  func.func @transform_2(%arg0: i32) -> (i32, i32) {
    %c0_i32 = arith.constant 0 : i32
    %c0_i32_0 = arith.constant 0 : i32
    return %arg0, %c0_i32 : i32, i32
  }
  func.func @transform_3(%arg0: i32) -> (i32, i32) {
    %c0_i32 = arith.constant 0 : i32
    %c0_i32_0 = arith.constant 0 : i32
    %c0_i32_1 = arith.constant 0 : i32
    return %c0_i32, %c0_i32_0 : i32, i32
  }
  func.func @transform_4(%arg0: i32) -> (i32, i32) {
    %c0_i32 = arith.constant 0 : i32
    %c0_i32_0 = arith.constant 0 : i32
    %c0_i32_1 = arith.constant 0 : i32
    return %c0_i32, %c0_i32_0 : i32, i32
  }
  func.func @transform_5(%arg0: i32) -> (i32, i32) {
    %c0_i32 = arith.constant 0 : i32
    %c0_i32_0 = arith.constant 0 : i32
    return %arg0, %c0_i32 : i32, i32
  }
}

module attributes {stable_mosaic.version = 14 : i64} {
  func.func @_out_body(%arg0: i32, %arg1: memref<2048x128xf32, #tpu.memory_space<vmem>>, %arg2: memref<2048x128xf32, #tpu.memory_space<vmem>>, %arg3: memref<2048x128xf32, #tpu.memory_space<vmem>>, %arg4: memref<1x64xf32, #tpu.memory_space<vmem>>, %arg5: memref<2048x64xf32, #tpu.memory_space<vmem>>) attributes {dimension_semantics = [#tpu.dimension_semantics<arbitrary>], iteration_bounds = array<i64: 5>, scalar_prefetch = 0 : i64, scratch_operands = 0 : i64, tpu.core_type = #tpu.core_type<tc>, window_params = [{transform_indices = @transform_0, window_bounds = array<i64: 2048, 128>}, {transform_indices = @transform_1, window_bounds = array<i64: 2048, 128>}, {transform_indices = @transform_2, window_bounds = array<i64: 2048, 128>}, {pipeline_mode = #tpu.pipeline_mode<synchronous>, transform_indices = @transform_3, window_bounds = array<i64: 1, 64>}, {transform_indices = @transform_4, window_bounds = array<i64: 2048, 64>}]} {
    %get3A = arith.constant 0 : index
    %get3A_0 = arith.constant 0 : index
    %get3A_1 = vector.load %arg2[%get3A, %get3A_0] : memref<2048x128xf32, #tpu.memory_space<vmem>>, vector<2048x1xf32>
    %max3A = arith.constant 1.000000e+00 : f32
    %max3A_2 = vector.broadcast %max3A : f32 to vector<2048x1xf32>
    %max3A_3 = arith.maximumf %get3A_1, %max3A_2 : vector<2048x1xf32>
    %div3A = arith.constant 1.000000e+00 : f32
    %div3A_4 = vector.broadcast %div3A : f32 to vector<2048x1xf32>
    %div3A_5 = arith.divf %div3A_4, %max3A_3 : vector<2048x1xf32>
    %get3A_6 = arith.constant 0 : index
    %get3A_7 = arith.constant 0 : index
    %get3A_8 = vector.load %arg1[%get3A_6, %get3A_7] : memref<2048x128xf32, #tpu.memory_space<vmem>>, vector<2048x64xf32>
    %get3A_9 = arith.constant 0 : index
    %get3A_10 = arith.constant 64 : index
    %get3A_11 = vector.load %arg1[%get3A_9, %get3A_10] : memref<2048x128xf32, #tpu.memory_space<vmem>>, vector<2048x64xf32>
    %add3A = arith.addf %get3A_8, %get3A_11 : vector<2048x64xf32>
    %mul3A = vector.broadcast %div3A_5 : vector<2048x1xf32> to vector<2048x64xf32>
    %mul3A_12 = arith.mulf %add3A, %mul3A : vector<2048x64xf32>
    %get3A_13 = arith.constant 0 : index
    %get3A_14 = arith.constant 64 : index
    %get3A_15 = vector.load %arg3[%get3A_13, %get3A_14] : memref<2048x128xf32, #tpu.memory_space<vmem>>, vector<2048x64xf32>
    %add3A_16 = arith.addf %mul3A_12, %get3A_15 : vector<2048x64xf32>
    %get3A_17 = arith.constant 0 : index
    %get3A_18 = arith.constant 0 : index
    %get3A_19 = vector.load %arg4[%get3A_17, %get3A_18] : memref<1x64xf32, #tpu.memory_space<vmem>>, vector<1x64xf32>
    %add3A_20 = vector.broadcast %get3A_19 : vector<1x64xf32> to vector<2048x64xf32>
    %add3A_21 = arith.addf %add3A_16, %add3A_20 : vector<2048x64xf32>
    %reduce_max3A = arith.constant dense<0xFF800000> : vector<2048xf32>
    %reduce_max3A_22 = vector.multi_reduction <maximumf>, %add3A_21, %reduce_max3A [1] : vector<2048x64xf32> to vector<2048xf32>
    %broadcast_in_dim3A = vector.shape_cast %reduce_max3A_22 : vector<2048xf32> to vector<2048x1xf32>
    %sub3A = vector.broadcast %broadcast_in_dim3A : vector<2048x1xf32> to vector<2048x64xf32>
    %sub3A_23 = arith.subf %add3A_21, %sub3A : vector<2048x64xf32>
    %exp3A = math.exp %sub3A_23 : vector<2048x64xf32>
    %reduce_sum3A = arith.constant dense<0.000000e+00> : vector<2048xf32>
    %reduce_sum3A_24 = vector.multi_reduction <add>, %exp3A, %reduce_sum3A [1] : vector<2048x64xf32> to vector<2048xf32>
    %broadcast_in_dim3A_25 = vector.shape_cast %reduce_sum3A_24 : vector<2048xf32> to vector<2048x1xf32>
    %log3A = math.log %broadcast_in_dim3A_25 : vector<2048x1xf32>
    %add3A_26 = arith.addf %broadcast_in_dim3A, %log3A : vector<2048x1xf32>
    %sub3A_27 = vector.broadcast %add3A_26 : vector<2048x1xf32> to vector<2048x64xf32>
    %sub3A_28 = arith.subf %add3A_21, %sub3A_27 : vector<2048x64xf32>
    %swap3A = arith.constant 0 : index
    %swap3A_29 = arith.constant 0 : index
    %swap3A_30 = vector.load %arg5[%swap3A, %swap3A_29] : memref<2048x64xf32, #tpu.memory_space<vmem>>, vector<2048x64xf32>
    tpu.vector_store %arg5[%swap3A, %swap3A_29], %sub3A_28 {strides = array<i32>} : memref<2048x64xf32, #tpu.memory_space<vmem>>, vector<2048x64xf32>,
    return
  }
  func.func @transform_0(%arg0: i32) -> (i32, i32) {
    %c0_i32 = arith.constant 0 : i32
    %c0_i32_0 = arith.constant 0 : i32
    return %arg0, %c0_i32 : i32, i32
  }
  func.func @transform_1(%arg0: i32) -> (i32, i32) {
    %c0_i32 = arith.constant 0 : i32
    %c0_i32_0 = arith.constant 0 : i32
    return %arg0, %c0_i32 : i32, i32
  }
  func.func @transform_2(%arg0: i32) -> (i32, i32) {
    %c0_i32 = arith.constant 0 : i32
    %c0_i32_0 = arith.constant 0 : i32
    return %arg0, %c0_i32 : i32, i32
  }
  func.func @transform_3(%arg0: i32) -> (i32, i32) {
    %c0_i32 = arith.constant 0 : i32
    %c0_i32_0 = arith.constant 0 : i32
    %c0_i32_1 = arith.constant 0 : i32
    return %c0_i32, %c0_i32_0 : i32, i32
  }
  func.func @transform_4(%arg0: i32) -> (i32, i32) {
    %c0_i32 = arith.constant 0 : i32
    %c0_i32_0 = arith.constant 0 : i32
    return %arg0, %c0_i32 : i32, i32
  }
}

</mosaic_0001>

<sc_bundles>
// kernel: kernel.10.cloned.1.call-start
scs
__scs_entry_jumppad:
0x0: {  	(pc) =	sbr.rel $0x88, $3  }
0x1: {  	(tag) =	ssettag $0x0;
	lr =	simm.s32 $0x1  }
0x2: {  	[smem:$0x3F99] =	sst lr;
	_ =	strace $0xD0000000  }
0x3: {  	_ = 	snop  }
0x4: {  	_ = 	snop  }
0x5: {  	_ = 	snop  }
0x6: {  	_ = 	snop  }
0x7: {  	_ = 	snop  }
__scs_overlays_trampoline_lowered:
0x8: {  	[smem:$0x3FA8] =	sst s0  }
0x9: {  	[smem:$0x3FA9] =	sst s1  }
0xa: {  	[smem:$0x3FAA] =	sst s2  }
0xb: {  	[smem:$0x3FAB] =	sst s3  }
0xc: {  	[smem:$0x3FAC] =	sst s4  }
0xd: {  	[smem:$0x3FAD] =	sst s5  }
0xe: {  	[smem:$0x3FAE] =	sst s6  }
0xf: {  	[smem:$0x3FAF] =	sst s7  }
0x10: {  	[smem:$0x3FB0] =	sst s8  }
0x11: {  	[smem:$0x3FB1] =	sst s9;
	s0 =	simm.s32 @!p0 $0x0  }
0x12: {  	s1 =	sld [smem:$0x3F97];
	s0 =	simm.s32 @p0 $0x1  }
0x13: {  	[smem:$0x3FB2] =	sst s0;
	s0 =	simm.s32 @!p1 $0x0  }
0x14: {  	s2 =	sld [smem:$0x3F96];
	s0 =	simm.s32 @p1 $0x1  }
0x15: {  	[smem:$0x3FB3] =	sst s0;
	s0 =	simm.s32 @!p2 $0x0  }
0x16: {  	s3 =	sld [smem:$0x3FDB];
	s0 =	simm.s32 @p2 $0x1  }
0x17: {  	s4 =	simm.s32 $0x1BF5;
	[smem:$0x3FB5] =	sst s0  }
0x18: {  	s0 =	sld [smem:$0x3F98];
	_ =	swait.ge [sflag:s4], $0x0  }
0x19: {  	s7 =	sld [smem:$0x3F99]  }
0x1a: {  	s8 =	sadd.s32 $0xFFFFE003, lr  }
0x1b: {  	s9 =	sadd.s32 $0xFFFFFEF7, lr;
	s5 =	simm.s32 $0xFFFFFFFF;
	p2 =	slt.u32 s8, $0xFFFFF086  }
0x1c: {  	p1 =	slt.u32 s9, $0xF7A;
	s5 =	simm.s32 @!p2 $0x0  }
0x1d: {  	s5 =	simm.s32 @p1 $0x1;
	p0 =	seq.s32 s7, s2  }
0x1e: {  	s7 =	smul.u32 @!p0 $0xF7A, s2;
	p2 =	seq.s32 @!p0 s5, $0x0  }
0x1f: {  	s9 =	smul.u32 $0xF7A, s1;
	s8 =	simm.s32 @!p0 $0x1BF5;
	p2 =	por !p2, p0  }
0x20: {  	[sflag:s8] =	ssyncset.s32 @!p0 $0xFFFFF086;
	s6 =	sadd.s32 @!p0 s3, s7;
	s7 =	simm.s32 @!p0 $0x108  }
0x21: {  	s3 =	sadd.s32 s3, s9;
	s6 =	sadd.s32 @!p0 $0x88, s6;
	s7 =	simm.s32 @p2 $0x1082  }
0x22: {  	[simem:s7], [sflag:s8] =	dma.local @!p0 [hbm:s6], $0xF7A  }
0x23: {  	s9 =	sor.u32 $0xD0000000, s2;
	s6 =	simm.s32 $0x108;
	_ =	swait.ge @!p0 [sflag:s8], $0x0  }
0x24: {  	s3 =	sadd.s32 $0x88, s3;
	s6 =	simm.s32 @!p1 $0x1082;
	[sflag:s4] =	ssyncset.s32 $0xFFFFF086  }
0x25: {  	[simem:s6], [sflag:s4] =	dma.local [hbm:s3], $0xF7A  }
0x26: {  	[smem:$0x3F99] =	sst s1;
	(tag) =	ssettag s2;
	_ =	strace s9  }
0x27: {  	s1 =	sld [smem:$0x3FA9]  }
0x28: {  	s2 =	sld [smem:$0x3FAA]  }
0x29: {  	s4 =	sld [smem:$0x3FAC]  }
0x2a: {  	p0 =	seq.s32 s5, $0x0;
	s5 =	sld [smem:$0x3FAD]  }
0x2b: {  	s6 =	sld [smem:$0x3FAE]  }
0x2c: {  	s7 =	sld [smem:$0x3FAF]  }
0x2d: {  	s3 =	simm.s32 $0x108;
	s8 =	sld [smem:$0x3FB0]  }
0x2e: {  	s3 =	simm.s32 @!p0 $0x1082;
	s9 =	sld [smem:$0x3FB1]  }
0x2f: {  	lr =	sadd.s32 s0, s3;
	s0 =	sld [smem:$0x3FA8]  }
0x30: {  	s3 =	sld [smem:$0x3FAB]  }
0x31: {  	[smem:$0x3FB4] =	sst s10  }
0x32: {  	s10 =	sld [smem:$0x3FB2];
	_ =	sdelay $0x3  }
0x33: {  	p0 =	seq.s32 s10, $0x1;
	s10 =	sld [smem:$0x3FB4];
	_ =	sdelay $0x3  }
0x34: {  	[smem:$0x3FB4] =	sst s10  }
0x35: {  	s10 =	sld [smem:$0x3FB3];
	_ =	sdelay $0x3  }
0x36: {  	p1 =	seq.s32 s10, $0x1;
	s10 =	sld [smem:$0x3FB4];
	_ =	sdelay $0x3  }
0x37: {  	[smem:$0x3FB4] =	sst s10  }
0x38: {  	s10 =	sld [smem:$0x3FB5]  }
0x39: {  	_ = 	snop;
	(pc) =	sbr.ind lr, $3  }
0x3a: {  	_ = 	snop  }
0x3b: {  	_ = 	snop  }
0x3c: {  	p2 =	seq.s32 s10, $0x1;
	s10 =	sld [smem:$0x3FB4]  }
0x3d: {  	_ =	shalt  }
0x3e: {  	_ =	shalt  }
0x3f: {  	_ =	shalt  }
0x40: {  	_ =	shalt  }
0x41: {  	_ =	shalt  }
0x42: {  	_ =	shalt  }
0x43: {  	_ =	shalt  }
0x44: {  	_ =	shalt  }
0x45: {  	_ =	shalt  }
0x46: {  	_ =	shalt  }
0x47: {  	_ =	shalt  }
0x48: {  	_ =	shalt  }
0x49: {  	_ =	shalt  }
0x4a: {  	_ =	shalt  }
0x4b: {  	_ =	shalt  }
0x4c: {  	_ =	shalt  }
0x4d: {  	_ =	shalt  }
0x4e: {  	_ =	shalt  }
0x4f: {  	_ =	shalt  }
0x50: {  	_ =	shalt  }
0x51: {  	_ =	shalt  }
0x52: {  	_ =	shalt  }
0x53: {  	_ =	shalt  }
0x54: {  	_ =	shalt  }
0x55: {  	_ =	shalt  }
0x56: {  	_ =	shalt  }
0x57: {  	_ =	shalt  }
0x58: {  	_ =	shalt  }
0x59: {  	_ =	shalt  }
0x5a: {  	_ =	shalt  }
0x5b: {  	_ =	shalt  }
0x5c: {  	_ =	shalt  }
0x5d: {  	_ =	shalt  }
0x5e: {  	_ =	shalt  }
0x5f: {  	_ =	shalt  }
0x60: {  	_ =	shalt  }
0x61: {  	_ =	shalt  }
0x62: {  	_ =	shalt  }
0x63: {  	_ =	shalt  }
0x64: {  	_ =	shalt  }
0x65: {  	_ =	shalt  }
0x66: {  	_ =	shalt  }
0x67: {  	_ =	shalt  }
0x68: {  	_ =	shalt  }
0x69: {  	_ =	shalt  }
0x6a: {  	_ =	shalt  }
0x6b: {  	_ =	shalt  }
0x6c: {  	_ =	shalt  }
0x6d: {  	_ =	shalt  }
0x6e: {  	_ =	shalt  }
0x6f: {  	_ =	shalt  }
0x70: {  	_ =	shalt  }
0x71: {  	_ =	shalt  }
0x72: {  	_ =	shalt  }
0x73: {  	_ =	shalt  }
0x74: {  	_ =	shalt  }
0x75: {  	_ =	shalt  }
0x76: {  	_ =	shalt  }
0x77: {  	_ =	shalt  }
0x78: {  	_ =	shalt  }
0x79: {  	_ =	shalt  }
0x7a: {  	_ =	shalt  }
0x7b: {  	_ =	shalt  }
0x7c: {  	_ =	shalt  }
0x7d: {  	_ =	shalt  }
0x7e: {  	_ =	shalt  }
0x7f: {  	_ =	shalt  }
0x80: {  	_ =	shalt  }
0x81: {  	_ =	shalt  }
0x82: {  	_ =	shalt  }
0x83: {  	_ =	shalt  }
0x84: {  	_ =	shalt  }
0x85: {  	_ =	shalt  }
0x86: {  	_ =	shalt  }
0x87: {  	_ =	shalt  }
.Lfunc_end0:
.L_simem_size_0:
called_computation.1_lowered:
.L_overlay_start_0:
0x88: {  	s2 =	sld [smem:$0x3FD9]  }
0x89: {  	s3 =	sld [smem:$0x3FFE];
	_ =	sdelay $0x1  }
0x8a: {  	s1 =	srdreg.scid  }
0x8b: {  	s0 =	sand.u32 $0x1, s1  }
0x8c: {  	s17 =	sshll.u32 s0, $0xA;
	s2 =	sadd.s32 s3, s2  }
0x8d: {  	s2 =	sadd.s32 s2, s17  }
0x8e: {  	[smem:$0x3FC0] =	sst s2  }
0x8f: {  	_ = 	snop  }
0x90: {  	s2 =	sld [smem:$0x3FD0];
	(tm) =	ssettm $0x1  }
0x91: {  	s18 =	sld [smem:$0x3FFB];
	_ =	sdelay $0x3  }
0x92: {  	_ =	strace s18  }
0x93: {  	s3 =	sld [smem:$0x3FFC];
	_ =	sdelay $0x3  }
0x94: {  	_ =	strace s3  }
0x95: {  	s3 =	sld [smem:$0x3FFD];
	_ =	sdelay $0x3  }
0x96: {  	_ =	strace s3  }
0x97: {  	_ =	strace $0x8FFFFFFF  }
0x98: {  	s19 =	sld [smem:$0x3FDB];
	_ =	sdelay $0x1  }
0x99: {  	s4 =	simm.s32 $_scs_section_size  }
0x9a: {  	s5 =	simm.s32 $_size__tile_overlayer_lowered;
	s6 =	simm.s32 $_tile_overlayer_lowered  }
0x9b: {  	s22 =	simm.s32 $0x1BFF;
	s21 =	sshll.u32 s6, $0x1;
	s3 =	sadd.s32 s4, s19  }
0x9c: {  	s7 =	simm.s32 $0x0;
	s20 =	sshll.u32 s5, $0x1;
	s5 =	sadd.s32 s21, s3  }
0x9d: {  	[timem:s7], [sflag:s22] =	dma.local [hbm:s5], s20  }
0x9e: {  	_ =	swait.ge [sflag:s22], s20  }
0x9f: {  	s4 =	ssub.s32 $0x0, s20;
	[sflag:s22] =	ssyncset.done $0x0  }
0xa0: {  	[sflag:s22] =	ssyncadd.s32 s4;
	_ =	sdelay $0x1  }
0xa1: {  	s23 =	simm.s32 $0x1B8B  }
0xa2: {  	_ =	swait.ge [sflag:s23], $0x1  }
0xa3: {  	[sflag:s23] =	ssyncset.done $0x0  }
0xa4: {  	s25 =	simm.s32 $0x1B8E;
	s24 =	sld [smem:$0x3FFE];
	[sflag:s23] =	ssyncadd.s32 $0xFFFFFFFF  }
0xa5: {  	s26 =	simm.s32 $execute0_lowered;
	[smem:$0x3FD2] =	sst s25  }
0xa6: {  	s5 =	sshll.u32 s26, $0x1;
	_ =	strace $0x80000049;
	[dreg:$0x1] =	wrdreg $0xFFFFFFFF  }
0xa7: {  	s28 =	simm.s32 $_size_execute0_lowered;
	s3 =	sadd.s32 s3, s5;
	[dreg:$0x0] =	wrdreg $0x0  }
0xa8: {  	s5 =	sshll.u32 s28, $0x1;
	[dreg:$0x2] =	wrdreg s3  }
0xa9: {  	[dreg:$0x3] =	wrdreg s5  }
0xaa: {  	[dreg:$0x4] =	wrdreg $0xC0  }
0xab: {  	_ =	task [dreg:s7], $0x5FFFF  }
0xac: {  	[dreg:$0x1] =	wrdreg $0xFFFFFFFF  }
0xad: {  	[dreg:$0x0] =	wrdreg $0x60  }
0xae: {  	[dreg:$0x2] =	wrdreg s24  }
0xaf: {  	[dreg:$0x3] =	wrdreg s2  }
0xb0: {  	[dreg:$0x4] =	wrdreg $0x128000  }
0xb1: {  	[dreg:$0x5] =	wrdreg $0x9  }
0xb2: {  	_ =	task.clear_ibuf [dreg:s7], $0x6FFFF;
	_ =	strace $0x90000049  }
0xb3: {  	s29 =	simm.s32 $0x9;
	_ =	strace $0x8000004B  }
0xb4: {  	_ =	swait.ge [sflag:s29], $0x1  }
0xb5: {  	[sflag:s29] =	ssyncadd.s32 $0xFFFFFFFF  }
0xb6: {  	_ =	strace $0x9000004B  }
0xb7: {  	_ =	sfence  }
0xb8: {  	s30 =	sld [smem:$0x0];
	_ =	sdelay $0x2  }
0xb9: {  	s31 =	sshll.u32 s1, $0xD;
	s1 =	sshrl.u32 s1, $0x2  }
0xba: {  	s3 =	sand.u32 $0x4000, s31;
	s1 =	sadd.s32 s1, s30  }
0xbb: {  	s0 =	sor.u32 s3, s0;
	s1 =	sshll.u32 s1, $0x11  }
0xbc: {  	s0 =	sor.u32 s1, s0  }
0xbd: {  	s0 =	sadd.s32 $0x8F2B, s0  }
0xbe: {  	[sflag:s0] =	ssyncadd.remote.s32 $0x1  }
0xbf: {  	_ =	sfence.sel $0xFFFF  }
0xc0: {  	[dreg:$0x0] =	wrdreg $0xFFFFFFFF;
	(pc) =	sbr.abs _section_cstart, $3  }
0xc1: {  	[dreg:$0x1] =	wrdreg $0xFFFFFFFF  }
0xc2: {  	_ =	task.clear_ibuf [dreg:s7], $0x2FFFF;
	_ =	strace $0x9FFFFFFF  }
0xc3: {  	(tm) =	ssettm $0x7FFFFFFF  }
tec
execute0_lowered:
.L_overlay_start_1:
0x0: {  	(tag) =	ssettag $0x1  }
0x1: {  	s0 =	rddreg [dreg:$0x0]  }
0x2: {  	s1 =	rddreg [dreg:$0x1]  }
0x3: {  	s2 =	rddreg [dreg:$0x2];
	s6 =	simm.s32 $0x0  }
0x4: {  	s3 =	srdreg.scid;
	s7 =	stileid.u32;
	s14 =	simm.s32 $0x11  }
0x5: {  	s16 =	simm.s32 $0x2800;
	s17 =	simm.s32 $0x80;
	s18 =	simm.s32 $0x4800  }
0x6: {  	s29 =	simm.s32 $0xE800;
	s30 =	simm.s32 $0x1;
	s31 =	simm.s32 $0x10800  }
0x7: {  	s15 =	simm.s32 $0x9;
	s19 =	simm.s32 $0x4;
	s28 =	simm.s32 $0x0  }
0x8: {  	s3 =	sand.u32 $0x1, s3;
	s4 =	smul.u32 $0x14000, s7;
	s5 =	sshll.u32 s7, $0x1  }
0x9: {  	[smem:$0x7FF] =	sst s6;
	s7 =	smul.u32 $0x28000, s7;
	s20 =	sshll.u32 s3, $0x6  }
0xa: {  	s5 =	sor.u32 s3, s5;
	_ =	strace $0x8000004A;
	s3 =	ssub.s32 $0x2, s3  }
0xb: {  	s6 =	sor.u32 s20, s4;
	s5 =	smul.u32 $0x1400, s5;
	s4 =	sadd.s32 $0x2C00, s0  }
0xc: {  	s21 =	sshrl.u32 s3, $0x1;
	s22 =	sshrl.u32 s7, $0x2;
	s20 =	simm.s32 $0xB  }
0xd: {  	s6 =	sshrl.u32 s6, $0x3;
	s3 =	ssub.s32 s3, s21;
	s7 =	sadd.s32 s22, s2  }
0xe: {  	s22 =	simm.s32 $0x8800;
	s21 =	simm.s32 $0x6;
	s23 =	sadd.s32 $0x4000, s7  }
0xf: {  	s0 =	sadd.s32 s6, s0;
	s24 =	sadd.s32 $0x6000, s7;
	[dreg:$0x7] =	wrdreg s23  }
0x10: {  	s5 =	sshrl.u32 s5, $0x3;
	s25 =	sadd.s32 $0x8000, s7;
	[dreg:$0x8] =	wrdreg s24  }
0x11: {  	s26 =	smax.u32 s3, $0x1;
	s5 =	sadd.s32 s1, s5;
	[dreg:$0x9] =	wrdreg s25  }
.Ltmp0:
0x12: {  	s1 =	sadd.s32 $0x2000, s7;
	[dreg:$0xb] =	wrdreg s26;
	(pc) =	sbr.rel .LBB2_1-.Ltmp0, $4  }
0x13: {  	s0 =	sadd.s32 $0x2AC00, s0;
	s26 =	simm.s32 $0xC800;
	[dreg:$0x4] =	wrdreg s5  }
0x14: {  	s23 =	simm.s32 $0x8;
	s24 =	simm.s32 $0xF;
	[dreg:$0x6] =	wrdreg s1  }
0x15: {  	s25 =	simm.s32 $0x10;
	s5 =	sadd.s32 $0x5000, s5;
	[dreg:$0xa] =	wrdreg s0  }
0x16: {  	v0 =	vimm.f32 $0.0e+00;
	s0 =	simm.s32 $0x2;
	s1 =	simm.s32 $0xD;
	[dreg:$0x5] =	wrdreg s5  }
.LBB2_8:
0x17: {  	_ =	swait.ge [sflag:s25], $0x2000  }
0x18: {  	[sflag:s25] =	ssyncset.done $0x0  }
0x19: {  	s3 =	stileid.u32;
	[sflag:s25] =	ssyncadd.s32 $0xFFFFE000  }
0x1a: {  	s3 =	sshll.u32 s3, $0x6;
	[bflag:$0x0] =	sbarrier.arrive $0xFFFF  }
0x1b: {  	s5 =	sshrl.u32 s7, $0x3;
	s3 =	sor.u32 $0x1C11, s3;
	s6 =	rddreg [dreg:$0xa]  }
0x1c: {  	[hbm:s6@s25], [sflag:s3] =	dma.strided [spmem:s5@s23], $0x1400, s30, $0x8   }
0x1d: {  	_ =	swait.ge [sflag:s14], $0x1400  }
0x1e: {  	s28 =	sadd.s32 $0x1, s28;
	s13 =	rddreg [dreg:$0xb]  }
0x1f: {  	p0 =	sne.s32 s28, s13  }
.Ltmp1:
0x20: {  	_ = 	snop;
	(pc) =	sbr.rel @!p0 .LBB2_9-.Ltmp1, $3  }
0x21: {  	_ =	sdelay $0x1  }
0x22: {  	[sflag:s14] =	ssyncset.done $0x0  }
0x23: {  	[sflag:s14] =	ssyncadd.s32 $0xFFFFEC00  }
.LBB2_1:
0x24: {  	s3 =	simm.s32 $0x0;
	s5 =	rddreg [dreg:$0x4]  }
0x25: {  	[tilespmem:s3], [sflag:$0x11] =	stream.linear.gather [hbm4b:s5+s3], $0x1400, $0x38;
	[tilespmem:$0x1C800] =	vst v63  }
0x26: {  	_ =	swait.ge [sflag:s14], $0x1400  }
0x27: {  	[sflag:s14] =	ssyncset.done $0x0  }
0x28: {  	s6 =	simm.s32 $0x1400;
	s13 =	rddreg [dreg:$0x5];
	[sflag:s14] =	ssyncadd.s32 $0xFFFFEC00  }
0x29: {  	[tilespmem:s6], [sflag:$0x11] =	stream.linear.gather [hbm4b:s13+s3], $0x1400, $0x38;
	[tilespmem:$0x1C800] =	vst v63  }
0x2a: {  	_ =	swait.ge [sflag:s14], $0x1400  }
0x2b: {  	[sflag:s14] =	ssyncset.done $0x0  }
0x2c: {  	s3 =	simm.s32 $0x0;
	[sflag:s14] =	ssyncadd.s32 $0xFFFFEC00  }
0x2d: {  	v3 =	vld [tilespmem:s3+$0x0]  }
0x2e: {  	v5 =	vld [tilespmem:s3+$0x10]  }
0x2f: {  	v4 =	vld [tilespmem:s3+$0x20]  }
0x30: {  	v2 =	vld [tilespmem:s3+$0x30]  }
0x31: {  	v1 =	vld [tilespmem:s3+$0x40]  }
0x32: {  	v6 =	vshll.u32 v3, $0x1;
	v3 =	vld [tilespmem:s3+$0x50]  }
0x33: {  	s6 =	simm.s32 $0x200;
	[tilespmem:s3+$0x0] =	vst v6;
	v6 =	vshll.u32 v5, $0x1;
	v5 =	vld [tilespmem:s3+$0x60]  }
.LBB2_2:
0x34: {  	s8 =	sshra.s32 s6, $0x2;
	p0 =	sne.s32 s6, $0x4E00;
	[tilespmem:s3+$0x10] =	vst v6;
	v4 =	vshll.u32 v4, $0x1;
	v6 =	vld [tilespmem:s3+$0x70]  }
0x35: {  	v7 =	vld [tilespmem:s8+$0x0];
	[tilespmem:s3+$0x20] =	vst v4;
	v2 =	vshll.u32 v2, $0x1  }
0x36: {  	v8 =	vld [tilespmem:s8+$0x10];
	[tilespmem:s3+$0x30] =	vst v2;
	v1 =	vshll.u32 v1, $0x1  }
.Ltmp2:
0x37: {  	v4 =	vld [tilespmem:s8+$0x20];
	[tilespmem:s3+$0x40] =	vst v1;
	v1 =	vshll.u32 v3, $0x1;
	(pc) =	sbr.rel @p0 .LBB2_2-.Ltmp2, $4  }
0x38: {  	v2 =	vld [tilespmem:s8+$0x30];
	[tilespmem:s3+$0x50] =	vst v1;
	v3 =	vshll.u32 v5, $0x1  }
0x39: {  	v1 =	vld [tilespmem:s8+$0x40];
	[tilespmem:s3+$0x60] =	vst v3;
	v5 =	vshll.u32 v6, $0x1  }
0x3a: {  	v6 =	vshll.u32 v7, $0x1;
	v3 =	vld [tilespmem:s8+$0x50];
	[tilespmem:s3+$0x70] =	vst v5;
	s3 =	smov.u32 s8  }
0x3b: {  	s6 =	sadd.s32 $0x200, s6;
	[tilespmem:s3+$0x0] =	vst v6;
	v6 =	vshll.u32 v8, $0x1;
	v5 =	vld [tilespmem:s3+$0x60]  }
0x3c: {  	[tilespmem:s3+$0x10] =	vst v6;
	v4 =	vshll.u32 v4, $0x1;
	v63 =	vld [tilespmem:s3+$0x70]  }
0x3d: {  	[tilespmem:s3+$0x20] =	vst v4;
	v2 =	vshll.u32 v2, $0x1  }
0x3e: {  	[tilespmem:s3+$0x30] =	vst v2;
	v1 =	vshll.u32 v1, $0x1  }
0x3f: {  	[tilespmem:s3+$0x40] =	vst v1;
	v1 =	vshll.u32 v3, $0x1  }
0x40: {  	[tilespmem:s3+$0x50] =	vst v1;
	v1 =	vshll.u32 v5, $0x1  }
0x41: {  	[tilespmem:s3+$0x60] =	vst v1;
	v1 =	vshll.u32 v63, $0x1  }
0x42: {  	s6 =	simm.s32 $0x100;
	[tilespmem:s3+$0x70] =	vst v1;
	s3 =	simm.s32 $0x0  }
.LBB2_4:
0x43: {  	p0 =	sne.s32 s6, $0x7F00;
	[tilespmem:s3+$0x2830] =	vst v0;
	s8 =	smov.u32 s6;
	s6 =	sadd.s32 $0x100, s6  }
.Ltmp3:
0x44: {  	[tilespmem:s3+$0x2820] =	vst v0;
	(pc) =	sbr.rel @p0 .LBB2_4-.Ltmp3, $3  }
0x45: {  	[tilespmem:s3+$0x2800] =	vst v0  }
0x46: {  	[tilespmem:s3+$0x2810] =	vst v0;
	_ =	sdelay $0x1  }
0x47: {  	s3 =	sshra.s32 s8, $0x2  }
0x48: {  	[tilespmem:s3+$0x2830] =	vst v0  }
0x49: {  	[tilespmem:s3+$0x2820] =	vst v0  }
0x4a: {  	[tilespmem:s3+$0x2800] =	vst v0  }
0x4b: {  	[tilespmem:s3+$0x2810] =	vst v0  }
0x4c: {  	[spmem:s7] =	stream.linear.scatter [tilespmem:s16], [sflag:$0x11], $0x2000, $0x38;
	[tilespmem:$0x1C800] =	vst v63  }
0x4d: {  	_ =	swait.ge [sflag:s14], $0x2000  }
0x4e: {  	[sflag:s14] =	ssyncset.done $0x0  }
0x4f: {  	s13 =	rddreg [dreg:$0x6];
	[sflag:s14] =	ssyncadd.s32 $0xFFFFE000  }
0x50: {  	[spmem:s13] =	stream.linear.scatter [tilespmem:s16], [sflag:$0x11], $0x2000, $0x38;
	[tilespmem:$0x1C800] =	vst v63  }
0x51: {  	_ =	swait.ge [sflag:s14], $0x2000  }
0x52: {  	[sflag:s14] =	ssyncset.done $0x0  }
0x53: {  	s5 =	rddreg [dreg:$0x7];
	[sflag:s14] =	ssyncadd.s32 $0xFFFFE000  }
0x54: {  	[spmem:s5] =	stream.linear.scatter [tilespmem:s16], [sflag:$0x11], $0x2000, $0x38;
	[tilespmem:$0x1C800] =	vst v63  }
0x55: {  	_ =	swait.ge [sflag:s14], $0x2000  }
0x56: {  	[sflag:s14] =	ssyncset.done $0x0  }
0x57: {  	s6 =	rddreg [dreg:$0x8];
	[sflag:s14] =	ssyncadd.s32 $0xFFFFE000  }
0x58: {  	[spmem:s6] =	stream.linear.scatter [tilespmem:s16], [sflag:$0x11], $0x2000, $0x38;
	[tilespmem:$0x1C800] =	vst v63  }
0x59: {  	_ =	swait.ge [sflag:s14], $0x2000  }
0x5a: {  	[sflag:s14] =	ssyncset.done $0x0  }
0x5b: {  	s8 =	rddreg [dreg:$0x9];
	[sflag:s14] =	ssyncadd.s32 $0xFFFFE000  }
0x5c: {  	[spmem:s8] =	stream.linear.scatter [tilespmem:s16], [sflag:$0x11], $0x2000, $0x38;
	[tilespmem:$0x1C800] =	vst v63  }
0x5d: {  	_ =	swait.ge [sflag:s14], $0x2000  }
0x5e: {  	[sflag:s14] =	ssyncset.done $0x0  }
0x5f: {  	[sflag:s14] =	ssyncadd.s32 $0xFFFFE000  }
0x60: {  	s3 =	simm.s32 $0x0;
	[bflag:$0x0] =	sbarrier.arrive $0xFFFF  }
0x61: {  	[tilespmem:s16], [sflag:$0x1] =	stream.indirect.gather [hbm4b:s4+s17], $0x40, s3, s17, $0xb8;
	[tilespmem:$0x1C800] =	vst v63  }
0x62: {  	_ = 	snop  }
0x63: {  	[tilespmem:s18], [sflag:$0x2] =	stream.indirect.gather [hbm4b:s4+s17], $0x40, s17, s17, $0xb8;
	[tilespmem:$0x1C800] =	vst v63  }
0x64: {  	s5 =	simm.s32 $0x100;
	s6 =	simm.s32 $0x6800  }
0x65: {  	[tilespmem:s6], [sflag:$0x3] =	stream.indirect.gather [hbm4b:s4+s17], $0x40, s5, s17, $0xb8;
	[tilespmem:$0x1C800] =	vst v63  }
0x66: {  	s9 =	simm.s32 $0x180  }
0x67: {  	[tilespmem:s22], [sflag:$0x4] =	stream.indirect.gather [hbm4b:s4+s17], $0x40, s9, s17, $0xb8;
	[tilespmem:$0x1C800] =	vst v63  }
0x68: {  	s10 =	simm.s32 $0x200;
	s11 =	simm.s32 $0xA800  }
0x69: {  	[tilespmem:s11], [sflag:$0x5] =	stream.indirect.gather [hbm4b:s4+s17], $0x40, s10, s17, $0xb8;
	[tilespmem:$0x1C800] =	vst v63  }
0x6a: {  	s12 =	simm.s32 $0x280  }
0x6b: {  	[tilespmem:s26], [sflag:$0x6] =	stream.indirect.gather [hbm4b:s4+s17], $0x40, s12, s17, $0xb8;
	[tilespmem:$0x1C800] =	vst v63  }
0x6c: {  	s13 =	simm.s32 $0x300  }
0x6d: {  	[tilespmem:s29], [sflag:$0x7] =	stream.indirect.gather [hbm4b:s4+s17], $0x40, s13, s17, $0xb8;
	[tilespmem:$0x1C800] =	vst v63  }
.LBB2_6:
0x6e: {  	_ =	swait.ge [sflag:s30], $0x2000  }
0x6f: {  	s6 =	sshra.s32 s3, $0x2;
	[sflag:s30] =	ssyncset.done $0x0  }
0x70: {  	p0 =	seq.s32 s3, $0x0;
	s8 =	sadd.s32 $0x1400, s6;
	[sflag:s30] =	ssyncadd.s32 $0xFFFFE000  }
0x71: {  	[spmem:s2] =	stream.indirect.scatter.add.f32 [tilespmem:s16], [sflag:$0x9], $0x40, s8, s17, $0xb8;
	[tilespmem:$0x1C800] =	vst v63  }
0x72: {  	s8 =	simm.s32 @!p0 $0x10  }
0x73: {  	_ =	swait.ge @!p0 [sflag:s8], $0x2000  }
0x74: {  	[sflag:s8] =	ssyncset.done @!p0 $0x0  }
0x75: {  	s10 =	sadd.s32 $0x380, s6;
	[sflag:s8] =	ssyncadd.s32 @!p0 $0xFFFFE000  }
0x76: {  	[tilespmem:s31], [sflag:$0x8] =	stream.indirect.gather [hbm4b:s4+s17], $0x40, s10, s17, $0xb8;
	[tilespmem:$0x1C800] =	vst v63  }
0x77: {  	_ =	swait.ge [sflag:s0], $0x2000  }
0x78: {  	[sflag:s0] =	ssyncset.done $0x0  }
0x79: {  	s11 =	sadd.s32 $0x1480, s6;
	[sflag:s0] =	ssyncadd.s32 $0xFFFFE000  }
0x7a: {  	[spmem:s2] =	stream.indirect.scatter.add.f32 [tilespmem:s18], [sflag:$0xA], $0x40, s11, s17, $0xb8;
	[tilespmem:$0x1C800] =	vst v63  }
0x7b: {  	_ =	swait.ge [sflag:s15], $0x2000  }
0x7c: {  	p0 =	seq.s32 s3, $0x4000;
	[sflag:s15] =	ssyncset.done $0x0  }
0x7d: {  	s8 =	simm.s32 @p0 $0x3;
	[sflag:s15] =	ssyncadd.s32 $0xFFFFE000  }
0x7e: {  	_ =	swait.ge @p0 [sflag:s8], $0x2000  }
0x7f: {  	s10 =	sshra.s32 @p0 s3, $0x2;
	s9 =	simm.s32 @p0 $0x6800;
	[sflag:s8] =	ssyncset.done @p0 $0x0  }
0x80: {  	s11 =	simm.s32 @p0 $0x80;
	[sflag:s8] =	ssyncadd.s32 @p0 $0xFFFFE000;
	s8 =	sadd.s32 @p0 $0x1500, s10  }
0x81: {  	[spmem:s2] =	stream.indirect.scatter.add.f32 @p0 [tilespmem:s9], [sflag:$0xB], $0x40, s8, s11, $0xb8;
	[tilespmem:$0x1C800] =	vst v63  }
0x82: {  	s8 =	simm.s32 @p0 $0xA  }
0x83: {  	_ =	swait.ge @p0 [sflag:s8], $0x2000  }
0x84: {  	[sflag:s8] =	ssyncset.done @p0 $0x0  }
0x85: {  	[sflag:s8] =	ssyncadd.s32 @p0 $0xFFFFE000;
	s8 =	sshra.s32 @!p0 s3, $0x2  }
0x86: {  	s13 =	simm.s32 @!p0 $0x2800;
	s9 =	simm.s32 @!p0 $0x80;
	s12 =	sadd.s32 @!p0 $0x400, s8  }
0x87: {  	[tilespmem:s13], [sflag:$0x1] =	stream.indirect.gather @!p0 [hbm4b:s4+s9], $0x40, s12, s9, $0xb8;
	[tilespmem:$0x1C800] =	vst v63  }
0x88: {  	s12 =	simm.s32 @!p0 $0x3  }
0x89: {  	_ =	swait.ge @!p0 [sflag:s12], $0x2000  }
0x8a: {  	[sflag:s12] =	ssyncset.done @!p0 $0x0  }
0x8b: {  	s13 =	simm.s32 @!p0 $0x6800;
	[sflag:s12] =	ssyncadd.s32 @!p0 $0xFFFFE000;
	s12 =	sadd.s32 @!p0 $0x1500, s8  }
0x8c: {  	[spmem:s2] =	stream.indirect.scatter.add.f32 @!p0 [tilespmem:s13], [sflag:$0xB], $0x40, s12, s9, $0xb8;
	[tilespmem:$0x1C800] =	vst v63  }
0x8d: {  	s12 =	simm.s32 @!p0 $0xA  }
0x8e: {  	_ =	swait.ge @!p0 [sflag:s12], $0x2000  }
0x8f: {  	[sflag:s12] =	ssyncset.done @!p0 $0x0  }
0x90: {  	s5 =	simm.s32 @!p0 $0x4800;
	[sflag:s12] =	ssyncadd.s32 @!p0 $0xFFFFE000;
	s12 =	sadd.s32 @!p0 $0x480, s8  }
0x91: {  	[tilespmem:s5], [sflag:$0x2] =	stream.indirect.gather @!p0 [hbm4b:s4+s9], $0x40, s12, s9, $0xb8;
	[tilespmem:$0x1C800] =	vst v63  }
0x92: {  	_ =	swait.ge [sflag:s19], $0x2000  }
0x93: {  	[sflag:s19] =	ssyncset.done $0x0  }
0x94: {  	s12 =	sadd.s32 $0x1580, s6;
	[sflag:s19] =	ssyncadd.s32 $0xFFFFE000  }
0x95: {  	[spmem:s2] =	stream.indirect.scatter.add.f32 [tilespmem:s22], [sflag:$0xC], $0x40, s12, s17, $0xb8;
	[tilespmem:$0x1C800] =	vst v63  }
0x96: {  	_ =	swait.ge [sflag:s20], $0x2000  }
0x97: {  	[sflag:s20] =	ssyncset.done $0x0  }
0x98: {  	s5 =	simm.s32 @p0 $0x5;
	[sflag:s20] =	ssyncadd.s32 $0xFFFFE000  }
0x99: {  	_ =	swait.ge @p0 [sflag:s5], $0x2000  }
0x9a: {  	[sflag:s5] =	ssyncset.done @p0 $0x0  }
0x9b: {  	s12 =	simm.s32 @p0 $0xA800;
	[sflag:s5] =	ssyncadd.s32 @p0 $0xFFFFE000;
	s5 =	sadd.s32 @p0 $0x1600, s10  }
0x9c: {  	[spmem:s2] =	stream.indirect.scatter.add.f32 @p0 [tilespmem:s12], [sflag:$0xD], $0x40, s5, s11, $0xb8;
	[tilespmem:$0x1C800] =	vst v63  }
0x9d: {  	s5 =	simm.s32 @p0 $0xC  }
0x9e: {  	_ =	swait.ge @p0 [sflag:s5], $0x2000  }
0x9f: {  	[sflag:s5] =	ssyncset.done @p0 $0x0  }
0xa0: {  	[sflag:s5] =	ssyncadd.s32 @p0 $0xFFFFE000;
	s5 =	sadd.s32 @!p0 $0x500, s8  }
0xa1: {  	[tilespmem:s13], [sflag:$0x3] =	stream.indirect.gather @!p0 [hbm4b:s4+s9], $0x40, s5, s9, $0xb8;
	[tilespmem:$0x1C800] =	vst v63  }
0xa2: {  	s5 =	simm.s32 @!p0 $0x5  }
0xa3: {  	_ =	swait.ge @!p0 [sflag:s5], $0x2000  }
0xa4: {  	[sflag:s5] =	ssyncset.done @!p0 $0x0  }
0xa5: {  	s12 =	simm.s32 @!p0 $0xA800;
	[sflag:s5] =	ssyncadd.s32 @!p0 $0xFFFFE000;
	s5 =	sadd.s32 @!p0 $0x1600, s8  }
0xa6: {  	[spmem:s2] =	stream.indirect.scatter.add.f32 @!p0 [tilespmem:s12], [sflag:$0xD], $0x40, s5, s9, $0xb8;
	[tilespmem:$0x1C800] =	vst v63  }
0xa7: {  	s5 =	simm.s32 @!p0 $0xC  }
0xa8: {  	_ =	swait.ge @!p0 [sflag:s5], $0x2000  }
0xa9: {  	[sflag:s5] =	ssyncset.done @!p0 $0x0  }
0xaa: {  	s13 =	simm.s32 @!p0 $0x8800;
	[sflag:s5] =	ssyncadd.s32 @!p0 $0xFFFFE000;
	s5 =	sadd.s32 @!p0 $0x580, s8  }
0xab: {  	[tilespmem:s13], [sflag:$0x4] =	stream.indirect.gather @!p0 [hbm4b:s4+s9], $0x40, s5, s9, $0xb8;
	[tilespmem:$0x1C800] =	vst v63  }
0xac: {  	_ =	swait.ge [sflag:s21], $0x2000  }
0xad: {  	[sflag:s21] =	ssyncset.done $0x0  }
0xae: {  	s13 =	sadd.s32 $0x1680, s6;
	[sflag:s21] =	ssyncadd.s32 $0xFFFFE000  }
0xaf: {  	[spmem:s2] =	stream.indirect.scatter.add.f32 [tilespmem:s26], [sflag:$0xE], $0x40, s13, s17, $0xb8;
	[tilespmem:$0x1C800] =	vst v63  }
0xb0: {  	_ =	swait.ge [sflag:s1], $0x2000  }
0xb1: {  	[sflag:s1] =	ssyncset.done $0x0  }
0xb2: {  	s5 =	simm.s32 @p0 $0x7;
	[sflag:s1] =	ssyncadd.s32 $0xFFFFE000  }
0xb3: {  	_ =	swait.ge @p0 [sflag:s5], $0x2000  }
0xb4: {  	[sflag:s5] =	ssyncset.done @p0 $0x0  }
0xb5: {  	[sflag:s5] =	ssyncadd.s32 @p0 $0xFFFFE000;
	s5 =	sadd.s32 @p0 $0x1700, s10;
	s10 =	simm.s32 @p0 $0xE800  }
0xb6: {  	[spmem:s2] =	stream.indirect.scatter.add.f32 @p0 [tilespmem:s10], [sflag:$0xF], $0x40, s5, s11, $0xb8;
	[tilespmem:$0x1C800] =	vst v63  }
0xb7: {  	s5 =	simm.s32 @p0 $0xE  }
0xb8: {  	_ =	swait.ge @p0 [sflag:s5], $0x2000  }
0xb9: {  	[sflag:s5] =	ssyncset.done @p0 $0x0  }
0xba: {  	[sflag:s5] =	ssyncadd.s32 @p0 $0xFFFFE000;
	s5 =	sadd.s32 @!p0 $0x600, s8  }
0xbb: {  	[tilespmem:s12], [sflag:$0x5] =	stream.indirect.gather @!p0 [hbm4b:s4+s9], $0x40, s5, s9, $0xb8;
	[tilespmem:$0x1C800] =	vst v63  }
0xbc: {  	s5 =	simm.s32 @!p0 $0x7  }
0xbd: {  	_ =	swait.ge @!p0 [sflag:s5], $0x2000  }
0xbe: {  	[sflag:s5] =	ssyncset.done @!p0 $0x0  }
0xbf: {  	s10 =	simm.s32 @!p0 $0xE800;
	[sflag:s5] =	ssyncadd.s32 @!p0 $0xFFFFE000;
	s5 =	sadd.s32 @!p0 $0x1700, s8  }
0xc0: {  	[spmem:s2] =	stream.indirect.scatter.add.f32 @!p0 [tilespmem:s10], [sflag:$0xF], $0x40, s5, s9, $0xb8;
	[tilespmem:$0x1C800] =	vst v63  }
0xc1: {  	s5 =	simm.s32 @!p0 $0xE  }
0xc2: {  	_ =	swait.ge @!p0 [sflag:s5], $0x2000  }
0xc3: {  	[sflag:s5] =	ssyncset.done @!p0 $0x0  }
0xc4: {  	[sflag:s5] =	ssyncadd.s32 @!p0 $0xFFFFE000;
	s5 =	sadd.s32 @!p0 $0x680, s8;
	s8 =	simm.s32 @!p0 $0xC800  }
0xc5: {  	[tilespmem:s8], [sflag:$0x6] =	stream.indirect.gather @!p0 [hbm4b:s4+s9], $0x40, s5, s9, $0xb8;
	[tilespmem:$0x1C800] =	vst v63  }
0xc6: {  	_ =	swait.ge [sflag:s23], $0x2000  }
0xc7: {  	[sflag:s23] =	ssyncset.done $0x0  }
.Ltmp4:
0xc8: {  	s13 =	sadd.s32 $0x1780, s6;
	[sflag:s23] =	ssyncadd.s32 $0xFFFFE000;
	(pc) =	sbr.rel @p0 .LBB2_8-.Ltmp4, $4  }
0xc9: {  	[spmem:s2] =	stream.indirect.scatter.add.f32 [tilespmem:s31], [sflag:$0x10], $0x40, s13, s17, $0xb8;
	[tilespmem:$0x1C800] =	vst v63  }
0xca: {  	_ =	swait.ge [sflag:s24], $0x2000  }
0xcb: {  	[sflag:s24] =	ssyncset.done $0x0  }
0xcc: {  	[sflag:s24] =	ssyncadd.s32 $0xFFFFE000  }
.Ltmp5:
0xcd: {  	(pc) =	sbr.rel .LBB2_6-.Ltmp5, $3  }
0xce: {  	_ =	sdelay $0x1  }
0xcf: {  	s5 =	sadd.s32 $0x700, s6;
	s3 =	sadd.s32 $0x1000, s3  }
0xd0: {  	[tilespmem:s29], [sflag:$0x7] =	stream.indirect.gather [hbm4b:s4+s17], $0x40, s5, s17, $0xb8;
	[tilespmem:$0x1C800] =	vst v63  }
.LBB2_9:
0xd1: {  	_ =	sfence.sel $0x180000  }
0xd2: {  	[bflag:$0x0] =	sbarrier.arrive $0xFFFF  }
0xd3: {  	_ =	strace $0x9000004A  }
0xd4: {  	s0 =	stileid.u32;
	[bflag:$0x2] =	sbarrier.arrive $0xFFFF  }
0xd5: {  	p0 =	sne.s32 s0, $0x0;
	s0 =	rddreg [dreg:$0x3]  }
0xd6: {  	s0 =	sadd.s32 @!p0 $0x100000, s0  }
0xd7: {  	[sflag:s0] =	ssyncadd.tile.s32 @!p0 $0x1;
	_ =	shalt  }
.Lfunc_end2:
_tile_overlayer_lowered:
.L_overlay_start_2:
0xd8: {  	(tag) =	ssettag $0x2  }
0xd9: {  	s0 =	rddreg [dreg:$0x0];
	s2 =	stileid.u32  }
0xda: {  	s1 =	rddreg [dreg:$0x1];
	p0 =	sne.s32 s2, $0x0  }
0xdb: {  	s3 =	rddreg [dreg:$0x2];
	[bflag:$0x3] =	sbarrier.arrive $0xFFFF;
	s2 =	simm.s32 @!p0 $0x1C11  }
0xdc: {  	[timem:s3], [sflag:s2] =	dma.local @!p0 [hbm:s0], s1  }
0xdd: {  	s0 =	simm.s32 @!p0 $0x11  }
0xde: {  	_ =	swait.ge @!p0 [sflag:s0], s1  }
0xdf: {  	s1 =	ssub.s32 @!p0 $0x0, s1;
	[sflag:s0] =	ssyncset.done @!p0 $0x0  }
0xe0: {  	[sflag:s0] =	ssyncadd.s32 @!p0 s1  }
0xe1: {  	[bflag:$0x3] =	sbarrier.arrive $0xFFFF  }
0xe2: {  	_ =	shalt  }

// kernel: kernel.7.cloned.1.call-start
scs
__scs_entry_jumppad:
0x0: {  	(pc) =	sbr.rel $0x88, $3  }
0x1: {  	(tag) =	ssettag $0x0;
	lr =	simm.s32 $0x1  }
0x2: {  	[smem:$0x3F99] =	sst lr;
	_ =	strace $0xD0000000  }
0x3: {  	_ = 	snop  }
0x4: {  	_ = 	snop  }
0x5: {  	_ = 	snop  }
0x6: {  	_ = 	snop  }
0x7: {  	_ = 	snop  }
__scs_overlays_trampoline_lowered:
0x8: {  	[smem:$0x3FA8] =	sst s0  }
0x9: {  	[smem:$0x3FA9] =	sst s1  }
0xa: {  	[smem:$0x3FAA] =	sst s2  }
0xb: {  	[smem:$0x3FAB] =	sst s3  }
0xc: {  	[smem:$0x3FAC] =	sst s4  }
0xd: {  	[smem:$0x3FAD] =	sst s5  }
0xe: {  	[smem:$0x3FAE] =	sst s6  }
0xf: {  	[smem:$0x3FAF] =	sst s7  }
0x10: {  	[smem:$0x3FB0] =	sst s8  }
0x11: {  	[smem:$0x3FB1] =	sst s9;
	s0 =	simm.s32 @!p0 $0x0  }
0x12: {  	s1 =	sld [smem:$0x3F97];
	s0 =	simm.s32 @p0 $0x1  }
0x13: {  	[smem:$0x3FB2] =	sst s0;
	s0 =	simm.s32 @!p1 $0x0  }
0x14: {  	s2 =	sld [smem:$0x3F96];
	s0 =	simm.s32 @p1 $0x1  }
0x15: {  	[smem:$0x3FB3] =	sst s0;
	s0 =	simm.s32 @!p2 $0x0  }
0x16: {  	s3 =	sld [smem:$0x3FDB];
	s0 =	simm.s32 @p2 $0x1  }
0x17: {  	s4 =	simm.s32 $0x1BF5;
	[smem:$0x3FB5] =	sst s0  }
0x18: {  	s0 =	sld [smem:$0x3F98];
	_ =	swait.ge [sflag:s4], $0x0  }
0x19: {  	s7 =	sld [smem:$0x3F99]  }
0x1a: {  	s8 =	sadd.s32 $0xFFFFE003, lr  }
0x1b: {  	s9 =	sadd.s32 $0xFFFFFEF7, lr;
	s5 =	simm.s32 $0xFFFFFFFF;
	p2 =	slt.u32 s8, $0xFFFFF086  }
0x1c: {  	p1 =	slt.u32 s9, $0xF7A;
	s5 =	simm.s32 @!p2 $0x0  }
0x1d: {  	s5 =	simm.s32 @p1 $0x1;
	p0 =	seq.s32 s7, s2  }
0x1e: {  	s7 =	smul.u32 @!p0 $0xF7A, s2;
	p2 =	seq.s32 @!p0 s5, $0x0  }
0x1f: {  	s9 =	smul.u32 $0xF7A, s1;
	s8 =	simm.s32 @!p0 $0x1BF5;
	p2 =	por !p2, p0  }
0x20: {  	[sflag:s8] =	ssyncset.s32 @!p0 $0xFFFFF086;
	s6 =	sadd.s32 @!p0 s3, s7;
	s7 =	simm.s32 @!p0 $0x108  }
0x21: {  	s3 =	sadd.s32 s3, s9;
	s6 =	sadd.s32 @!p0 $0x88, s6;
	s7 =	simm.s32 @p2 $0x1082  }
0x22: {  	[simem:s7], [sflag:s8] =	dma.local @!p0 [hbm:s6], $0xF7A  }
0x23: {  	s9 =	sor.u32 $0xD0000000, s2;
	s6 =	simm.s32 $0x108;
	_ =	swait.ge @!p0 [sflag:s8], $0x0  }
0x24: {  	s3 =	sadd.s32 $0x88, s3;
	s6 =	simm.s32 @!p1 $0x1082;
	[sflag:s4] =	ssyncset.s32 $0xFFFFF086  }
0x25: {  	[simem:s6], [sflag:s4] =	dma.local [hbm:s3], $0xF7A  }
0x26: {  	[smem:$0x3F99] =	sst s1;
	(tag) =	ssettag s2;
	_ =	strace s9  }
0x27: {  	s1 =	sld [smem:$0x3FA9]  }
0x28: {  	s2 =	sld [smem:$0x3FAA]  }
0x29: {  	s4 =	sld [smem:$0x3FAC]  }
0x2a: {  	p0 =	seq.s32 s5, $0x0;
	s5 =	sld [smem:$0x3FAD]  }
0x2b: {  	s6 =	sld [smem:$0x3FAE]  }
0x2c: {  	s7 =	sld [smem:$0x3FAF]  }
0x2d: {  	s3 =	simm.s32 $0x108;
	s8 =	sld [smem:$0x3FB0]  }
0x2e: {  	s3 =	simm.s32 @!p0 $0x1082;
	s9 =	sld [smem:$0x3FB1]  }
0x2f: {  	lr =	sadd.s32 s0, s3;
	s0 =	sld [smem:$0x3FA8]  }
0x30: {  	s3 =	sld [smem:$0x3FAB]  }
0x31: {  	[smem:$0x3FB4] =	sst s10  }
0x32: {  	s10 =	sld [smem:$0x3FB2];
	_ =	sdelay $0x3  }
0x33: {  	p0 =	seq.s32 s10, $0x1;
	s10 =	sld [smem:$0x3FB4];
	_ =	sdelay $0x3  }
0x34: {  	[smem:$0x3FB4] =	sst s10  }
0x35: {  	s10 =	sld [smem:$0x3FB3];
	_ =	sdelay $0x3  }
0x36: {  	p1 =	seq.s32 s10, $0x1;
	s10 =	sld [smem:$0x3FB4];
	_ =	sdelay $0x3  }
0x37: {  	[smem:$0x3FB4] =	sst s10  }
0x38: {  	s10 =	sld [smem:$0x3FB5]  }
0x39: {  	_ = 	snop;
	(pc) =	sbr.ind lr, $3  }
0x3a: {  	_ = 	snop  }
0x3b: {  	_ = 	snop  }
0x3c: {  	p2 =	seq.s32 s10, $0x1;
	s10 =	sld [smem:$0x3FB4]  }
0x3d: {  	_ =	shalt  }
0x3e: {  	_ =	shalt  }
0x3f: {  	_ =	shalt  }
0x40: {  	_ =	shalt  }
0x41: {  	_ =	shalt  }
0x42: {  	_ =	shalt  }
0x43: {  	_ =	shalt  }
0x44: {  	_ =	shalt  }
0x45: {  	_ =	shalt  }
0x46: {  	_ =	shalt  }
0x47: {  	_ =	shalt  }
0x48: {  	_ =	shalt  }
0x49: {  	_ =	shalt  }
0x4a: {  	_ =	shalt  }
0x4b: {  	_ =	shalt  }
0x4c: {  	_ =	shalt  }
0x4d: {  	_ =	shalt  }
0x4e: {  	_ =	shalt  }
0x4f: {  	_ =	shalt  }
0x50: {  	_ =	shalt  }
0x51: {  	_ =	shalt  }
0x52: {  	_ =	shalt  }
0x53: {  	_ =	shalt  }
0x54: {  	_ =	shalt  }
0x55: {  	_ =	shalt  }
0x56: {  	_ =	shalt  }
0x57: {  	_ =	shalt  }
0x58: {  	_ =	shalt  }
0x59: {  	_ =	shalt  }
0x5a: {  	_ =	shalt  }
0x5b: {  	_ =	shalt  }
0x5c: {  	_ =	shalt  }
0x5d: {  	_ =	shalt  }
0x5e: {  	_ =	shalt  }
0x5f: {  	_ =	shalt  }
0x60: {  	_ =	shalt  }
0x61: {  	_ =	shalt  }
0x62: {  	_ =	shalt  }
0x63: {  	_ =	shalt  }
0x64: {  	_ =	shalt  }
0x65: {  	_ =	shalt  }
0x66: {  	_ =	shalt  }
0x67: {  	_ =	shalt  }
0x68: {  	_ =	shalt  }
0x69: {  	_ =	shalt  }
0x6a: {  	_ =	shalt  }
0x6b: {  	_ =	shalt  }
0x6c: {  	_ =	shalt  }
0x6d: {  	_ =	shalt  }
0x6e: {  	_ =	shalt  }
0x6f: {  	_ =	shalt  }
0x70: {  	_ =	shalt  }
0x71: {  	_ =	shalt  }
0x72: {  	_ =	shalt  }
0x73: {  	_ =	shalt  }
0x74: {  	_ =	shalt  }
0x75: {  	_ =	shalt  }
0x76: {  	_ =	shalt  }
0x77: {  	_ =	shalt  }
0x78: {  	_ =	shalt  }
0x79: {  	_ =	shalt  }
0x7a: {  	_ =	shalt  }
0x7b: {  	_ =	shalt  }
0x7c: {  	_ =	shalt  }
0x7d: {  	_ =	shalt  }
0x7e: {  	_ =	shalt  }
0x7f: {  	_ =	shalt  }
0x80: {  	_ =	shalt  }
0x81: {  	_ =	shalt  }
0x82: {  	_ =	shalt  }
0x83: {  	_ =	shalt  }
0x84: {  	_ =	shalt  }
0x85: {  	_ =	shalt  }
0x86: {  	_ =	shalt  }
0x87: {  	_ =	shalt  }
.Lfunc_end0:
.L_simem_size_0:
called_computation_lowered:
.L_overlay_start_0:
0x88: {  	s2 =	sld [smem:$0x3FD9]  }
0x89: {  	s3 =	sld [smem:$0x3FFE];
	_ =	sdelay $0x1  }
0x8a: {  	s1 =	srdreg.scid  }
0x8b: {  	s0 =	sand.u32 $0x1, s1  }
0x8c: {  	s17 =	sshll.u32 s0, $0xA;
	s2 =	sadd.s32 s3, s2  }
0x8d: {  	s2 =	sadd.s32 s2, s17  }
0x8e: {  	[smem:$0x3FC0] =	sst s2  }
0x8f: {  	_ = 	snop  }
0x90: {  	s2 =	sld [smem:$0x3FD0];
	(tm) =	ssettm $0x1  }
0x91: {  	s18 =	sld [smem:$0x3FFB];
	_ =	sdelay $0x3  }
0x92: {  	_ =	strace s18  }
0x93: {  	s3 =	sld [smem:$0x3FFC];
	_ =	sdelay $0x3  }
0x94: {  	_ =	strace s3  }
0x95: {  	s3 =	sld [smem:$0x3FFD];
	_ =	sdelay $0x3  }
0x96: {  	_ =	strace s3  }
0x97: {  	_ =	strace $0x8FFFFFFF  }
0x98: {  	s19 =	sld [smem:$0x3FDB];
	_ =	sdelay $0x1  }
0x99: {  	s4 =	simm.s32 $_scs_section_size  }
0x9a: {  	s5 =	simm.s32 $_size__tile_overlayer_lowered;
	s6 =	simm.s32 $_tile_overlayer_lowered  }
0x9b: {  	s22 =	simm.s32 $0x1BFF;
	s21 =	sshll.u32 s6, $0x1;
	s3 =	sadd.s32 s4, s19  }
0x9c: {  	s7 =	simm.s32 $0x0;
	s20 =	sshll.u32 s5, $0x1;
	s5 =	sadd.s32 s21, s3  }
0x9d: {  	[timem:s7], [sflag:s22] =	dma.local [hbm:s5], s20  }
0x9e: {  	_ =	swait.ge [sflag:s22], s20  }
0x9f: {  	s4 =	ssub.s32 $0x0, s20;
	[sflag:s22] =	ssyncset.done $0x0  }
0xa0: {  	[sflag:s22] =	ssyncadd.s32 s4;
	_ =	sdelay $0x1  }
0xa1: {  	s23 =	simm.s32 $0x1B8B  }
0xa2: {  	_ =	swait.ge [sflag:s23], $0x1  }
0xa3: {  	[sflag:s23] =	ssyncset.done $0x0  }
0xa4: {  	s25 =	simm.s32 $0x1B8E;
	s24 =	sld [smem:$0x3FFE];
	[sflag:s23] =	ssyncadd.s32 $0xFFFFFFFF  }
0xa5: {  	s26 =	simm.s32 $execute0_lowered;
	[smem:$0x3FD2] =	sst s25  }
0xa6: {  	s5 =	sshll.u32 s26, $0x1;
	_ =	strace $0x80000046;
	[dreg:$0x1] =	wrdreg $0xFFFFFFFF  }
0xa7: {  	s28 =	simm.s32 $_size_execute0_lowered;
	s3 =	sadd.s32 s3, s5;
	[dreg:$0x0] =	wrdreg $0x0  }
0xa8: {  	s5 =	sshll.u32 s28, $0x1;
	[dreg:$0x2] =	wrdreg s3  }
0xa9: {  	[dreg:$0x3] =	wrdreg s5  }
0xaa: {  	[dreg:$0x4] =	wrdreg $0xC0  }
0xab: {  	_ =	task [dreg:s7], $0x5FFFF  }
0xac: {  	[dreg:$0x1] =	wrdreg $0xFFFFFFFF  }
0xad: {  	[dreg:$0x0] =	wrdreg $0x60  }
0xae: {  	[dreg:$0x2] =	wrdreg s24  }
0xaf: {  	[dreg:$0x3] =	wrdreg s2  }
0xb0: {  	[dreg:$0x4] =	wrdreg $0xF0000  }
0xb1: {  	[dreg:$0x5] =	wrdreg $0x194000  }
0xb2: {  	[dreg:$0x6] =	wrdreg $0x9  }
0xb3: {  	_ =	task.clear_ibuf [dreg:s7], $0x7FFFF;
	_ =	strace $0x90000046  }
0xb4: {  	s29 =	simm.s32 $0x9;
	_ =	strace $0x80000048  }
0xb5: {  	_ =	swait.ge [sflag:s29], $0x1  }
0xb6: {  	[sflag:s29] =	ssyncadd.s32 $0xFFFFFFFF  }
0xb7: {  	_ =	strace $0x90000048  }
0xb8: {  	_ =	sfence  }
0xb9: {  	s30 =	sld [smem:$0x0];
	_ =	sdelay $0x2  }
0xba: {  	s31 =	sshll.u32 s1, $0xD;
	s1 =	sshrl.u32 s1, $0x2  }
0xbb: {  	s3 =	sand.u32 $0x4000, s31;
	s1 =	sadd.s32 s1, s30  }
0xbc: {  	s0 =	sor.u32 s3, s0;
	s1 =	sshll.u32 s1, $0x11  }
0xbd: {  	s0 =	sor.u32 s1, s0  }
0xbe: {  	s0 =	sadd.s32 $0x8F2B, s0  }
0xbf: {  	[sflag:s0] =	ssyncadd.remote.s32 $0x1  }
0xc0: {  	_ =	sfence.sel $0xFFFF  }
0xc1: {  	[dreg:$0x0] =	wrdreg $0xFFFFFFFF;
	(pc) =	sbr.abs _section_cstart, $3  }
0xc2: {  	[dreg:$0x1] =	wrdreg $0xFFFFFFFF  }
0xc3: {  	_ =	task.clear_ibuf [dreg:s7], $0x2FFFF;
	_ =	strace $0x9FFFFFFF  }
0xc4: {  	(tm) =	ssettm $0x7FFFFFFF  }
0xc5: {  	_ =	shalt  }
tec
execute0_lowered:
.L_overlay_start_1:
0x0: {  	(tag) =	ssettag $0x1  }
0x1: {  	s0 =	rddreg [dreg:$0x0]  }
0x2: {  	s1 =	rddreg [dreg:$0x1]  }
0x3: {  	s2 =	rddreg [dreg:$0x2]  }
0x4: {  	s4 =	srdreg.scid;
	s13 =	stileid.u32  }
0x5: {  	s3 =	rddreg [dreg:$0x3];
	s6 =	simm.s32 $0x0;
	s23 =	smul.u32 $0x14000, s13  }
0x6: {  	s29 =	simm.s32 $0x9000;
	s31 =	simm.s32 $0xB000;
	s7 =	smul.u32 $0x2800, s13  }
0x7: {  	s28 =	simm.s32 $0x2;
	s30 =	simm.s32 $0x6;
	s9 =	smul.u32 $0x280, s13  }
0x8: {  	s16 =	sand.u32 $0x1, s4;
	[smem:$0x7FF] =	sst s6;
	s11 =	smul.u32 $0x28000, s13  }
0x9: {  	s13 =	smul.u32 $0x5000, s13;
	s5 =	sshll.u32 s16, $0x6;
	_ =	strace $0x80000047  }
0xa: {  	s8 =	ssub.s32 $0x2, s16;
	p0 =	sne.s32 s16, $0x0;
	s5 =	sor.u32 s5, s23  }
0xb: {  	s4 =	sshrl.u32 s23, $0x3;
	s10 =	sshrl.u32 s8, $0x1;
	s7 =	sshrl.u32 s7, $0x3  }
0xc: {  	s25 =	sshrl.u32 s11, $0x2;
	s26 =	sadd.s32 $0x80, s9;
	s11 =	sadd.s32 $0x100, s9  }
0xd: {  	s15 =	sadd.s32 $0x180, s9;
	s9 =	sadd.s32 $0x200, s9;
	s19 =	sshrl.u32 s13, $0x2  }
0xe: {  	s24 =	sshrl.u32 s5, $0x3;
	s5 =	sadd.s32 $0x2C00, s0;
	s1 =	sadd.s32 s1, s7  }
0xf: {  	s14 =	sshll.u32 s11, $0x6;
	s12 =	sshll.u32 s15, $0x6;
	s18 =	sshll.u32 s9, $0x6  }
0x10: {  	s7 =	sshll.u32 s26, $0x3;
	s13 =	sadd.s32 s19, s3;
	s21 =	sshll.u32 s11, $0x3  }
0x11: {  	s22 =	sshll.u32 s15, $0x3;
	s23 =	sshll.u32 s9, $0x3;
	s9 =	simm.s32 $0x8  }
0x12: {  	s6 =	sadd.s32 s24, s0;
	s0 =	sadd.s32 s4, s0;
	s4 =	ssub.s32 s8, s10  }
0x13: {  	[dreg:$0x5] =	wrdreg s1;
	s1 =	sadd.s32 $0x5000, s1;
	s8 =	sadd.s32 s25, s2  }
0x14: {  	s10 =	sshll.u32 s26, $0x6;
	s17 =	sadd.s32 s12, s2;
	[dreg:$0x6] =	wrdreg s1  }
0x15: {  	s20 =	sadd.s32 s7, s3;
	s24 =	sadd.s32 s23, s3;
	[dreg:$0x9] =	wrdreg s17  }
0x16: {  	s23 =	simm.s32 $0x5000;
	s7 =	simm.s32 $0x4;
	[dreg:$0xb] =	wrdreg s20  }
0x17: {  	s1 =	sadd.s32 s10, s2;
	[dreg:$0xe] =	wrdreg s24;
	s25 =	sadd.s32 $0x2AC00, s6  }
0x18: {  	s0 =	sadd.s32 $0x52C00, s0;
	s26 =	smax.u32 s4, $0x1;
	[dreg:$0x7] =	wrdreg s1  }
0x19: {  	s24 =	simm.s32 $0x19000;
	s4 =	simm.s32 $0x7;
	[dreg:$0xf] =	wrdreg s25  }
0x1a: {  	s6 =	simm.s32 $0x5;
	s10 =	simm.s32 $0x9;
	[dreg:$0x10] =	wrdreg s0  }
0x1b: {  	s17 =	simm.s32 $0xF;
	s1 =	sadd.s32 s14, s2;
	[dreg:$0x11] =	wrdreg s26  }
.Ltmp0:
0x1c: {  	s25 =	simm.s32 $0x80;
	s26 =	simm.s32 $0x7000;
	(pc) =	sbr.rel .LBB2_1-.Ltmp0, $4  }
0x1d: {  	s0 =	simm.s32 $0x3;
	[dreg:$0x8] =	wrdreg s1;
	s1 =	sadd.s32 s18, s2  }
0x1e: {  	s18 =	simm.s32 $0x0;
	[dreg:$0xa] =	wrdreg s1;
	s1 =	sadd.s32 s21, s3  }
0x1f: {  	s21 =	simm.s32 $0x10;
	[dreg:$0xc] =	wrdreg s1;
	s1 =	sadd.s32 s22, s3  }
0x20: {  	v1 =	vimm.f32 $0.0e+00;
	v2 =	vimm.f32 $1.000000000e+00;
	v0 =	vmov s16;
	s22 =	simm.s32 $0xD000;
	[dreg:$0xd] =	wrdreg s1;
	s1 =	simm.s32 $0x1  }
.LBB2_12:
0x21: {  	s11 =	simm.s32 $0xA  }
0x22: {  	_ =	swait.ge [sflag:s11], $0x2000  }
0x23: {  	[sflag:s11] =	ssyncset.done $0x0  }
0x24: {  	s12 =	simm.s32 $0xB;
	[sflag:s11] =	ssyncadd.s32 $0xFFFFE000  }
0x25: {  	_ =	swait.ge [sflag:s12], $0x400  }
0x26: {  	[sflag:s12] =	ssyncset.done $0x0  }
0x27: {  	s14 =	simm.s32 $0xC;
	[sflag:s12] =	ssyncadd.s32 $0xFFFFFC00  }
0x28: {  	_ =	swait.ge [sflag:s14], $0x400  }
0x29: {  	[sflag:s14] =	ssyncset.done $0x0  }
0x2a: {  	s15 =	simm.s32 $0xD;
	[sflag:s14] =	ssyncadd.s32 $0xFFFFFC00  }
0x2b: {  	_ =	swait.ge [sflag:s15], $0x400  }
0x2c: {  	[sflag:s15] =	ssyncset.done $0x0  }
0x2d: {  	s16 =	simm.s32 $0xE;
	[sflag:s15] =	ssyncadd.s32 $0xFFFFFC00  }
0x2e: {  	_ =	swait.ge [sflag:s16], $0x400  }
0x2f: {  	[sflag:s16] =	ssyncset.done $0x0  }
0x30: {  	[sflag:s16] =	ssyncadd.s32 $0xFFFFFC00  }
0x31: {  	_ =	swait.ge [sflag:s17], $0x400  }
0x32: {  	[sflag:s17] =	ssyncset.done $0x0  }
0x33: {  	s19 =	stileid.u32;
	[sflag:s17] =	ssyncadd.s32 $0xFFFFFC00  }
0x34: {  	s11 =	sshll.u32 s19, $0x6;
	[bflag:$0x0] =	sbarrier.arrive $0xFFFF  }
0x35: {  	s11 =	sor.u32 $0x1C10, s11;
	s12 =	sshrl.u32 s8, $0x3;
	s14 =	rddreg [dreg:$0xf]  }
0x36: {  	[hbm:s14@s21], [sflag:s11] =	dma.strided [spmem:s12@s9], $0x1400, s1, $0x8   }
0x37: {  	_ =	swait.ge [sflag:s21], $0x1400  }
0x38: {  	s15 =	simm.s32 @!p0 $0x1;
	s12 =	sshrl.u32 @!p0 s13, $0x3;
	[sflag:s21] =	ssyncset.done $0x0  }
0x39: {  	s14 =	simm.s32 @!p0 $0x10;
	s16 =	rddreg [dreg:$0x10];
	[sflag:s21] =	ssyncadd.s32 $0xFFFFEC00  }
0x3a: {  	[hbm:s16@s14], [sflag:s11] =	dma.strided @!p0 [spmem:s12@s15], $0x280, s15, $0x1   }
0x3b: {  	_ =	swait.ge @!p0 [sflag:s14], $0x280  }
0x3c: {  	s18 =	sadd.s32 $0x1, s18;
	s20 =	rddreg [dreg:$0x11]  }
0x3d: {  	p1 =	sne.s32 s18, s20  }
.Ltmp1:
0x3e: {  	_ = 	snop;
	(pc) =	sbr.rel @!p1 .LBB2_13-.Ltmp1, $3  }
0x3f: {  	_ =	sdelay $0x1  }
0x40: {  	[sflag:s14] =	ssyncset.done @!p0 $0x0  }
0x41: {  	[sflag:s14] =	ssyncadd.s32 @!p0 $0xFFFFFD80  }
.LBB2_1:
0x42: {  	s11 =	simm.s32 $0x0;
	s12 =	rddreg [dreg:$0x5]  }
0x43: {  	[tilespmem:s11], [sflag:$0x10] =	stream.linear.gather [hbm4b:s12+s11], $0x2800, $0x38;
	[tilespmem:$0x1A800] =	vst v63  }
0x44: {  	_ =	swait.ge [sflag:s21], $0x2800  }
0x45: {  	[sflag:s21] =	ssyncset.done $0x0  }
0x46: {  	s14 =	simm.s32 $0x2800;
	s20 =	rddreg [dreg:$0x6];
	[sflag:s21] =	ssyncadd.s32 $0xFFFFD800  }
0x47: {  	[tilespmem:s14], [sflag:$0x10] =	stream.linear.gather [hbm4b:s20+s11], $0x2800, $0x38;
	[tilespmem:$0x1A800] =	vst v63  }
0x48: {  	_ =	swait.ge [sflag:s21], $0x2800  }
0x49: {  	[sflag:s21] =	ssyncset.done $0x0  }
0x4a: {  	s19 =	simm.s32 $0x0;
	[sflag:s21] =	ssyncadd.s32 $0xFFFFD800  }
0x4b: {  	v4 =	vld [tilespmem:s19+$0x0]  }
0x4c: {  	v5 =	vld [tilespmem:s19+$0x10]  }
0x4d: {  	v7 =	vld [tilespmem:s19+$0x20]  }
0x4e: {  	v6 =	vld [tilespmem:s19+$0x30]  }
0x4f: {  	v3 =	vld [tilespmem:s19+$0x40]  }
0x50: {  	v8 =	vshll.u32 v4, $0x1;
	v4 =	vld [tilespmem:s19+$0x50]  }
0x51: {  	s20 =	simm.s32 $0x200;
	v9 =	vshll.u32 v5, $0x1;
	v5 =	vld [tilespmem:s19+$0x60];
	v8 =	vor.u32 v0, v8  }
.LBB2_2:
0x52: {  	s11 =	sshra.s32 s20, $0x2;
	p1 =	sne.s32 s20, $0x9E00;
	[tilespmem:s19+$0x0] =	vst v8;
	v8 =	vor.u32 v0, v9;
	v7 =	vshll.u32 v7, $0x1;
	v9 =	vld [tilespmem:s19+$0x70]  }
0x53: {  	v10 =	vld [tilespmem:s11+$0x0];
	[tilespmem:s19+$0x10] =	vst v8;
	v7 =	vor.u32 v0, v7;
	v6 =	vshll.u32 v6, $0x1  }
0x54: {  	v11 =	vld [tilespmem:s11+$0x10];
	[tilespmem:s19+$0x20] =	vst v7;
	v6 =	vor.u32 v0, v6;
	v3 =	vshll.u32 v3, $0x1  }
.Ltmp2:
0x55: {  	v7 =	vld [tilespmem:s11+$0x20];
	[tilespmem:s19+$0x30] =	vst v6;
	v3 =	vor.u32 v0, v3;
	v4 =	vshll.u32 v4, $0x1;
	(pc) =	sbr.rel @p1 .LBB2_2-.Ltmp2, $4  }
0x56: {  	v6 =	vld [tilespmem:s11+$0x30];
	[tilespmem:s19+$0x40] =	vst v3;
	v4 =	vor.u32 v0, v4;
	v5 =	vshll.u32 v5, $0x1  }
0x57: {  	v3 =	vld [tilespmem:s11+$0x40];
	[tilespmem:s19+$0x50] =	vst v4;
	v5 =	vor.u32 v0, v5;
	v8 =	vshll.u32 v9, $0x1  }
0x58: {  	v9 =	vshll.u32 v10, $0x1;
	v4 =	vld [tilespmem:s11+$0x50];
	[tilespmem:s19+$0x60] =	vst v5;
	v10 =	vor.u32 v0, v8  }
0x59: {  	s20 =	sadd.s32 $0x200, s20;
	v8 =	vor.u32 v0, v9;
	v9 =	vshll.u32 v11, $0x1;
	v5 =	vld [tilespmem:s11+$0x60];
	[tilespmem:s19+$0x70] =	vst v10;
	s19 =	smov.u32 s11  }
0x5a: {  	[tilespmem:s19+$0x0] =	vst v8;
	v60 =	vor.u32 v0, v9;
	v7 =	vshll.u32 v7, $0x1;
	v61 =	vld [tilespmem:s19+$0x70]  }
0x5b: {  	[tilespmem:s19+$0x10] =	vst v60;
	v7 =	vor.u32 v0, v7;
	v6 =	vshll.u32 v6, $0x1  }
0x5c: {  	[tilespmem:s19+$0x20] =	vst v7;
	v6 =	vor.u32 v0, v6;
	v3 =	vshll.u32 v3, $0x1  }
0x5d: {  	[tilespmem:s19+$0x30] =	vst v6;
	v3 =	vor.u32 v0, v3;
	v4 =	vshll.u32 v4, $0x1  }
0x5e: {  	[tilespmem:s19+$0x40] =	vst v3;
	v3 =	vor.u32 v0, v4;
	v62 =	vshll.u32 v5, $0x1  }
0x5f: {  	[tilespmem:s19+$0x50] =	vst v3;
	v3 =	vor.u32 v0, v62;
	v63 =	vshll.u32 v61, $0x1  }
0x60: {  	[tilespmem:s19+$0x60] =	vst v3;
	v3 =	vor.u32 v0, v63  }
0x61: {  	s20 =	simm.s32 $0x100;
	[tilespmem:s19+$0x70] =	vst v3;
	s19 =	simm.s32 $0x0  }
.LBB2_4:
0x62: {  	p1 =	sne.s32 s20, $0x7F00;
	[tilespmem:s19+$0x5030] =	vst v1;
	s11 =	smov.u32 s20;
	s20 =	sadd.s32 $0x100, s20  }
.Ltmp3:
0x63: {  	[tilespmem:s19+$0x5020] =	vst v1;
	(pc) =	sbr.rel @p1 .LBB2_4-.Ltmp3, $3  }
0x64: {  	[tilespmem:s19+$0x5000] =	vst v1  }
0x65: {  	[tilespmem:s19+$0x5010] =	vst v1;
	_ =	sdelay $0x1  }
0x66: {  	s19 =	sshra.s32 s11, $0x2  }
0x67: {  	[tilespmem:s19+$0x5030] =	vst v1  }
0x68: {  	[tilespmem:s19+$0x5020] =	vst v1  }
0x69: {  	[tilespmem:s19+$0x5000] =	vst v1  }
0x6a: {  	[tilespmem:s19+$0x5010] =	vst v1  }
0x6b: {  	[spmem:s8] =	stream.linear.scatter [tilespmem:s23], [sflag:$0x10], $0x2000, $0x38;
	[tilespmem:$0x1A800] =	vst v63  }
0x6c: {  	_ =	swait.ge [sflag:s21], $0x2000  }
0x6d: {  	[sflag:s21] =	ssyncset.done $0x0  }
0x6e: {  	s11 =	rddreg [dreg:$0x7];
	[sflag:s21] =	ssyncadd.s32 $0xFFFFE000  }
0x6f: {  	[spmem:s11] =	stream.linear.scatter [tilespmem:s23], [sflag:$0x10], $0x2000, $0x38;
	[tilespmem:$0x1A800] =	vst v63  }
0x70: {  	_ =	swait.ge [sflag:s21], $0x2000  }
0x71: {  	[sflag:s21] =	ssyncset.done $0x0  }
0x72: {  	s16 =	rddreg [dreg:$0x8];
	[sflag:s21] =	ssyncadd.s32 $0xFFFFE000  }
0x73: {  	[spmem:s16] =	stream.linear.scatter [tilespmem:s23], [sflag:$0x10], $0x2000, $0x38;
	[tilespmem:$0x1A800] =	vst v63  }
0x74: {  	_ =	swait.ge [sflag:s21], $0x2000  }
0x75: {  	[sflag:s21] =	ssyncset.done $0x0  }
0x76: {  	s19 =	rddreg [dreg:$0x9];
	[sflag:s21] =	ssyncadd.s32 $0xFFFFE000  }
0x77: {  	[spmem:s19] =	stream.linear.scatter [tilespmem:s23], [sflag:$0x10], $0x2000, $0x38;
	[tilespmem:$0x1A800] =	vst v63  }
0x78: {  	_ =	swait.ge [sflag:s21], $0x2000  }
0x79: {  	[sflag:s21] =	ssyncset.done $0x0  }
0x7a: {  	s20 =	rddreg [dreg:$0xa];
	[sflag:s21] =	ssyncadd.s32 $0xFFFFE000  }
0x7b: {  	[spmem:s20] =	stream.linear.scatter [tilespmem:s23], [sflag:$0x10], $0x2000, $0x38;
	[tilespmem:$0x1A800] =	vst v63  }
0x7c: {  	_ =	swait.ge [sflag:s21], $0x2000  }
0x7d: {  	[sflag:s21] =	ssyncset.done $0x0  }
0x7e: {  	s19 =	simm.s32 $0x20;
	s20 =	simm.s32 $0x0;
	[sflag:s21] =	ssyncadd.s32 $0xFFFFE000  }
.LBB2_6:
0x7f: {  	p1 =	sne.s32 s19, $0xFE0;
	[tilespmem:s20+$0x19000] =	vst.msk $0xff, v1;
	s11 =	smov.u32 s19;
	s19 =	sadd.s32 $0x20, s19  }
.Ltmp4:
0x80: {  	(pc) =	sbr.rel @p1 .LBB2_6-.Ltmp4, $2  }
0x81: {  	_ =	sdelay $0x2  }
0x82: {  	s20 =	sshra.s32 s11, $0x2  }
0x83: {  	[tilespmem:s20+$0x19000] =	vst.msk $0xff, v1  }
0x84: {  	[spmem:s13] =	stream.linear.scatter [tilespmem:s24], [sflag:$0x10], $0x400, $0x38;
	[tilespmem:$0x1A800] =	vst v63  }
0x85: {  	_ =	swait.ge [sflag:s21], $0x400  }
0x86: {  	[sflag:s21] =	ssyncset.done $0x0  }
0x87: {  	s11 =	rddreg [dreg:$0xb];
	[sflag:s21] =	ssyncadd.s32 $0xFFFFFC00  }
0x88: {  	[spmem:s11] =	stream.linear.scatter [tilespmem:s24], [sflag:$0x10], $0x400, $0x38;
	[tilespmem:$0x1A800] =	vst v63  }
0x89: {  	_ =	swait.ge [sflag:s21], $0x400  }
0x8a: {  	[sflag:s21] =	ssyncset.done $0x0  }
0x8b: {  	s16 =	rddreg [dreg:$0xc];
	[sflag:s21] =	ssyncadd.s32 $0xFFFFFC00  }
0x8c: {  	[spmem:s16] =	stream.linear.scatter [tilespmem:s24], [sflag:$0x10], $0x400, $0x38;
	[tilespmem:$0x1A800] =	vst v63  }
0x8d: {  	_ =	swait.ge [sflag:s21], $0x400  }
0x8e: {  	[sflag:s21] =	ssyncset.done $0x0  }
0x8f: {  	s19 =	rddreg [dreg:$0xd];
	[sflag:s21] =	ssyncadd.s32 $0xFFFFFC00  }
0x90: {  	[spmem:s19] =	stream.linear.scatter [tilespmem:s24], [sflag:$0x10], $0x400, $0x38;
	[tilespmem:$0x1A800] =	vst v63  }
0x91: {  	_ =	swait.ge [sflag:s21], $0x400  }
0x92: {  	[sflag:s21] =	ssyncset.done $0x0  }
0x93: {  	s20 =	rddreg [dreg:$0xe];
	[sflag:s21] =	ssyncadd.s32 $0xFFFFFC00  }
0x94: {  	[spmem:s20] =	stream.linear.scatter [tilespmem:s24], [sflag:$0x10], $0x400, $0x38;
	[tilespmem:$0x1A800] =	vst v63  }
0x95: {  	_ =	swait.ge [sflag:s21], $0x400  }
0x96: {  	[sflag:s21] =	ssyncset.done $0x0  }
0x97: {  	s19 =	simm.s32 $0x20;
	s20 =	simm.s32 $0x0;
	[sflag:s21] =	ssyncadd.s32 $0xFFFFFC00  }
.LBB2_8:
0x98: {  	p1 =	sne.s32 s19, $0xFE0;
	[tilespmem:s20+$0x19000] =	vst.msk $0xff, v2;
	s11 =	smov.u32 s19;
	s19 =	sadd.s32 $0x20, s19  }
.Ltmp5:
0x99: {  	(pc) =	sbr.rel @p1 .LBB2_8-.Ltmp5, $2  }
0x9a: {  	_ =	sdelay $0x2  }
0x9b: {  	s20 =	sshra.s32 s11, $0x2  }
0x9c: {  	[tilespmem:s20+$0x19000] =	vst.msk $0xff, v2  }
0x9d: {  	s19 =	simm.s32 $0x0;
	[bflag:$0x0] =	sbarrier.arrive $0xFFFF  }
0x9e: {  	[tilespmem:s23], [sflag:$0x1] =	stream.indirect.gather [hbm4b:s5+s25], $0x40, s19, s25, $0xb8;
	[tilespmem:$0x1A800] =	vst v63  }
0x9f: {  	_ = 	snop  }
0xa0: {  	[tilespmem:s26], [sflag:$0x2] =	stream.indirect.gather [hbm4b:s5+s25], $0x40, s25, s25, $0xb8;
	[tilespmem:$0x1A800] =	vst v63  }
0xa1: {  	s11 =	simm.s32 $0x100  }
0xa2: {  	[tilespmem:s29], [sflag:$0x3] =	stream.indirect.gather [hbm4b:s5+s25], $0x40, s11, s25, $0xb8;
	[tilespmem:$0x1A800] =	vst v63  }
0xa3: {  	s20 =	simm.s32 $0x180  }
0xa4: {  	[tilespmem:s31], [sflag:$0x4] =	stream.indirect.gather [hbm4b:s5+s25], $0x40, s20, s25, $0xb8;
	[tilespmem:$0x1A800] =	vst v63  }
.LBB2_10:
0xa5: {  	_ =	swait.ge [sflag:s1], $0x2000  }
0xa6: {  	s20 =	sshra.s32 s19, $0x2;
	p1 =	sne.s32 s19, $0x0;
	[sflag:s1] =	ssyncset.done $0x0  }
0xa7: {  	s11 =	sadd.s32 $0x2800, s20;
	s12 =	simm.s32 @p1 $0xB;
	[sflag:s1] =	ssyncadd.s32 $0xFFFFE000  }
0xa8: {  	[spmem:s2] =	stream.indirect.scatter.add.f32 [tilespmem:s23], [sflag:$0x6], $0x40, s11, s25, $0xb8;
	[tilespmem:$0x1A800] =	vst v63  }
0xa9: {  	_ =	swait.ge @p1 [sflag:s12], $0x400  }
0xaa: {  	[sflag:s12] =	ssyncset.done @p1 $0x0  }
0xab: {  	s14 =	simm.s32 @p1 $0x19000;
	[sflag:s12] =	ssyncadd.s32 @p1 $0xFFFFFC00;
	s12 =	simm.s32 @p1 $0x80  }
0xac: {  	[spmem:s3] =	stream.indirect.scatter.add.f32 @p1 [tilespmem:s14], [sflag:$0xB], $0x8, s11, s12, $0xb8;
	[tilespmem:$0x1A800] =	vst v63  }
0xad: {  	s12 =	simm.s32 @p1 $0xA  }
0xae: {  	_ =	swait.ge @p1 [sflag:s12], $0x2000  }
0xaf: {  	s15 =	simm.s32 @!p1 $0x19000;
	[sflag:s12] =	ssyncset.done @p1 $0x0  }
0xb0: {  	s14 =	simm.s32 @!p1 $0x80;
	[sflag:s12] =	ssyncadd.s32 @p1 $0xFFFFE000;
	s12 =	sadd.s32 @p1 $0x800, s19  }
0xb1: {  	[spmem:s3] =	stream.indirect.scatter.add.f32 @!p1 [tilespmem:s15], [sflag:$0xB], $0x8, s11, s14, $0xb8;
	[tilespmem:$0x1A800] =	vst v63  }
0xb2: {  	s12 =	simm.s32 @!p1 $0x800  }
0xb3: {  	s11 =	sshra.s32 s12, $0x2  }
0xb4: {  	[tilespmem:s22], [sflag:$0x5] =	stream.indirect.gather [hbm4b:s5+s25], $0x40, s11, s25, $0xb8;
	[tilespmem:$0x1A800] =	vst v63  }
0xb5: {  	_ =	swait.ge [sflag:s28], $0x2000  }
0xb6: {  	p1 =	seq.s32 s19, $0x0;
	[sflag:s28] =	ssyncset.done $0x0  }
0xb7: {  	s16 =	sadd.s32 $0x2880, s20;
	s14 =	simm.s32 @!p1 $0xC;
	[sflag:s28] =	ssyncadd.s32 $0xFFFFE000  }
0xb8: {  	[spmem:s2] =	stream.indirect.scatter.add.f32 [tilespmem:s26], [sflag:$0x7], $0x40, s16, s25, $0xb8;
	[tilespmem:$0x1A800] =	vst v63  }
0xb9: {  	_ =	swait.ge @!p1 [sflag:s14], $0x400  }
0xba: {  	[sflag:s14] =	ssyncset.done @!p1 $0x0  }
0xbb: {  	[sflag:s14] =	ssyncadd.s32 @!p1 $0xFFFFFC00  }
0xbc: {  	[spmem:s3] =	stream.indirect.scatter.add.f32 [tilespmem:s24], [sflag:$0xC], $0x8, s16, s25, $0xb8;
	[tilespmem:$0x1A800] =	vst v63  }
0xbd: {  	p2 =	seq.s32 s19, $0x9600;
	_ =	swait.ge [sflag:s30], $0x2000  }
0xbe: {  	s15 =	simm.s32 @!p2 $0x80;
	s12 =	sshra.s32 @!p2 s19, $0x2;
	[sflag:s30] =	ssyncset.done $0x0  }
0xbf: {  	s14 =	sadd.s32 @!p2 $0x280, s12;
	s16 =	simm.s32 @!p2 $0x5000;
	[sflag:s30] =	ssyncadd.s32 $0xFFFFE000  }
0xc0: {  	[tilespmem:s16], [sflag:$0x1] =	stream.indirect.gather @!p2 [hbm4b:s5+s15], $0x40, s14, s15, $0xb8;
	[tilespmem:$0x1A800] =	vst v63  }
0xc1: {  	_ =	swait.ge [sflag:s0], $0x2000  }
0xc2: {  	[sflag:s0] =	ssyncset.done $0x0  }
0xc3: {  	s14 =	sadd.s32 $0x2900, s20;
	s16 =	simm.s32 @!p1 $0xD;
	[sflag:s0] =	ssyncadd.s32 $0xFFFFE000  }
0xc4: {  	[spmem:s2] =	stream.indirect.scatter.add.f32 [tilespmem:s29], [sflag:$0x8], $0x40, s14, s25, $0xb8;
	[tilespmem:$0x1A800] =	vst v63  }
0xc5: {  	_ =	swait.ge @!p1 [sflag:s16], $0x400  }
0xc6: {  	[sflag:s16] =	ssyncset.done @!p1 $0x0  }
0xc7: {  	[sflag:s16] =	ssyncadd.s32 @!p1 $0xFFFFFC00  }
0xc8: {  	[spmem:s3] =	stream.indirect.scatter.add.f32 [tilespmem:s24], [sflag:$0xD], $0x8, s14, s25, $0xb8;
	[tilespmem:$0x1A800] =	vst v63  }
0xc9: {  	_ =	swait.ge [sflag:s4], $0x2000  }
0xca: {  	[sflag:s4] =	ssyncset.done $0x0  }
0xcb: {  	s16 =	simm.s32 @!p2 $0x7000;
	s14 =	sadd.s32 @!p2 $0x300, s12;
	[sflag:s4] =	ssyncadd.s32 $0xFFFFE000  }
0xcc: {  	[tilespmem:s16], [sflag:$0x2] =	stream.indirect.gather @!p2 [hbm4b:s5+s15], $0x40, s14, s15, $0xb8;
	[tilespmem:$0x1A800] =	vst v63  }
0xcd: {  	_ =	swait.ge [sflag:s7], $0x2000  }
0xce: {  	[sflag:s7] =	ssyncset.done $0x0  }
0xcf: {  	s14 =	sadd.s32 $0x2980, s20;
	s16 =	simm.s32 @!p1 $0xE;
	[sflag:s7] =	ssyncadd.s32 $0xFFFFE000  }
0xd0: {  	[spmem:s2] =	stream.indirect.scatter.add.f32 [tilespmem:s31], [sflag:$0x9], $0x40, s14, s25, $0xb8;
	[tilespmem:$0x1A800] =	vst v63  }
0xd1: {  	_ =	swait.ge @!p1 [sflag:s16], $0x400  }
0xd2: {  	[sflag:s16] =	ssyncset.done @!p1 $0x0  }
0xd3: {  	[sflag:s16] =	ssyncadd.s32 @!p1 $0xFFFFFC00  }
0xd4: {  	[spmem:s3] =	stream.indirect.scatter.add.f32 [tilespmem:s24], [sflag:$0xE], $0x8, s14, s25, $0xb8;
	[tilespmem:$0x1A800] =	vst v63  }
0xd5: {  	_ =	swait.ge [sflag:s9], $0x2000  }
0xd6: {  	[sflag:s9] =	ssyncset.done $0x0  }
0xd7: {  	s12 =	sadd.s32 @!p2 $0x380, s12;
	s14 =	simm.s32 @!p2 $0x9000;
	[sflag:s9] =	ssyncadd.s32 $0xFFFFE000  }
0xd8: {  	[tilespmem:s14], [sflag:$0x3] =	stream.indirect.gather @!p2 [hbm4b:s5+s15], $0x40, s12, s15, $0xb8;
	[tilespmem:$0x1A800] =	vst v63  }
0xd9: {  	_ =	swait.ge [sflag:s6], $0x2000  }
0xda: {  	[sflag:s6] =	ssyncset.done $0x0  }
0xdb: {  	s11 =	sadd.s32 $0x2800, s11;
	s12 =	simm.s32 @!p1 $0xF;
	[sflag:s6] =	ssyncadd.s32 $0xFFFFE000  }
0xdc: {  	[spmem:s2] =	stream.indirect.scatter.add.f32 [tilespmem:s22], [sflag:$0xA], $0x40, s11, s25, $0xb8;
	[tilespmem:$0x1A800] =	vst v63  }
0xdd: {  	_ =	swait.ge @!p1 [sflag:s12], $0x400  }
0xde: {  	[sflag:s12] =	ssyncset.done @!p1 $0x0  }
.Ltmp6:
0xdf: {  	[sflag:s12] =	ssyncadd.s32 @!p1 $0xFFFFFC00;
	(pc) =	sbr.rel @p2 .LBB2_12-.Ltmp6, $4  }
0xe0: {  	[spmem:s3] =	stream.indirect.scatter.add.f32 [tilespmem:s24], [sflag:$0xF], $0x8, s11, s25, $0xb8;
	[tilespmem:$0x1A800] =	vst v63  }
0xe1: {  	_ =	swait.ge [sflag:s10], $0x2000  }
0xe2: {  	[sflag:s10] =	ssyncset.done $0x0  }
0xe3: {  	[sflag:s10] =	ssyncadd.s32 $0xFFFFE000  }
.Ltmp7:
0xe4: {  	(pc) =	sbr.rel .LBB2_10-.Ltmp7, $3  }
0xe5: {  	_ =	sdelay $0x1  }
0xe6: {  	s11 =	sadd.s32 $0x400, s20;
	s19 =	sadd.s32 $0xA00, s19  }
0xe7: {  	[tilespmem:s31], [sflag:$0x4] =	stream.indirect.gather [hbm4b:s5+s25], $0x40, s11, s25, $0xb8;
	[tilespmem:$0x1A800] =	vst v63  }
.LBB2_13:
0xe8: {  	_ =	sfence.sel $0x180000  }
0xe9: {  	[bflag:$0x0] =	sbarrier.arrive $0xFFFF  }
0xea: {  	_ =	strace $0x90000047  }
0xeb: {  	s0 =	stileid.u32;
	[bflag:$0x2] =	sbarrier.arrive $0xFFFF  }
0xec: {  	p0 =	sne.s32 s0, $0x0;
	s0 =	rddreg [dreg:$0x4]  }
0xed: {  	s0 =	sadd.s32 @!p0 $0x100000, s0  }
0xee: {  	[sflag:s0] =	ssyncadd.tile.s32 @!p0 $0x1;
	_ =	shalt  }
.Lfunc_end2:
_tile_overlayer_lowered:
.L_overlay_start_2:
0xef: {  	(tag) =	ssettag $0x2  }
0xf0: {  	s0 =	rddreg [dreg:$0x0];
	s2 =	stileid.u32  }
0xf1: {  	s1 =	rddreg [dreg:$0x1];
	p0 =	sne.s32 s2, $0x0  }
0xf2: {  	s3 =	rddreg [dreg:$0x2];
	[bflag:$0x3] =	sbarrier.arrive $0xFFFF;
	s2 =	simm.s32 @!p0 $0x1C10  }
0xf3: {  	[timem:s3], [sflag:s2] =	dma.local @!p0 [hbm:s0], s1  }
0xf4: {  	s0 =	simm.s32 @!p0 $0x10  }
0xf5: {  	_ =	swait.ge @!p0 [sflag:s0], s1  }
0xf6: {  	s1 =	ssub.s32 @!p0 $0x0, s1;
	[sflag:s0] =	ssyncset.done @!p0 $0x0  }
0xf7: {  	[sflag:s0] =	ssyncadd.s32 @!p0 s1  }
0xf8: {  	[bflag:$0x3] =	sbarrier.arrive $0xFFFF  }
0xf9: {  	_ =	shalt  }

</sc_bundles>
